<compile_context>
chip_gen: v7x
topology: tpu7x:2x2x1
jax: 0.10.2.dev20260603
libtpu: 0.0.44.dev20260713+nightly
codegen_flags: <defaults>
</compile_context>

<pallas_src>
import functools

import jax
import jax.numpy as jnp
from jax import lax
from jax.experimental import pallas as pl
from jax.experimental.pallas import tpu as pltpu
from jax.experimental.pallas import tpu_sc as plsc

B, N, D = 64, 32768, 64
TOPK = 25
L = 4096
NT = N // L
BLK = 128
NBLK = N // BLK
BPT = L // BLK
MPAD = 128
NMP = NT * MPAD
NGATH = 32

_PREC = jax.lax.Precision.HIGHEST


def _scores(q_ref, kt_ref):
    q = q_ref[...]
    qn = q / jnp.maximum(jnp.sqrt(jnp.sum(q * q, axis=-1, keepdims=True)), 1e-12)
    na = jnp.maximum(jnp.sqrt(jnp.sum(qn * qn, axis=-1, keepdims=True)), 1e-8)
    kt = kt_ref[...]
    rnrm = 1.0 / jnp.sqrt(jnp.sum(kt * kt, axis=0, keepdims=True))
    raw = lax.dot_general(qn, kt, (((1,), (0,)), ((), ())),
                          precision=_PREC, preferred_element_type=jnp.float32)
    s = raw * (1.0 / na) * rnrm
    return jnp.clip(s, 0.0, 1.0)


def _tc_dense_body(q1_ref, k1_ref, q2_ref, k2_ref, temp_ref, att_ref, mb_ref,
                   s1_s, s2_s, z_s):
    p = pl.program_id(0)
    t = pl.program_id(1)

    @pl.when(p == 0)
    def _phase_scores():
        e1 = jnp.exp(_scores(q1_ref, k1_ref) - 1.0)
        e2 = jnp.exp(_scores(q2_ref, k2_ref) - 1.0)
        s1_s[:, pl.ds(t * L, L)] = e1
        s2_s[:, pl.ds(t * L, L)] = e2

        @pl.when(t == 0)
        def _():
            z_s[...] = jnp.zeros_like(z_s)

        z_s[:, 0:1] = z_s[:, 0:1] + jnp.sum(e1, axis=-1, keepdims=True)
        z_s[:, 1:2] = z_s[:, 1:2] + jnp.sum(e2, axis=-1, keepdims=True)

    @pl.when(p == 1)
    def _phase_att():
        a = 1.0 / (1.0 + jnp.exp(-temp_ref[0, 0]))
        p1 = s1_s[:, pl.ds(t * L, L)] * (1.0 / z_s[:, 0:1])
        p2 = s2_s[:, pl.ds(t * L, L)] * (1.0 / z_s[:, 1:2])
        att = a * p1 + (1.0 - a) * p2
        att_ref[...] = att
        mx = jnp.max(att.reshape(B, BPT, BLK), axis=-1)
        pad = jnp.full((B, MPAD - BPT), -1.0, jnp.float32)
        mb_ref[:, pl.ds(t * MPAD, MPAD)] = jnp.concatenate([mx, pad], axis=1)


def _tc_dense(q1, k1, q2, k2, temp):
    return pl.pallas_call(
        _tc_dense_body,
        grid=(2, NT),
        in_specs=[
            pl.BlockSpec((B, D), lambda p, t: (0, 0)),
            pl.BlockSpec((D, L), lambda p, t: (0, jnp.where(p == 0, t, 0))),
            pl.BlockSpec((B, D), lambda p, t: (0, 0)),
            pl.BlockSpec((D, L), lambda p, t: (0, jnp.where(p == 0, t, 0))),
            pl.BlockSpec((1, 1), lambda p, t: (0, 0)),
        ],
        out_specs=[
            pl.BlockSpec((B, L), lambda p, t: (0, jnp.where(p == 1, t, 0))),
            pl.BlockSpec((B, NMP), lambda p, t: (0, 0)),
        ],
        out_shape=[
            jax.ShapeDtypeStruct((B, N), jnp.float32),
            jax.ShapeDtypeStruct((B, NMP), jnp.float32),
        ],
        scratch_shapes=[
            pltpu.VMEM((B, N), jnp.float32),
            pltpu.VMEM((B, N), jnp.float32),
            pltpu.VMEM((B, 128), jnp.float32),
        ],
    )(q1, k1, q2, k2, temp.reshape(1, 1))


def _sc_topk_body(mb_hbm, attr_hbm, thr_hbm, mrow_v, g_v, idx_v, cand_v,
                  comp_v, out_v, sem):
    cid = lax.axis_index("c")
    sid = lax.axis_index("s")
    wid = sid * 2 + cid
    lane = lax.iota(jnp.int32, 16)
    NV = NMP // 16
    NG = NV // 16

    for r in range(2):
        b = wid * 2 + r
        pltpu.sync_copy(mb_hbm.at[b], mrow_v)

        def gbuild(j4, _):
            gvec = jnp.full((16,), -1.0, jnp.float32)
            for jj in range(16):
                mj = jnp.max(mrow_v[pl.ds(j4 * 256 + jj * 16, 16)])
                gvec = jnp.where(lane == jj, mj, gvec)
            g_v[pl.ds(j4 * 16, 16)] = gvec
            return 0

        lax.fori_loop(0, NG, gbuild, 0)

        def ext_step(i, carry):
            idx0, idx1, rowmax, t0 = carry
            g = [g_v[pl.ds(j4 * 16, 16)] for j4 in range(NG)]
            mx = g[0]
            for j4 in range(1, NG):
                mx = jnp.maximum(mx, g[j4])
            m = jnp.max(mx)
            gid = jnp.full((16,), -1, jnp.int32)
            for j4 in range(NG):
                gid = jnp.maximum(gid, jnp.where(g[j4] == m, lane + j4 * 16, -1))
            jstar = jnp.max(gid)
            v = mrow_v[pl.ds(jstar * 16, 16)]
            li = jnp.max(jnp.where(v == m, lane, -1))
            pos = jstar * 16 + li
            bid = (pos >> 7) * BPT + (pos & 127)
            v2 = jnp.where(v == m, -1.0, v)
            mrow_v[pl.ds(jstar * 16, 16)] = v2
            gnew = jnp.max(v2)
            for j4 in range(NG):
                gj = g_v[pl.ds(j4 * 16, 16)]
                g_v[pl.ds(j4 * 16, 16)] = jnp.where(
                    lane + j4 * 16 == jstar, gnew, gj)
            idx0 = jnp.where(lane == i, bid, idx0)
            idx1 = jnp.where(lane == i - 16, bid, idx1)
            rowmax = jnp.where(i == 0, m, rowmax)
            t0 = jnp.where(i == TOPK - 1, m, t0)
            return (idx0, idx1, rowmax, t0)

        zi = jnp.zeros((16,), jnp.int32)
        idx0, idx1, rowmax, t0 = lax.fori_loop(
            0, NGATH, ext_step, (zi, zi, 0.0, 0.0))

        idx_v[pl.ds(0, 16)] = idx0 + b * NBLK
        idx_v[pl.ds(16, 16)] = idx1 + b * NBLK

        pltpu.async_copy(attr_hbm.at[idx_v], cand_v, sem).wait()

        def comp_step(j, off):
            for l in range(BLK // 16):
                v = cand_v[j, pl.ds(l * 16, 16)]
                msk = v >= t0
                plsc.store_compressed(comp_v.at[pl.ds(off, 16)], v, mask=msk)
                cnt = plsc.all_reduce_population_count(msk)
                off = off + cnt[0]
            return off

        off = lax.fori_loop(0, TOPK, comp_step, jnp.int32(0))
        comp_v[pl.ds(off, 16)] = jnp.full((16,), -1.0, jnp.float32)
        nv = (off + 15) >> 4

        def chain_step(i, tprev):
            def scan_vreg(j, acc):
                v = comp_v[pl.ds(j * 16, 16)]
                return jnp.maximum(acc, jnp.where(v < tprev, v, -1.0))

            acc = lax.fori_loop(0, nv, scan_vreg,
                                jnp.full((16,), -1.0, jnp.float32))
            return jnp.max(acc)

        t25 = lax.fori_loop(0, TOPK - 1, chain_step, rowmax)

        vec = jnp.where(lane == 0, t25, jnp.where(lane == 1, rowmax, 0.0))
        out_v[r, :] = vec

    pltpu.sync_copy(out_v, thr_hbm.at[pl.ds(wid * 2, 2)])


def _sc_topk(mb, attr):
    mesh = plsc.VectorSubcoreMesh(core_axis_name="c", subcore_axis_name="s")
    f = functools.partial(
        pl.kernel,
        mesh=mesh,
        compiler_params=pltpu.CompilerParams(needs_layout_passes=False),
        out_type=jax.ShapeDtypeStruct((B, 16), jnp.float32),
        scratch_types=[
            pltpu.VMEM((NMP,), jnp.float32),
            pltpu.VMEM((NMP // 16,), jnp.float32),
            pltpu.VMEM((NGATH,), jnp.int32),
            pltpu.VMEM((NGATH, BLK), jnp.float32),
            pltpu.VMEM((NGATH * BLK + 16,), jnp.float32),
            pltpu.VMEM((2, 16), jnp.float32),
            pltpu.SemaphoreType.DMA,
        ],
    )(_sc_topk_body)
    return f(mb, attr)


def _tc_mask_body(att_ref, thr_ref, out_ref):
    att = att_ref[...]
    t25 = thr_ref[:, 0:1]
    rowmax = thr_ref[:, 1:2]
    sel = (att >= t25).astype(jnp.float32)
    colmask = jnp.max(sel, axis=0, keepdims=True)
    topmask = jnp.max((att == rowmax).astype(jnp.float32), axis=0, keepdims=True)
    out_ref[...] = jnp.where((colmask > 0.0) & (topmask == 0.0), att, 0.0)


L2 = 8192


def _tc_mask(att, thr):
    return pl.pallas_call(
        _tc_mask_body,
        grid=(N // L2,),
        in_specs=[
            pl.BlockSpec((B, L2), lambda t: (0, t)),
            pl.BlockSpec((B, 16), lambda t: (0, 0)),
        ],
        out_specs=pl.BlockSpec((B, L2), lambda t: (0, t)),
        out_shape=jax.ShapeDtypeStruct((B, N), jnp.float32),
    )(att, thr)


@jax.jit
def kernel(q1, k1, q2, k2, temp):
    att, mb = _tc_dense(q1, k1.T, q2, k2.T, temp)
    thr = _sc_topk(mb, att.reshape(B * NBLK, BLK))
    return _tc_mask(att, thr)

# --- scband reference (transcript-rebuilt; emitter-appended) ---
"""Pipeline reference for scband-no-brain-encoder-block-25555055411290 (READ-ONLY COPY).

The authoritative reference and input builder live on the scoring server;
editing this copy changes nothing except your own understanding.
"""

import jax, jax.numpy as jnp
import numpy as np

B, N, D = 64, 32768, 64
TOP_K = 25  # training mode, skip_self=True


def _l2_normalize(x, eps=1e-12):
    n = jnp.linalg.norm(x, ord=2, axis=-1, keepdims=True)
    return x / jnp.maximum(n, eps)


def _cosine_similarity(a, b, eps=1e-8):
    num = jnp.sum(a * b, axis=-1)
    na = jnp.maximum(jnp.linalg.norm(a, ord=2, axis=-1), eps)
    nb = jnp.maximum(jnp.linalg.norm(b, ord=2, axis=-1), eps)
    return num / (na * nb)


def setup_inputs(seed: int = 0) -> dict:
    key = jax.random.key(seed)
    kq1, kk1, kq2, kk2 = jax.random.split(key, 4)
    q1 = jax.random.normal(kq1, (B, D), dtype=jnp.float32)
    k1 = jax.random.normal(kk1, (N, D), dtype=jnp.float32)
    q2 = jax.random.normal(kq2, (B, D), dtype=jnp.float32)
    k2 = jax.random.normal(kk2, (N, D), dtype=jnp.float32)
    # learned parameter from __init__
    temp = -0.4054 * jnp.ones((1,), dtype=jnp.float32)
    return {"q1": q1, "k1": k1, "q2": q2, "k2": k2, "temp": temp}


def _topk_group(score_vector):
    # training branch: skip_self=True, top_k=25
    k = min(TOP_K, score_vector.shape[-1])
    _, top_k_indices = jax.lax.top_k(score_vector, k)
    self_top = jnp.argmax(score_vector, axis=-1)
    # torch .squeeze(0) is a no-op here since B != 1
    mask = jnp.zeros((score_vector.shape[-1],), dtype=score_vector.dtype)
    mask = mask.at[top_k_indices.reshape(-1)].set(1.0)
    mask = mask.at[self_top].set(0.0)  # skip_self
    mask = mask[None, :]
    return score_vector * mask


def reference(q1, k1, q2, k2, temp):
    a = jax.nn.sigmoid(temp)  # shape [1], broadcasts
    q1 = _l2_normalize(q1)
    k1 = _l2_normalize(k1)
    q2 = _l2_normalize(q2)
    k2 = _l2_normalize(k2)
    scores1 = _cosine_similarity(q1[:, None, :], k1[None, :, :])
    scores1 = jnp.clip(scores1, 0.0, 1.0)
    scores2 = _cosine_similarity(q2[:, None, :], k2[None, :, :])
    scores2 = jnp.clip(scores2, 0.0, 1.0)
    attention1 = jax.nn.softmax(scores1, axis=-1)
    attention2 = jax.nn.softmax(scores2, axis=-1)
    attention = attention1 * a + (1.0 - a) * attention2
    attention = _topk_group(attention)
    return attention

if __name__ == "__main__":
    import jax
    _d = setup_inputs()
    print(jax.jit(kernel)(*tuple(_d.values())))

</pallas_src>

<mosaic_0001>
#map = affine_map<(d0, d1) -> (0, 0)>
module attributes {stable_mosaic.version = 14 : i64} {
  func.func @_sc_topk_body(%arg0: i32, %arg1: i32, %arg2: memref<64x1024xf32, #tpu.memory_space<hbm>>, %arg3: memref<16384x128xf32, #tpu.memory_space<hbm>>, %arg4: memref<64x16xf32, #tpu.memory_space<hbm>>, %arg5: memref<1024xf32, #tpu.memory_space<vmem>>, %arg6: memref<64xf32, #tpu.memory_space<vmem>>, %arg7: memref<32xi32, #tpu.memory_space<vmem>>, %arg8: memref<32x128xf32, #tpu.memory_space<vmem>>, %arg9: memref<4112xf32, #tpu.memory_space<vmem>>, %arg10: memref<2x16xf32, #tpu.memory_space<vmem>>, %arg11: memref<!tpu.dma_semaphore, #tpu.memory_space<semaphore_mem>>) attributes {dimension_semantics = [#tpu.dimension_semantics<core_parallel>, #tpu.dimension_semantics<subcore_parallel>], iteration_bounds = array<i64: 2, 16>, scalar_prefetch = 0 : i64, scratch_operands = 7 : i64, tpu.core_type = #tpu.core_type<sc_vector_subcore>, window_params = [{transform_indices = #map}, {transform_indices = #map}, {transform_indices = #map}]} {
    %mul3A = arith.constant 2 : i32
    %mul3A_0 = arith.muli %arg1, %mul3A : i32
    %add3A = arith.addi %mul3A_0, %arg0 : i32
    %iota3A = tpu.iota {dimensions = array<i32: 0>} : vector<16xi32>
    %mul3A_1 = arith.constant 2 : i32
    %mul3A_2 = arith.muli %add3A, %mul3A_1 : i32
    %add3A_3 = arith.constant 0 : i32
    %add3A_4 = arith.addi %mul3A_2, %add3A_3 : i32
    "tpu.region"() ({
      %run_scoped3A = tpu.sem_alloc : memref<!tpu.dma_semaphore, #tpu.memory_space<semaphore_mem>>
      %dma_start3A_146 = arith.constant 0 : i32
      %dma_start3A_147 = tpu.memref_slice %arg2[%add3A_4, %dma_start3A_146] : memref<64x1024xf32, #tpu.memory_space<hbm>> -> memref<1x1024xf32, #tpu.memory_space<hbm>>
      %dma_start3A_148 = tpu.memref_squeeze %dma_start3A_147 : memref<1x1024xf32, #tpu.memory_space<hbm>> -> memref<1024xf32, #tpu.memory_space<hbm>>
      %dma_start3A_149 = arith.constant 0 : i32
      %dma_start3A_150 = tpu.memref_slice %arg2[%add3A_4, %dma_start3A_149] : memref<64x1024xf32, #tpu.memory_space<hbm>> -> memref<1x1024xf32, #tpu.memory_space<hbm>>
      %dma_start3A_151 = tpu.memref_squeeze %dma_start3A_150 : memref<1x1024xf32, #tpu.memory_space<hbm>> -> memref<1024xf32, #tpu.memory_space<hbm>>
      tpu.enqueue_dma source(%dma_start3A_151 : memref<1024xf32, #tpu.memory_space<hbm>>) target(%arg5 : memref<1024xf32, #tpu.memory_space<vmem>>) target_semaphore(%run_scoped3A : memref<!tpu.dma_semaphore, #tpu.memory_space<semaphore_mem>>)
      %dma_wait3A_152 = arith.constant 0 : i32
      %dma_wait3A_153 = tpu.memref_slice %arg2[%add3A_4, %dma_wait3A_152] : memref<64x1024xf32, #tpu.memory_space<hbm>> -> memref<1x1024xf32, #tpu.memory_space<hbm>>
      %dma_wait3A_154 = tpu.memref_squeeze %dma_wait3A_153 : memref<1x1024xf32, #tpu.memory_space<hbm>> -> memref<1024xf32, #tpu.memory_space<hbm>>
      %dma_wait3A_155 = arith.constant 0 : i32
      %dma_wait3A_156 = tpu.memref_slice %arg2[%add3A_4, %dma_wait3A_155] : memref<64x1024xf32, #tpu.memory_space<hbm>> -> memref<1x1024xf32, #tpu.memory_space<hbm>>
      %dma_wait3A_157 = tpu.memref_squeeze %dma_wait3A_156 : memref<1x1024xf32, #tpu.memory_space<hbm>> -> memref<1024xf32, #tpu.memory_space<hbm>>
      tpu.wait_dma2 semaphore(%run_scoped3A : memref<!tpu.dma_semaphore, #tpu.memory_space<semaphore_mem>>) src(%dma_wait3A_157 : memref<1024xf32, #tpu.memory_space<hbm>>) dst(%arg5 : memref<1024xf32, #tpu.memory_space<vmem>>)
      tpu.yield
    }) : () -> ()
    %scan3A = arith.constant 0 : i32
    %scan3A_5 = arith.constant 0 : i32
    %scan3A_6 = arith.constant 4 : i32
    %scan3A_7 = arith.addi %scan3A_5, %scan3A_6 : i32
    %scan3A_8 = arith.constant 1 : i32
    %scan3A_9 = scf.for %scan3A_146 = %scan3A_5 to %scan3A_7 step %scan3A_8 iter_args(%scan3A_147 = %scan3A) -> (i32)  : i32 {
      %broadcast_in_dim3A_148 = arith.constant -1.000000e+00 : f32
      %broadcast_in_dim3A_149 = vector.broadcast %broadcast_in_dim3A_148 : f32 to vector<16xf32>
      %mul3A_150 = arith.constant 256 : i32
      %mul3A_151 = arith.muli %scan3A_146, %mul3A_150 : i32
      %add3A_152 = arith.constant 0 : i32
      %add3A_153 = arith.addi %mul3A_151, %add3A_152 : i32
      %get3A = arith.index_cast %add3A_153 : i32 to index
      %get3A_154 = tpu.vector_load %arg5[%get3A] {strides = array<i32>} : memref<1024xf32, #tpu.memory_space<vmem>>, vector<16xf32>,
      %reduce_max3A = arith.constant true
      %reduce_max3A_155 = vector.broadcast %reduce_max3A : i1 to vector<16xi1>
      %reduce_max3A_156 = tpu.scan <max>, %get3A_154 masked %reduce_max3A_155 : vector<16xf32>, vector<16xi1> -> vector<16xf32>
      %reduce_max3A_157 = vector.extract %reduce_max3A_156[15] : f32 from vector<16xf32>
      %eq3A_158 = arith.constant 0 : i32
      %eq3A_159 = vector.broadcast %eq3A_158 : i32 to vector<16xi32>
      %eq3A_160 = arith.cmpi eq, %iota3A, %eq3A_159 : vector<16xi32>
      %broadcast_in_dim3A_161 = vector.broadcast %reduce_max3A_157 : f32 to vector<16xf32>
      %select_n3A_162 = arith.select %eq3A_160, %broadcast_in_dim3A_161, %broadcast_in_dim3A_149 : vector<16xi1>, vector<16xf32>
      %mul3A_163 = arith.constant 256 : i32
      %mul3A_164 = arith.muli %scan3A_146, %mul3A_163 : i32
      %add3A_165 = arith.constant 16 : i32
      %add3A_166 = arith.addi %mul3A_164, %add3A_165 : i32
      %get3A_167 = arith.index_cast %add3A_166 : i32 to index
      %get3A_168 = tpu.vector_load %arg5[%get3A_167] {strides = array<i32>} : memref<1024xf32, #tpu.memory_space<vmem>>, vector<16xf32>,
      %reduce_max3A_169 = arith.constant true
      %reduce_max3A_170 = vector.broadcast %reduce_max3A_169 : i1 to vector<16xi1>
      %reduce_max3A_171 = tpu.scan <max>, %get3A_168 masked %reduce_max3A_170 : vector<16xf32>, vector<16xi1> -> vector<16xf32>
      %reduce_max3A_172 = vector.extract %reduce_max3A_171[15] : f32 from vector<16xf32>
      %eq3A_173 = arith.constant 1 : i32
      %eq3A_174 = vector.broadcast %eq3A_173 : i32 to vector<16xi32>
      %eq3A_175 = arith.cmpi eq, %iota3A, %eq3A_174 : vector<16xi32>
      %broadcast_in_dim3A_176 = vector.broadcast %reduce_max3A_172 : f32 to vector<16xf32>
      %select_n3A_177 = arith.select %eq3A_175, %broadcast_in_dim3A_176, %select_n3A_162 : vector<16xi1>, vector<16xf32>
      %mul3A_178 = arith.constant 256 : i32
      %mul3A_179 = arith.muli %scan3A_146, %mul3A_178 : i32
      %add3A_180 = arith.constant 32 : i32
      %add3A_181 = arith.addi %mul3A_179, %add3A_180 : i32
      %get3A_182 = arith.index_cast %add3A_181 : i32 to index
      %get3A_183 = tpu.vector_load %arg5[%get3A_182] {strides = array<i32>} : memref<1024xf32, #tpu.memory_space<vmem>>, vector<16xf32>,
      %reduce_max3A_184 = arith.constant true
      %reduce_max3A_185 = vector.broadcast %reduce_max3A_184 : i1 to vector<16xi1>
      %reduce_max3A_186 = tpu.scan <max>, %get3A_183 masked %reduce_max3A_185 : vector<16xf32>, vector<16xi1> -> vector<16xf32>
      %reduce_max3A_187 = vector.extract %reduce_max3A_186[15] : f32 from vector<16xf32>
      %eq3A_188 = arith.constant 2 : i32
      %eq3A_189 = vector.broadcast %eq3A_188 : i32 to vector<16xi32>
      %eq3A_190 = arith.cmpi eq, %iota3A, %eq3A_189 : vector<16xi32>
      %broadcast_in_dim3A_191 = vector.broadcast %reduce_max3A_187 : f32 to vector<16xf32>
      %select_n3A_192 = arith.select %eq3A_190, %broadcast_in_dim3A_191, %select_n3A_177 : vector<16xi1>, vector<16xf32>
      %mul3A_193 = arith.constant 256 : i32
      %mul3A_194 = arith.muli %scan3A_146, %mul3A_193 : i32
      %add3A_195 = arith.constant 48 : i32
      %add3A_196 = arith.addi %mul3A_194, %add3A_195 : i32
      %get3A_197 = arith.index_cast %add3A_196 : i32 to index
      %get3A_198 = tpu.vector_load %arg5[%get3A_197] {strides = array<i32>} : memref<1024xf32, #tpu.memory_space<vmem>>, vector<16xf32>,
      %reduce_max3A_199 = arith.constant true
      %reduce_max3A_200 = vector.broadcast %reduce_max3A_199 : i1 to vector<16xi1>
      %reduce_max3A_201 = tpu.scan <max>, %get3A_198 masked %reduce_max3A_200 : vector<16xf32>, vector<16xi1> -> vector<16xf32>
      %reduce_max3A_202 = vector.extract %reduce_max3A_201[15] : f32 from vector<16xf32>
      %eq3A_203 = arith.constant 3 : i32
      %eq3A_204 = vector.broadcast %eq3A_203 : i32 to vector<16xi32>
      %eq3A_205 = arith.cmpi eq, %iota3A, %eq3A_204 : vector<16xi32>
      %broadcast_in_dim3A_206 = vector.broadcast %reduce_max3A_202 : f32 to vector<16xf32>
      %select_n3A_207 = arith.select %eq3A_205, %broadcast_in_dim3A_206, %select_n3A_192 : vector<16xi1>, vector<16xf32>
      %mul3A_208 = arith.constant 256 : i32
      %mul3A_209 = arith.muli %scan3A_146, %mul3A_208 : i32
      %add3A_210 = arith.constant 64 : i32
      %add3A_211 = arith.addi %mul3A_209, %add3A_210 : i32
      %get3A_212 = arith.index_cast %add3A_211 : i32 to index
      %get3A_213 = tpu.vector_load %arg5[%get3A_212] {strides = array<i32>} : memref<1024xf32, #tpu.memory_space<vmem>>, vector<16xf32>,
      %reduce_max3A_214 = arith.constant true
      %reduce_max3A_215 = vector.broadcast %reduce_max3A_214 : i1 to vector<16xi1>
      %reduce_max3A_216 = tpu.scan <max>, %get3A_213 masked %reduce_max3A_215 : vector<16xf32>, vector<16xi1> -> vector<16xf32>
      %reduce_max3A_217 = vector.extract %reduce_max3A_216[15] : f32 from vector<16xf32>
      %eq3A_218 = arith.constant 4 : i32
      %eq3A_219 = vector.broadcast %eq3A_218 : i32 to vector<16xi32>
      %eq3A_220 = arith.cmpi eq, %iota3A, %eq3A_219 : vector<16xi32>
      %broadcast_in_dim3A_221 = vector.broadcast %reduce_max3A_217 : f32 to vector<16xf32>
      %select_n3A_222 = arith.select %eq3A_220, %broadcast_in_dim3A_221, %select_n3A_207 : vector<16xi1>, vector<16xf32>
      %mul3A_223 = arith.constant 256 : i32
      %mul3A_224 = arith.muli %scan3A_146, %mul3A_223 : i32
      %add3A_225 = arith.constant 80 : i32
      %add3A_226 = arith.addi %mul3A_224, %add3A_225 : i32
      %get3A_227 = arith.index_cast %add3A_226 : i32 to index
      %get3A_228 = tpu.vector_load %arg5[%get3A_227] {strides = array<i32>} : memref<1024xf32, #tpu.memory_space<vmem>>, vector<16xf32>,
      %reduce_max3A_229 = arith.constant true
      %reduce_max3A_230 = vector.broadcast %reduce_max3A_229 : i1 to vector<16xi1>
      %reduce_max3A_231 = tpu.scan <max>, %get3A_228 masked %reduce_max3A_230 : vector<16xf32>, vector<16xi1> -> vector<16xf32>
      %reduce_max3A_232 = vector.extract %reduce_max3A_231[15] : f32 from vector<16xf32>
      %eq3A_233 = arith.constant 5 : i32
      %eq3A_234 = vector.broadcast %eq3A_233 : i32 to vector<16xi32>
      %eq3A_235 = arith.cmpi eq, %iota3A, %eq3A_234 : vector<16xi32>
      %broadcast_in_dim3A_236 = vector.broadcast %reduce_max3A_232 : f32 to vector<16xf32>
      %select_n3A_237 = arith.select %eq3A_235, %broadcast_in_dim3A_236, %select_n3A_222 : vector<16xi1>, vector<16xf32>
      %mul3A_238 = arith.constant 256 : i32
      %mul3A_239 = arith.muli %scan3A_146, %mul3A_238 : i32
      %add3A_240 = arith.constant 96 : i32
      %add3A_241 = arith.addi %mul3A_239, %add3A_240 : i32
      %get3A_242 = arith.index_cast %add3A_241 : i32 to index
      %get3A_243 = tpu.vector_load %arg5[%get3A_242] {strides = array<i32>} : memref<1024xf32, #tpu.memory_space<vmem>>, vector<16xf32>,
      %reduce_max3A_244 = arith.constant true
      %reduce_max3A_245 = vector.broadcast %reduce_max3A_244 : i1 to vector<16xi1>
      %reduce_max3A_246 = tpu.scan <max>, %get3A_243 masked %reduce_max3A_245 : vector<16xf32>, vector<16xi1> -> vector<16xf32>
      %reduce_max3A_247 = vector.extract %reduce_max3A_246[15] : f32 from vector<16xf32>
      %eq3A_248 = arith.constant 6 : i32
      %eq3A_249 = vector.broadcast %eq3A_248 : i32 to vector<16xi32>
      %eq3A_250 = arith.cmpi eq, %iota3A, %eq3A_249 : vector<16xi32>
      %broadcast_in_dim3A_251 = vector.broadcast %reduce_max3A_247 : f32 to vector<16xf32>
      %select_n3A_252 = arith.select %eq3A_250, %broadcast_in_dim3A_251, %select_n3A_237 : vector<16xi1>, vector<16xf32>
      %mul3A_253 = arith.constant 256 : i32
      %mul3A_254 = arith.muli %scan3A_146, %mul3A_253 : i32
      %add3A_255 = arith.constant 112 : i32
      %add3A_256 = arith.addi %mul3A_254, %add3A_255 : i32
      %get3A_257 = arith.index_cast %add3A_256 : i32 to index
      %get3A_258 = tpu.vector_load %arg5[%get3A_257] {strides = array<i32>} : memref<1024xf32, #tpu.memory_space<vmem>>, vector<16xf32>,
      %reduce_max3A_259 = arith.constant true
      %reduce_max3A_260 = vector.broadcast %reduce_max3A_259 : i1 to vector<16xi1>
      %reduce_max3A_261 = tpu.scan <max>, %get3A_258 masked %reduce_max3A_260 : vector<16xf32>, vector<16xi1> -> vector<16xf32>
      %reduce_max3A_262 = vector.extract %reduce_max3A_261[15] : f32 from vector<16xf32>
      %eq3A_263 = arith.constant 7 : i32
      %eq3A_264 = vector.broadcast %eq3A_263 : i32 to vector<16xi32>
      %eq3A_265 = arith.cmpi eq, %iota3A, %eq3A_264 : vector<16xi32>
      %broadcast_in_dim3A_266 = vector.broadcast %reduce_max3A_262 : f32 to vector<16xf32>
      %select_n3A_267 = arith.select %eq3A_265, %broadcast_in_dim3A_266, %select_n3A_252 : vector<16xi1>, vector<16xf32>
      %mul3A_268 = arith.constant 256 : i32
      %mul3A_269 = arith.muli %scan3A_146, %mul3A_268 : i32
      %add3A_270 = arith.constant 128 : i32
      %add3A_271 = arith.addi %mul3A_269, %add3A_270 : i32
      %get3A_272 = arith.index_cast %add3A_271 : i32 to index
      %get3A_273 = tpu.vector_load %arg5[%get3A_272] {strides = array<i32>} : memref<1024xf32, #tpu.memory_space<vmem>>, vector<16xf32>,
      %reduce_max3A_274 = arith.constant true
      %reduce_max3A_275 = vector.broadcast %reduce_max3A_274 : i1 to vector<16xi1>
      %reduce_max3A_276 = tpu.scan <max>, %get3A_273 masked %reduce_max3A_275 : vector<16xf32>, vector<16xi1> -> vector<16xf32>
      %reduce_max3A_277 = vector.extract %reduce_max3A_276[15] : f32 from vector<16xf32>
      %eq3A_278 = arith.constant 8 : i32
      %eq3A_279 = vector.broadcast %eq3A_278 : i32 to vector<16xi32>
      %eq3A_280 = arith.cmpi eq, %iota3A, %eq3A_279 : vector<16xi32>
      %broadcast_in_dim3A_281 = vector.broadcast %reduce_max3A_277 : f32 to vector<16xf32>
      %select_n3A_282 = arith.select %eq3A_280, %broadcast_in_dim3A_281, %select_n3A_267 : vector<16xi1>, vector<16xf32>
      %mul3A_283 = arith.constant 256 : i32
      %mul3A_284 = arith.muli %scan3A_146, %mul3A_283 : i32
      %add3A_285 = arith.constant 144 : i32
      %add3A_286 = arith.addi %mul3A_284, %add3A_285 : i32
      %get3A_287 = arith.index_cast %add3A_286 : i32 to index
      %get3A_288 = tpu.vector_load %arg5[%get3A_287] {strides = array<i32>} : memref<1024xf32, #tpu.memory_space<vmem>>, vector<16xf32>,
      %reduce_max3A_289 = arith.constant true
      %reduce_max3A_290 = vector.broadcast %reduce_max3A_289 : i1 to vector<16xi1>
      %reduce_max3A_291 = tpu.scan <max>, %get3A_288 masked %reduce_max3A_290 : vector<16xf32>, vector<16xi1> -> vector<16xf32>
      %reduce_max3A_292 = vector.extract %reduce_max3A_291[15] : f32 from vector<16xf32>
      %eq3A_293 = arith.constant 9 : i32
      %eq3A_294 = vector.broadcast %eq3A_293 : i32 to vector<16xi32>
      %eq3A_295 = arith.cmpi eq, %iota3A, %eq3A_294 : vector<16xi32>
      %broadcast_in_dim3A_296 = vector.broadcast %reduce_max3A_292 : f32 to vector<16xf32>
      %select_n3A_297 = arith.select %eq3A_295, %broadcast_in_dim3A_296, %select_n3A_282 : vector<16xi1>, vector<16xf32>
      %mul3A_298 = arith.constant 256 : i32
      %mul3A_299 = arith.muli %scan3A_146, %mul3A_298 : i32
      %add3A_300 = arith.constant 160 : i32
      %add3A_301 = arith.addi %mul3A_299, %add3A_300 : i32
      %get3A_302 = arith.index_cast %add3A_301 : i32 to index
      %get3A_303 = tpu.vector_load %arg5[%get3A_302] {strides = array<i32>} : memref<1024xf32, #tpu.memory_space<vmem>>, vector<16xf32>,
      %reduce_max3A_304 = arith.constant true
      %reduce_max3A_305 = vector.broadcast %reduce_max3A_304 : i1 to vector<16xi1>
      %reduce_max3A_306 = tpu.scan <max>, %get3A_303 masked %reduce_max3A_305 : vector<16xf32>, vector<16xi1> -> vector<16xf32>
      %reduce_max3A_307 = vector.extract %reduce_max3A_306[15] : f32 from vector<16xf32>
      %eq3A_308 = arith.constant 10 : i32
      %eq3A_309 = vector.broadcast %eq3A_308 : i32 to vector<16xi32>
      %eq3A_310 = arith.cmpi eq, %iota3A, %eq3A_309 : vector<16xi32>
      %broadcast_in_dim3A_311 = vector.broadcast %reduce_max3A_307 : f32 to vector<16xf32>
      %select_n3A_312 = arith.select %eq3A_310, %broadcast_in_dim3A_311, %select_n3A_297 : vector<16xi1>, vector<16xf32>
      %mul3A_313 = arith.constant 256 : i32
      %mul3A_314 = arith.muli %scan3A_146, %mul3A_313 : i32
      %add3A_315 = arith.constant 176 : i32
      %add3A_316 = arith.addi %mul3A_314, %add3A_315 : i32
      %get3A_317 = arith.index_cast %add3A_316 : i32 to index
      %get3A_318 = tpu.vector_load %arg5[%get3A_317] {strides = array<i32>} : memref<1024xf32, #tpu.memory_space<vmem>>, vector<16xf32>,
      %reduce_max3A_319 = arith.constant true
      %reduce_max3A_320 = vector.broadcast %reduce_max3A_319 : i1 to vector<16xi1>
      %reduce_max3A_321 = tpu.scan <max>, %get3A_318 masked %reduce_max3A_320 : vector<16xf32>, vector<16xi1> -> vector<16xf32>
      %reduce_max3A_322 = vector.extract %reduce_max3A_321[15] : f32 from vector<16xf32>
      %eq3A_323 = arith.constant 11 : i32
      %eq3A_324 = vector.broadcast %eq3A_323 : i32 to vector<16xi32>
      %eq3A_325 = arith.cmpi eq, %iota3A, %eq3A_324 : vector<16xi32>
      %broadcast_in_dim3A_326 = vector.broadcast %reduce_max3A_322 : f32 to vector<16xf32>
      %select_n3A_327 = arith.select %eq3A_325, %broadcast_in_dim3A_326, %select_n3A_312 : vector<16xi1>, vector<16xf32>
      %mul3A_328 = arith.constant 256 : i32
      %mul3A_329 = arith.muli %scan3A_146, %mul3A_328 : i32
      %add3A_330 = arith.constant 192 : i32
      %add3A_331 = arith.addi %mul3A_329, %add3A_330 : i32
      %get3A_332 = arith.index_cast %add3A_331 : i32 to index
      %get3A_333 = tpu.vector_load %arg5[%get3A_332] {strides = array<i32>} : memref<1024xf32, #tpu.memory_space<vmem>>, vector<16xf32>,
      %reduce_max3A_334 = arith.constant true
      %reduce_max3A_335 = vector.broadcast %reduce_max3A_334 : i1 to vector<16xi1>
      %reduce_max3A_336 = tpu.scan <max>, %get3A_333 masked %reduce_max3A_335 : vector<16xf32>, vector<16xi1> -> vector<16xf32>
      %reduce_max3A_337 = vector.extract %reduce_max3A_336[15] : f32 from vector<16xf32>
      %eq3A_338 = arith.constant 12 : i32
      %eq3A_339 = vector.broadcast %eq3A_338 : i32 to vector<16xi32>
      %eq3A_340 = arith.cmpi eq, %iota3A, %eq3A_339 : vector<16xi32>
      %broadcast_in_dim3A_341 = vector.broadcast %reduce_max3A_337 : f32 to vector<16xf32>
      %select_n3A_342 = arith.select %eq3A_340, %broadcast_in_dim3A_341, %select_n3A_327 : vector<16xi1>, vector<16xf32>
      %mul3A_343 = arith.constant 256 : i32
      %mul3A_344 = arith.muli %scan3A_146, %mul3A_343 : i32
      %add3A_345 = arith.constant 208 : i32
      %add3A_346 = arith.addi %mul3A_344, %add3A_345 : i32
      %get3A_347 = arith.index_cast %add3A_346 : i32 to index
      %get3A_348 = tpu.vector_load %arg5[%get3A_347] {strides = array<i32>} : memref<1024xf32, #tpu.memory_space<vmem>>, vector<16xf32>,
      %reduce_max3A_349 = arith.constant true
      %reduce_max3A_350 = vector.broadcast %reduce_max3A_349 : i1 to vector<16xi1>
      %reduce_max3A_351 = tpu.scan <max>, %get3A_348 masked %reduce_max3A_350 : vector<16xf32>, vector<16xi1> -> vector<16xf32>
      %reduce_max3A_352 = vector.extract %reduce_max3A_351[15] : f32 from vector<16xf32>
      %eq3A_353 = arith.constant 13 : i32
      %eq3A_354 = vector.broadcast %eq3A_353 : i32 to vector<16xi32>
      %eq3A_355 = arith.cmpi eq, %iota3A, %eq3A_354 : vector<16xi32>
      %broadcast_in_dim3A_356 = vector.broadcast %reduce_max3A_352 : f32 to vector<16xf32>
      %select_n3A_357 = arith.select %eq3A_355, %broadcast_in_dim3A_356, %select_n3A_342 : vector<16xi1>, vector<16xf32>
      %mul3A_358 = arith.constant 256 : i32
      %mul3A_359 = arith.muli %scan3A_146, %mul3A_358 : i32
      %add3A_360 = arith.constant 224 : i32
      %add3A_361 = arith.addi %mul3A_359, %add3A_360 : i32
      %get3A_362 = arith.index_cast %add3A_361 : i32 to index
      %get3A_363 = tpu.vector_load %arg5[%get3A_362] {strides = array<i32>} : memref<1024xf32, #tpu.memory_space<vmem>>, vector<16xf32>,
      %reduce_max3A_364 = arith.constant true
      %reduce_max3A_365 = vector.broadcast %reduce_max3A_364 : i1 to vector<16xi1>
      %reduce_max3A_366 = tpu.scan <max>, %get3A_363 masked %reduce_max3A_365 : vector<16xf32>, vector<16xi1> -> vector<16xf32>
      %reduce_max3A_367 = vector.extract %reduce_max3A_366[15] : f32 from vector<16xf32>
      %eq3A_368 = arith.constant 14 : i32
      %eq3A_369 = vector.broadcast %eq3A_368 : i32 to vector<16xi32>
      %eq3A_370 = arith.cmpi eq, %iota3A, %eq3A_369 : vector<16xi32>
      %broadcast_in_dim3A_371 = vector.broadcast %reduce_max3A_367 : f32 to vector<16xf32>
      %select_n3A_372 = arith.select %eq3A_370, %broadcast_in_dim3A_371, %select_n3A_357 : vector<16xi1>, vector<16xf32>
      %mul3A_373 = arith.constant 256 : i32
      %mul3A_374 = arith.muli %scan3A_146, %mul3A_373 : i32
      %add3A_375 = arith.constant 240 : i32
      %add3A_376 = arith.addi %mul3A_374, %add3A_375 : i32
      %get3A_377 = arith.index_cast %add3A_376 : i32 to index
      %get3A_378 = tpu.vector_load %arg5[%get3A_377] {strides = array<i32>} : memref<1024xf32, #tpu.memory_space<vmem>>, vector<16xf32>,
      %reduce_max3A_379 = arith.constant true
      %reduce_max3A_380 = vector.broadcast %reduce_max3A_379 : i1 to vector<16xi1>
      %reduce_max3A_381 = tpu.scan <max>, %get3A_378 masked %reduce_max3A_380 : vector<16xf32>, vector<16xi1> -> vector<16xf32>
      %reduce_max3A_382 = vector.extract %reduce_max3A_381[15] : f32 from vector<16xf32>
      %eq3A_383 = arith.constant 15 : i32
      %eq3A_384 = vector.broadcast %eq3A_383 : i32 to vector<16xi32>
      %eq3A_385 = arith.cmpi eq, %iota3A, %eq3A_384 : vector<16xi32>
      %broadcast_in_dim3A_386 = vector.broadcast %reduce_max3A_382 : f32 to vector<16xf32>
      %select_n3A_387 = arith.select %eq3A_385, %broadcast_in_dim3A_386, %select_n3A_372 : vector<16xi1>, vector<16xf32>
      %mul3A_388 = arith.constant 16 : i32
      %mul3A_389 = arith.muli %scan3A_146, %mul3A_388 : i32
      %swap3A_390 = arith.index_cast %mul3A_389 : i32 to index
      %swap3A_391 = tpu.vector_load %arg6[%swap3A_390] {strides = array<i32>} : memref<64xf32, #tpu.memory_space<vmem>>, vector<16xf32>,
      tpu.vector_store %arg6[%swap3A_390], %select_n3A_387 {strides = array<i32>} : memref<64xf32, #tpu.memory_space<vmem>>, vector<16xf32>,
      %scan3A_392 = arith.constant 0 : i32
      scf.yield %scan3A_392 : i32
    }
    %scan3A_10 = arith.constant 4 : i32
    %broadcast_in_dim3A = arith.constant 0 : i32
    %broadcast_in_dim3A_11 = vector.broadcast %broadcast_in_dim3A : i32 to vector<16xi32>
    %scan3A_12 = arith.constant 0.000000e+00 : f32
    %scan3A_13 = arith.constant 0.000000e+00 : f32
    %scan3A_14 = arith.constant 0 : i32
    %scan3A_15 = arith.constant 32 : i32
    %scan3A_16 = arith.addi %scan3A_14, %scan3A_15 : i32
    %scan3A_17 = arith.constant 1 : i32
    %scan3A_18:4 = scf.for %scan3A_146 = %scan3A_14 to %scan3A_16 step %scan3A_17 iter_args(%scan3A_147 = %broadcast_in_dim3A_11, %scan3A_148 = %broadcast_in_dim3A_11, %scan3A_149 = %scan3A_12, %scan3A_150 = %scan3A_13) -> (vector<16xi32>, vector<16xi32>, f32, f32)  : i32 {
      %get3A = arith.constant 0 : index
      %get3A_151 = tpu.vector_load %arg6[%get3A] {strides = array<i32>} : memref<64xf32, #tpu.memory_space<vmem>>, vector<16xf32>,
      %get3A_152 = arith.constant 16 : index
      %get3A_153 = tpu.vector_load %arg6[%get3A_152] {strides = array<i32>} : memref<64xf32, #tpu.memory_space<vmem>>, vector<16xf32>,
      %get3A_154 = arith.constant 32 : index
      %get3A_155 = tpu.vector_load %arg6[%get3A_154] {strides = array<i32>} : memref<64xf32, #tpu.memory_space<vmem>>, vector<16xf32>,
      %get3A_156 = arith.constant 48 : index
      %get3A_157 = tpu.vector_load %arg6[%get3A_156] {strides = array<i32>} : memref<64xf32, #tpu.memory_space<vmem>>, vector<16xf32>,
      %max3A = arith.maximumf %get3A_151, %get3A_153 : vector<16xf32>
      %max3A_158 = arith.maximumf %max3A, %get3A_155 : vector<16xf32>
      %max3A_159 = arith.maximumf %max3A_158, %get3A_157 : vector<16xf32>
      %reduce_max3A = arith.constant true
      %reduce_max3A_160 = vector.broadcast %reduce_max3A : i1 to vector<16xi1>
      %reduce_max3A_161 = tpu.scan <max>, %max3A_159 masked %reduce_max3A_160 : vector<16xf32>, vector<16xi1> -> vector<16xf32>
      %reduce_max3A_162 = vector.extract %reduce_max3A_161[15] : f32 from vector<16xf32>
      %broadcast_in_dim3A_163 = arith.constant -1 : i32
      %broadcast_in_dim3A_164 = vector.broadcast %broadcast_in_dim3A_163 : i32 to vector<16xi32>
      %eq3A_165 = vector.broadcast %reduce_max3A_162 : f32 to vector<16xf32>
      %eq3A_166 = arith.cmpf oeq, %get3A_151, %eq3A_165 : vector<16xf32>
      %add3A_167 = arith.constant 0 : i32
      %add3A_168 = vector.broadcast %add3A_167 : i32 to vector<16xi32>
      %add3A_169 = arith.addi %iota3A, %add3A_168 : vector<16xi32>
      %jit3A_170 = arith.constant -1 : i32
      %broadcast_in_dim3A_171 = vector.broadcast %jit3A_170 : i32 to vector<16xi32>
      %select_n3A_172 = arith.select %eq3A_166, %add3A_169, %broadcast_in_dim3A_171 : vector<16xi1>, vector<16xi32>
      %max3A_173 = arith.maxsi %broadcast_in_dim3A_164, %select_n3A_172 : vector<16xi32>
      %eq3A_174 = vector.broadcast %reduce_max3A_162 : f32 to vector<16xf32>
      %eq3A_175 = arith.cmpf oeq, %get3A_153, %eq3A_174 : vector<16xf32>
      %add3A_176 = arith.constant 16 : i32
      %add3A_177 = vector.broadcast %add3A_176 : i32 to vector<16xi32>
      %add3A_178 = arith.addi %iota3A, %add3A_177 : vector<16xi32>
      %jit3A_179 = arith.constant -1 : i32
      %broadcast_in_dim3A_180 = vector.broadcast %jit3A_179 : i32 to vector<16xi32>
      %select_n3A_181 = arith.select %eq3A_175, %add3A_178, %broadcast_in_dim3A_180 : vector<16xi1>, vector<16xi32>
      %max3A_182 = arith.maxsi %max3A_173, %select_n3A_181 : vector<16xi32>
      %eq3A_183 = vector.broadcast %reduce_max3A_162 : f32 to vector<16xf32>
      %eq3A_184 = arith.cmpf oeq, %get3A_155, %eq3A_183 : vector<16xf32>
      %add3A_185 = arith.constant 32 : i32
      %add3A_186 = vector.broadcast %add3A_185 : i32 to vector<16xi32>
      %add3A_187 = arith.addi %iota3A, %add3A_186 : vector<16xi32>
      %jit3A_188 = arith.constant -1 : i32
      %broadcast_in_dim3A_189 = vector.broadcast %jit3A_188 : i32 to vector<16xi32>
      %select_n3A_190 = arith.select %eq3A_184, %add3A_187, %broadcast_in_dim3A_189 : vector<16xi1>, vector<16xi32>
      %max3A_191 = arith.maxsi %max3A_182, %select_n3A_190 : vector<16xi32>
      %eq3A_192 = vector.broadcast %reduce_max3A_162 : f32 to vector<16xf32>
      %eq3A_193 = arith.cmpf oeq, %get3A_157, %eq3A_192 : vector<16xf32>
      %add3A_194 = arith.constant 48 : i32
      %add3A_195 = vector.broadcast %add3A_194 : i32 to vector<16xi32>
      %add3A_196 = arith.addi %iota3A, %add3A_195 : vector<16xi32>
      %jit3A_197 = arith.constant -1 : i32
      %broadcast_in_dim3A_198 = vector.broadcast %jit3A_197 : i32 to vector<16xi32>
      %select_n3A_199 = arith.select %eq3A_193, %add3A_196, %broadcast_in_dim3A_198 : vector<16xi1>, vector<16xi32>
      %max3A_200 = arith.maxsi %max3A_191, %select_n3A_199 : vector<16xi32>
      %reduce_max3A_201 = arith.constant true
      %reduce_max3A_202 = vector.broadcast %reduce_max3A_201 : i1 to vector<16xi1>
      %reduce_max3A_203 = arith.constant -2147483648 : i32
      %reduce_max3A_204 = vector.broadcast %reduce_max3A_203 : i32 to vector<16xi32>
      %reduce_max3A_205 = arith.xori %max3A_200, %reduce_max3A_204 : vector<16xi32>
      %reduce_max3A_206 = tpu.scan <max>, %reduce_max3A_205 masked %reduce_max3A_202 : vector<16xi32>, vector<16xi1> -> vector<16xi32>
      %reduce_max3A_207 = arith.xori %reduce_max3A_206, %reduce_max3A_204 : vector<16xi32>
      %reduce_max3A_208 = vector.extract %reduce_max3A_207[15] : i32 from vector<16xi32>
      %mul3A_209 = arith.constant 16 : i32
      %mul3A_210 = arith.muli %reduce_max3A_208, %mul3A_209 : i32
      %get3A_211 = arith.index_cast %mul3A_210 : i32 to index
      %get3A_212 = tpu.vector_load %arg5[%get3A_211] {strides = array<i32>} : memref<1024xf32, #tpu.memory_space<vmem>>, vector<16xf32>,
      %eq3A_213 = vector.broadcast %reduce_max3A_162 : f32 to vector<16xf32>
      %eq3A_214 = arith.cmpf oeq, %get3A_212, %eq3A_213 : vector<16xf32>
      %jit3A_215 = arith.constant -1 : i32
      %broadcast_in_dim3A_216 = vector.broadcast %jit3A_215 : i32 to vector<16xi32>
      %select_n3A_217 = arith.select %eq3A_214, %iota3A, %broadcast_in_dim3A_216 : vector<16xi1>, vector<16xi32>
      %reduce_max3A_218 = arith.constant true
      %reduce_max3A_219 = vector.broadcast %reduce_max3A_218 : i1 to vector<16xi1>
      %reduce_max3A_220 = arith.constant -2147483648 : i32
      %reduce_max3A_221 = vector.broadcast %reduce_max3A_220 : i32 to vector<16xi32>
      %reduce_max3A_222 = arith.xori %select_n3A_217, %reduce_max3A_221 : vector<16xi32>
      %reduce_max3A_223 = tpu.scan <max>, %reduce_max3A_222 masked %reduce_max3A_219 : vector<16xi32>, vector<16xi1> -> vector<16xi32>
      %reduce_max3A_224 = arith.xori %reduce_max3A_223, %reduce_max3A_221 : vector<16xi32>
      %reduce_max3A_225 = vector.extract %reduce_max3A_224[15] : i32 from vector<16xi32>
      %mul3A_226 = arith.constant 16 : i32
      %mul3A_227 = arith.muli %reduce_max3A_208, %mul3A_226 : i32
      %add3A_228 = arith.addi %mul3A_227, %reduce_max3A_225 : i32
      %shift_right_arithmetic3A_229 = arith.constant 7 : i32
      %shift_right_arithmetic3A_230 = arith.shrsi %add3A_228, %shift_right_arithmetic3A_229 : i32
      %mul3A_231 = arith.constant 32 : i32
      %mul3A_232 = arith.muli %shift_right_arithmetic3A_230, %mul3A_231 : i32
      %and3A = arith.constant 127 : i32
      %and3A_233 = arith.andi %add3A_228, %and3A : i32
      %add3A_234 = arith.addi %mul3A_232, %and3A_233 : i32
      %eq3A_235 = vector.broadcast %reduce_max3A_162 : f32 to vector<16xf32>
      %eq3A_236 = arith.cmpf oeq, %get3A_212, %eq3A_235 : vector<16xf32>
      %jit3A_237 = arith.constant -1.000000e+00 : f32
      %broadcast_in_dim3A_238 = vector.broadcast %jit3A_237 : f32 to vector<16xf32>
      %select_n3A_239 = arith.select %eq3A_236, %broadcast_in_dim3A_238, %get3A_212 : vector<16xi1>, vector<16xf32>
      %mul3A_240 = arith.constant 16 : i32
      %mul3A_241 = arith.muli %reduce_max3A_208, %mul3A_240 : i32
      %swap3A_242 = arith.index_cast %mul3A_241 : i32 to index
      %swap3A_243 = tpu.vector_load %arg5[%swap3A_242] {strides = array<i32>} : memref<1024xf32, #tpu.memory_space<vmem>>, vector<16xf32>,
      tpu.vector_store %arg5[%swap3A_242], %select_n3A_239 {strides = array<i32>} : memref<1024xf32, #tpu.memory_space<vmem>>, vector<16xf32>,
      %reduce_max3A_244 = arith.constant true
      %reduce_max3A_245 = vector.broadcast %reduce_max3A_244 : i1 to vector<16xi1>
      %reduce_max3A_246 = tpu.scan <max>, %select_n3A_239 masked %reduce_max3A_245 : vector<16xf32>, vector<16xi1> -> vector<16xf32>
      %reduce_max3A_247 = vector.extract %reduce_max3A_246[15] : f32 from vector<16xf32>
      %get3A_248 = arith.constant 0 : index
      %get3A_249 = tpu.vector_load %arg6[%get3A_248] {strides = array<i32>} : memref<64xf32, #tpu.memory_space<vmem>>, vector<16xf32>,
      %add3A_250 = arith.constant 0 : i32
      %add3A_251 = vector.broadcast %add3A_250 : i32 to vector<16xi32>
      %add3A_252 = arith.addi %iota3A, %add3A_251 : vector<16xi32>
      %eq3A_253 = vector.broadcast %reduce_max3A_208 : i32 to vector<16xi32>
      %eq3A_254 = arith.cmpi eq, %add3A_252, %eq3A_253 : vector<16xi32>
      %broadcast_in_dim3A_255 = vector.broadcast %reduce_max3A_247 : f32 to vector<16xf32>
      %select_n3A_256 = arith.select %eq3A_254, %broadcast_in_dim3A_255, %get3A_249 : vector<16xi1>, vector<16xf32>
      %swap3A_257 = arith.constant 0 : index
      %swap3A_258 = tpu.vector_load %arg6[%swap3A_257] {strides = array<i32>} : memref<64xf32, #tpu.memory_space<vmem>>, vector<16xf32>,
      tpu.vector_store %arg6[%swap3A_257], %select_n3A_256 {strides = array<i32>} : memref<64xf32, #tpu.memory_space<vmem>>, vector<16xf32>,
      %get3A_259 = arith.constant 16 : index
      %get3A_260 = tpu.vector_load %arg6[%get3A_259] {strides = array<i32>} : memref<64xf32, #tpu.memory_space<vmem>>, vector<16xf32>,
      %add3A_261 = arith.constant 16 : i32
      %add3A_262 = vector.broadcast %add3A_261 : i32 to vector<16xi32>
      %add3A_263 = arith.addi %iota3A, %add3A_262 : vector<16xi32>
      %eq3A_264 = vector.broadcast %reduce_max3A_208 : i32 to vector<16xi32>
      %eq3A_265 = arith.cmpi eq, %add3A_263, %eq3A_264 : vector<16xi32>
      %broadcast_in_dim3A_266 = vector.broadcast %reduce_max3A_247 : f32 to vector<16xf32>
      %select_n3A_267 = arith.select %eq3A_265, %broadcast_in_dim3A_266, %get3A_260 : vector<16xi1>, vector<16xf32>
      %swap3A_268 = arith.constant 16 : index
      %swap3A_269 = tpu.vector_load %arg6[%swap3A_268] {strides = array<i32>} : memref<64xf32, #tpu.memory_space<vmem>>, vector<16xf32>,
      tpu.vector_store %arg6[%swap3A_268], %select_n3A_267 {strides = array<i32>} : memref<64xf32, #tpu.memory_space<vmem>>, vector<16xf32>,
      %get3A_270 = arith.constant 32 : index
      %get3A_271 = tpu.vector_load %arg6[%get3A_270] {strides = array<i32>} : memref<64xf32, #tpu.memory_space<vmem>>, vector<16xf32>,
      %add3A_272 = arith.constant 32 : i32
      %add3A_273 = vector.broadcast %add3A_272 : i32 to vector<16xi32>
      %add3A_274 = arith.addi %iota3A, %add3A_273 : vector<16xi32>
      %eq3A_275 = vector.broadcast %reduce_max3A_208 : i32 to vector<16xi32>
      %eq3A_276 = arith.cmpi eq, %add3A_274, %eq3A_275 : vector<16xi32>
      %broadcast_in_dim3A_277 = vector.broadcast %reduce_max3A_247 : f32 to vector<16xf32>
      %select_n3A_278 = arith.select %eq3A_276, %broadcast_in_dim3A_277, %get3A_271 : vector<16xi1>, vector<16xf32>
      %swap3A_279 = arith.constant 32 : index
      %swap3A_280 = tpu.vector_load %arg6[%swap3A_279] {strides = array<i32>} : memref<64xf32, #tpu.memory_space<vmem>>, vector<16xf32>,
      tpu.vector_store %arg6[%swap3A_279], %select_n3A_278 {strides = array<i32>} : memref<64xf32, #tpu.memory_space<vmem>>, vector<16xf32>,
      %get3A_281 = arith.constant 48 : index
      %get3A_282 = tpu.vector_load %arg6[%get3A_281] {strides = array<i32>} : memref<64xf32, #tpu.memory_space<vmem>>, vector<16xf32>,
      %add3A_283 = arith.constant 48 : i32
      %add3A_284 = vector.broadcast %add3A_283 : i32 to vector<16xi32>
      %add3A_285 = arith.addi %iota3A, %add3A_284 : vector<16xi32>
      %eq3A_286 = vector.broadcast %reduce_max3A_208 : i32 to vector<16xi32>
      %eq3A_287 = arith.cmpi eq, %add3A_285, %eq3A_286 : vector<16xi32>
      %broadcast_in_dim3A_288 = vector.broadcast %reduce_max3A_247 : f32 to vector<16xf32>
      %select_n3A_289 = arith.select %eq3A_287, %broadcast_in_dim3A_288, %get3A_282 : vector<16xi1>, vector<16xf32>
      %swap3A_290 = arith.constant 48 : index
      %swap3A_291 = tpu.vector_load %arg6[%swap3A_290] {strides = array<i32>} : memref<64xf32, #tpu.memory_space<vmem>>, vector<16xf32>,
      tpu.vector_store %arg6[%swap3A_290], %select_n3A_289 {strides = array<i32>} : memref<64xf32, #tpu.memory_space<vmem>>, vector<16xf32>,
      %eq3A_292 = vector.broadcast %scan3A_146 : i32 to vector<16xi32>
      %eq3A_293 = arith.cmpi eq, %iota3A, %eq3A_292 : vector<16xi32>
      %broadcast_in_dim3A_294 = vector.broadcast %add3A_234 : i32 to vector<16xi32>
      %select_n3A_295 = arith.select %eq3A_293, %broadcast_in_dim3A_294, %scan3A_147 : vector<16xi1>, vector<16xi32>
      %sub3A = arith.constant 16 : i32
      %sub3A_296 = arith.subi %scan3A_146, %sub3A : i32
      %eq3A_297 = vector.broadcast %sub3A_296 : i32 to vector<16xi32>
      %eq3A_298 = arith.cmpi eq, %iota3A, %eq3A_297 : vector<16xi32>
      %broadcast_in_dim3A_299 = vector.broadcast %add3A_234 : i32 to vector<16xi32>
      %select_n3A_300 = arith.select %eq3A_298, %broadcast_in_dim3A_299, %scan3A_148 : vector<16xi1>, vector<16xi32>
      %eq3A_301 = arith.constant 0 : i32
      %eq3A_302 = arith.cmpi eq, %scan3A_146, %eq3A_301 : i32
      %select_n3A_303 = arith.select %eq3A_302, %reduce_max3A_162, %scan3A_149 : f32
      %eq3A_304 = arith.constant 24 : i32
      %eq3A_305 = arith.cmpi eq, %scan3A_146, %eq3A_304 : i32
      %select_n3A_306 = arith.select %eq3A_305, %reduce_max3A_162, %scan3A_150 : f32
      scf.yield %select_n3A_295, %select_n3A_300, %select_n3A_303, %select_n3A_306 : vector<16xi32>, vector<16xi32>, f32, f32
    }
    %scan3A_19 = arith.constant 32 : i32
    %mul3A_20 = arith.constant 256 : i32
    %mul3A_21 = arith.muli %add3A_4, %mul3A_20 : i32
    %add3A_22 = vector.broadcast %mul3A_21 : i32 to vector<16xi32>
    %add3A_23 = arith.addi %scan3A_18#0, %add3A_22 : vector<16xi32>
    %swap3A = arith.constant 0 : index
    %swap3A_24 = tpu.vector_load %arg7[%swap3A] {strides = array<i32>} : memref<32xi32, #tpu.memory_space<vmem>>, vector<16xi32>,
    tpu.vector_store %arg7[%swap3A], %add3A_23 {strides = array<i32>} : memref<32xi32, #tpu.memory_space<vmem>>, vector<16xi32>,
    %mul3A_25 = arith.constant 256 : i32
    %mul3A_26 = arith.muli %add3A_4, %mul3A_25 : i32
    %add3A_27 = vector.broadcast %mul3A_26 : i32 to vector<16xi32>
    %add3A_28 = arith.addi %scan3A_18#1, %add3A_27 : vector<16xi32>
    %swap3A_29 = arith.constant 16 : index
    %swap3A_30 = tpu.vector_load %arg7[%swap3A_29] {strides = array<i32>} : memref<32xi32, #tpu.memory_space<vmem>>, vector<16xi32>,
    tpu.vector_store %arg7[%swap3A_29], %add3A_28 {strides = array<i32>} : memref<32xi32, #tpu.memory_space<vmem>>, vector<16xi32>,
    %dma_start3A = arith.constant 0 : i32
    %dma_start3A_31 = arith.constant 0 : i32
    %dma_start3A_32 = tpu.memref_slice %arg3[%dma_start3A, %dma_start3A_31] : memref<16384x128xf32, #tpu.memory_space<hbm>> -> memref<16384x128xf32, #tpu.memory_space<hbm>>
    tpu.enqueue_indirect_dma source(%dma_start3A_32 : memref<16384x128xf32, #tpu.memory_space<hbm>>) target(%arg8 : memref<32x128xf32, #tpu.memory_space<vmem>>) offsets(%arg7 : memref<32xi32, #tpu.memory_space<vmem>>) semaphore(%arg11 : memref<!tpu.dma_semaphore, #tpu.memory_space<semaphore_mem>>)
    %dma_wait3A = arith.constant 0 : i32
    %dma_wait3A_33 = arith.constant 0 : i32
    %dma_wait3A_34 = tpu.memref_slice %arg3[%dma_wait3A, %dma_wait3A_33] : memref<16384x128xf32, #tpu.memory_space<hbm>> -> memref<16384x128xf32, #tpu.memory_space<hbm>>
    tpu.wait_indirect_dma semaphore(%arg11 : memref<!tpu.dma_semaphore, #tpu.memory_space<semaphore_mem>>) src(%dma_wait3A_34 : memref<16384x128xf32, #tpu.memory_space<hbm>>) dst(%arg8 : memref<32x128xf32, #tpu.memory_space<vmem>>)
    %scan3A_35 = arith.constant 0 : i32
    %scan3A_36 = arith.constant 0 : i32
    %scan3A_37 = arith.constant 25 : i32
    %scan3A_38 = arith.addi %scan3A_36, %scan3A_37 : i32
    %scan3A_39 = arith.constant 1 : i32
    %scan3A_40 = scf.for %scan3A_146 = %scan3A_36 to %scan3A_38 step %scan3A_39 iter_args(%scan3A_147 = %scan3A_35) -> (i32)  : i32 {
      %get3A = arith.index_cast %scan3A_146 : i32 to index
      %get3A_148 = arith.constant 0 : index
      %get3A_149 = tpu.vector_load %arg8[%get3A, %get3A_148] {strides = array<i32>} : memref<32x128xf32, #tpu.memory_space<vmem>>, vector<16xf32>,
      %ge3A = vector.broadcast %scan3A_18#3 : f32 to vector<16xf32>
      %ge3A_150 = arith.cmpf oge, %get3A_149, %ge3A : vector<16xf32>
      %swap3A_151 = arith.index_cast %scan3A_147 : i32 to index
      %swap3A_152 = tpu.vector_load %arg9[%swap3A_151] masked %ge3A_150 {strides = array<i32>} : memref<4112xf32, #tpu.memory_space<vmem>>, vector<16xf32>, vector<16xi1>
      tpu.vector_store %arg9[%swap3A_151], %get3A_149 masked %ge3A_150 {strides = array<i32>} : memref<4112xf32, #tpu.memory_space<vmem>>, vector<16xf32>, vector<16xi1>
      %all_reduce_population_count3A = tpu.all_reduce %ge3A_150 {dim = 0 : i64, kind = #tpu.reduction_kind<sum>} : vector<16xi1> -> vector<16xi32>
      %slice3A = vector.extract_strided_slice %all_reduce_population_count3A {offsets = [0], sizes = [1], strides = [1]} : vector<16xi32> to vector<1xi32>
      %squeeze3A = vector.extract %slice3A[0] : i32 from vector<1xi32>
      %add3A_153 = arith.addi %scan3A_147, %squeeze3A : i32
      %get3A_154 = arith.index_cast %scan3A_146 : i32 to index
      %get3A_155 = arith.constant 16 : index
      %get3A_156 = tpu.vector_load %arg8[%get3A_154, %get3A_155] {strides = array<i32>} : memref<32x128xf32, #tpu.memory_space<vmem>>, vector<16xf32>,
      %ge3A_157 = vector.broadcast %scan3A_18#3 : f32 to vector<16xf32>
      %ge3A_158 = arith.cmpf oge, %get3A_156, %ge3A_157 : vector<16xf32>
      %swap3A_159 = arith.index_cast %add3A_153 : i32 to index
      %swap3A_160 = tpu.vector_load %arg9[%swap3A_159] masked %ge3A_158 {strides = array<i32>} : memref<4112xf32, #tpu.memory_space<vmem>>, vector<16xf32>, vector<16xi1>
      tpu.vector_store %arg9[%swap3A_159], %get3A_156 masked %ge3A_158 {strides = array<i32>} : memref<4112xf32, #tpu.memory_space<vmem>>, vector<16xf32>, vector<16xi1>
      %all_reduce_population_count3A_161 = tpu.all_reduce %ge3A_158 {dim = 0 : i64, kind = #tpu.reduction_kind<sum>} : vector<16xi1> -> vector<16xi32>
      %slice3A_162 = vector.extract_strided_slice %all_reduce_population_count3A_161 {offsets = [0], sizes = [1], strides = [1]} : vector<16xi32> to vector<1xi32>
      %squeeze3A_163 = vector.extract %slice3A_162[0] : i32 from vector<1xi32>
      %add3A_164 = arith.addi %add3A_153, %squeeze3A_163 : i32
      %get3A_165 = arith.index_cast %scan3A_146 : i32 to index
      %get3A_166 = arith.constant 32 : index
      %get3A_167 = tpu.vector_load %arg8[%get3A_165, %get3A_166] {strides = array<i32>} : memref<32x128xf32, #tpu.memory_space<vmem>>, vector<16xf32>,
      %ge3A_168 = vector.broadcast %scan3A_18#3 : f32 to vector<16xf32>
      %ge3A_169 = arith.cmpf oge, %get3A_167, %ge3A_168 : vector<16xf32>
      %swap3A_170 = arith.index_cast %add3A_164 : i32 to index
      %swap3A_171 = tpu.vector_load %arg9[%swap3A_170] masked %ge3A_169 {strides = array<i32>} : memref<4112xf32, #tpu.memory_space<vmem>>, vector<16xf32>, vector<16xi1>
      tpu.vector_store %arg9[%swap3A_170], %get3A_167 masked %ge3A_169 {strides = array<i32>} : memref<4112xf32, #tpu.memory_space<vmem>>, vector<16xf32>, vector<16xi1>
      %all_reduce_population_count3A_172 = tpu.all_reduce %ge3A_169 {dim = 0 : i64, kind = #tpu.reduction_kind<sum>} : vector<16xi1> -> vector<16xi32>
      %slice3A_173 = vector.extract_strided_slice %all_reduce_population_count3A_172 {offsets = [0], sizes = [1], strides = [1]} : vector<16xi32> to vector<1xi32>
      %squeeze3A_174 = vector.extract %slice3A_173[0] : i32 from vector<1xi32>
      %add3A_175 = arith.addi %add3A_164, %squeeze3A_174 : i32
      %get3A_176 = arith.index_cast %scan3A_146 : i32 to index
      %get3A_177 = arith.constant 48 : index
      %get3A_178 = tpu.vector_load %arg8[%get3A_176, %get3A_177] {strides = array<i32>} : memref<32x128xf32, #tpu.memory_space<vmem>>, vector<16xf32>,
      %ge3A_179 = vector.broadcast %scan3A_18#3 : f32 to vector<16xf32>
      %ge3A_180 = arith.cmpf oge, %get3A_178, %ge3A_179 : vector<16xf32>
      %swap3A_181 = arith.index_cast %add3A_175 : i32 to index
      %swap3A_182 = tpu.vector_load %arg9[%swap3A_181] masked %ge3A_180 {strides = array<i32>} : memref<4112xf32, #tpu.memory_space<vmem>>, vector<16xf32>, vector<16xi1>
      tpu.vector_store %arg9[%swap3A_181], %get3A_178 masked %ge3A_180 {strides = array<i32>} : memref<4112xf32, #tpu.memory_space<vmem>>, vector<16xf32>, vector<16xi1>
      %all_reduce_population_count3A_183 = tpu.all_reduce %ge3A_180 {dim = 0 : i64, kind = #tpu.reduction_kind<sum>} : vector<16xi1> -> vector<16xi32>
      %slice3A_184 = vector.extract_strided_slice %all_reduce_population_count3A_183 {offsets = [0], sizes = [1], strides = [1]} : vector<16xi32> to vector<1xi32>
      %squeeze3A_185 = vector.extract %slice3A_184[0] : i32 from vector<1xi32>
      %add3A_186 = arith.addi %add3A_175, %squeeze3A_185 : i32
      %get3A_187 = arith.index_cast %scan3A_146 : i32 to index
      %get3A_188 = arith.constant 64 : index
      %get3A_189 = tpu.vector_load %arg8[%get3A_187, %get3A_188] {strides = array<i32>} : memref<32x128xf32, #tpu.memory_space<vmem>>, vector<16xf32>,
      %ge3A_190 = vector.broadcast %scan3A_18#3 : f32 to vector<16xf32>
      %ge3A_191 = arith.cmpf oge, %get3A_189, %ge3A_190 : vector<16xf32>
      %swap3A_192 = arith.index_cast %add3A_186 : i32 to index
      %swap3A_193 = tpu.vector_load %arg9[%swap3A_192] masked %ge3A_191 {strides = array<i32>} : memref<4112xf32, #tpu.memory_space<vmem>>, vector<16xf32>, vector<16xi1>
      tpu.vector_store %arg9[%swap3A_192], %get3A_189 masked %ge3A_191 {strides = array<i32>} : memref<4112xf32, #tpu.memory_space<vmem>>, vector<16xf32>, vector<16xi1>
      %all_reduce_population_count3A_194 = tpu.all_reduce %ge3A_191 {dim = 0 : i64, kind = #tpu.reduction_kind<sum>} : vector<16xi1> -> vector<16xi32>
      %slice3A_195 = vector.extract_strided_slice %all_reduce_population_count3A_194 {offsets = [0], sizes = [1], strides = [1]} : vector<16xi32> to vector<1xi32>
      %squeeze3A_196 = vector.extract %slice3A_195[0] : i32 from vector<1xi32>
      %add3A_197 = arith.addi %add3A_186, %squeeze3A_196 : i32
      %get3A_198 = arith.index_cast %scan3A_146 : i32 to index
      %get3A_199 = arith.constant 80 : index
      %get3A_200 = tpu.vector_load %arg8[%get3A_198, %get3A_199] {strides = array<i32>} : memref<32x128xf32, #tpu.memory_space<vmem>>, vector<16xf32>,
      %ge3A_201 = vector.broadcast %scan3A_18#3 : f32 to vector<16xf32>
      %ge3A_202 = arith.cmpf oge, %get3A_200, %ge3A_201 : vector<16xf32>
      %swap3A_203 = arith.index_cast %add3A_197 : i32 to index
      %swap3A_204 = tpu.vector_load %arg9[%swap3A_203] masked %ge3A_202 {strides = array<i32>} : memref<4112xf32, #tpu.memory_space<vmem>>, vector<16xf32>, vector<16xi1>
      tpu.vector_store %arg9[%swap3A_203], %get3A_200 masked %ge3A_202 {strides = array<i32>} : memref<4112xf32, #tpu.memory_space<vmem>>, vector<16xf32>, vector<16xi1>
      %all_reduce_population_count3A_205 = tpu.all_reduce %ge3A_202 {dim = 0 : i64, kind = #tpu.reduction_kind<sum>} : vector<16xi1> -> vector<16xi32>
      %slice3A_206 = vector.extract_strided_slice %all_reduce_population_count3A_205 {offsets = [0], sizes = [1], strides = [1]} : vector<16xi32> to vector<1xi32>
      %squeeze3A_207 = vector.extract %slice3A_206[0] : i32 from vector<1xi32>
      %add3A_208 = arith.addi %add3A_197, %squeeze3A_207 : i32
      %get3A_209 = arith.index_cast %scan3A_146 : i32 to index
      %get3A_210 = arith.constant 96 : index
      %get3A_211 = tpu.vector_load %arg8[%get3A_209, %get3A_210] {strides = array<i32>} : memref<32x128xf32, #tpu.memory_space<vmem>>, vector<16xf32>,
      %ge3A_212 = vector.broadcast %scan3A_18#3 : f32 to vector<16xf32>
      %ge3A_213 = arith.cmpf oge, %get3A_211, %ge3A_212 : vector<16xf32>
      %swap3A_214 = arith.index_cast %add3A_208 : i32 to index
      %swap3A_215 = tpu.vector_load %arg9[%swap3A_214] masked %ge3A_213 {strides = array<i32>} : memref<4112xf32, #tpu.memory_space<vmem>>, vector<16xf32>, vector<16xi1>
      tpu.vector_store %arg9[%swap3A_214], %get3A_211 masked %ge3A_213 {strides = array<i32>} : memref<4112xf32, #tpu.memory_space<vmem>>, vector<16xf32>, vector<16xi1>
      %all_reduce_population_count3A_216 = tpu.all_reduce %ge3A_213 {dim = 0 : i64, kind = #tpu.reduction_kind<sum>} : vector<16xi1> -> vector<16xi32>
      %slice3A_217 = vector.extract_strided_slice %all_reduce_population_count3A_216 {offsets = [0], sizes = [1], strides = [1]} : vector<16xi32> to vector<1xi32>
      %squeeze3A_218 = vector.extract %slice3A_217[0] : i32 from vector<1xi32>
      %add3A_219 = arith.addi %add3A_208, %squeeze3A_218 : i32
      %get3A_220 = arith.index_cast %scan3A_146 : i32 to index
      %get3A_221 = arith.constant 112 : index
      %get3A_222 = tpu.vector_load %arg8[%get3A_220, %get3A_221] {strides = array<i32>} : memref<32x128xf32, #tpu.memory_space<vmem>>, vector<16xf32>,
      %ge3A_223 = vector.broadcast %scan3A_18#3 : f32 to vector<16xf32>
      %ge3A_224 = arith.cmpf oge, %get3A_222, %ge3A_223 : vector<16xf32>
      %swap3A_225 = arith.index_cast %add3A_219 : i32 to index
      %swap3A_226 = tpu.vector_load %arg9[%swap3A_225] masked %ge3A_224 {strides = array<i32>} : memref<4112xf32, #tpu.memory_space<vmem>>, vector<16xf32>, vector<16xi1>
      tpu.vector_store %arg9[%swap3A_225], %get3A_222 masked %ge3A_224 {strides = array<i32>} : memref<4112xf32, #tpu.memory_space<vmem>>, vector<16xf32>, vector<16xi1>
      %all_reduce_population_count3A_227 = tpu.all_reduce %ge3A_224 {dim = 0 : i64, kind = #tpu.reduction_kind<sum>} : vector<16xi1> -> vector<16xi32>
      %slice3A_228 = vector.extract_strided_slice %all_reduce_population_count3A_227 {offsets = [0], sizes = [1], strides = [1]} : vector<16xi32> to vector<1xi32>
      %squeeze3A_229 = vector.extract %slice3A_228[0] : i32 from vector<1xi32>
      %add3A_230 = arith.addi %add3A_219, %squeeze3A_229 : i32
      scf.yield %add3A_230 : i32
    }
    %scan3A_41 = arith.constant 25 : i32
    %broadcast_in_dim3A_42 = arith.constant -1.000000e+00 : f32
    %broadcast_in_dim3A_43 = vector.broadcast %broadcast_in_dim3A_42 : f32 to vector<16xf32>
    %swap3A_44 = arith.index_cast %scan3A_40 : i32 to index
    %swap3A_45 = tpu.vector_load %arg9[%swap3A_44] {strides = array<i32>} : memref<4112xf32, #tpu.memory_space<vmem>>, vector<16xf32>,
    tpu.vector_store %arg9[%swap3A_44], %broadcast_in_dim3A_43 {strides = array<i32>} : memref<4112xf32, #tpu.memory_space<vmem>>, vector<16xf32>,
    %add3A_46 = arith.constant 15 : i32
    %add3A_47 = arith.addi %scan3A_40, %add3A_46 : i32
    %shift_right_arithmetic3A = arith.constant 4 : i32
    %shift_right_arithmetic3A_48 = arith.shrsi %add3A_47, %shift_right_arithmetic3A : i32
    %scan3A_49 = arith.constant 0 : i32
    %scan3A_50 = arith.constant 24 : i32
    %scan3A_51 = arith.addi %scan3A_49, %scan3A_50 : i32
    %scan3A_52 = arith.constant 1 : i32
    %scan3A_53 = scf.for %scan3A_146 = %scan3A_49 to %scan3A_51 step %scan3A_52 iter_args(%scan3A_147 = %scan3A_18#2) -> (f32)  : i32 {
      %broadcast_in_dim3A_148 = arith.constant -1.000000e+00 : f32
      %broadcast_in_dim3A_149 = vector.broadcast %broadcast_in_dim3A_148 : f32 to vector<16xf32>
      %while3A = arith.constant 0 : i32
      %while3A_150 = arith.subi %shift_right_arithmetic3A_48, %while3A : i32
      %while3A_151 = arith.addi %while3A, %while3A_150 : i32
      %while3A_152 = arith.constant 1 : i32
      %while3A_153 = arith.divsi %while3A_150, %while3A_152 : i32
      %while3A_154 = arith.muli %while3A_153, %while3A_152 : i32
      %while3A_155 = arith.addi %while3A, %while3A_154 : i32
      %while3A_156 = arith.constant 1 : i32
      %while3A_157 = scf.for %while3A_163 = %while3A to %while3A_155 step %while3A_156 iter_args(%while3A_164 = %broadcast_in_dim3A_149) -> (vector<16xf32>)  : i32 {
        %mul3A_165 = arith.constant 16 : i32
        %mul3A_166 = arith.muli %while3A_163, %mul3A_165 : i32
        %get3A = arith.index_cast %mul3A_166 : i32 to index
        %get3A_167 = tpu.vector_load %arg9[%get3A] {strides = array<i32>} : memref<4112xf32, #tpu.memory_space<vmem>>, vector<16xf32>,
        %lt3A = vector.broadcast %scan3A_147 : f32 to vector<16xf32>
        %lt3A_168 = arith.cmpf olt, %get3A_167, %lt3A : vector<16xf32>
        %jit3A_169 = arith.constant -1.000000e+00 : f32
        %broadcast_in_dim3A_170 = vector.broadcast %jit3A_169 : f32 to vector<16xf32>
        %select_n3A_171 = arith.select %lt3A_168, %get3A_167, %broadcast_in_dim3A_170 : vector<16xi1>, vector<16xf32>
        %max3A = arith.maximumf %while3A_164, %select_n3A_171 : vector<16xf32>
        scf.yield %max3A : vector<16xf32>
      }
      %while3A_158 = arith.constant 1 : i32
      %while3A_159 = scf.for %while3A_163 = %while3A_155 to %while3A_151 step %while3A_158 iter_args(%while3A_164 = %while3A_157) -> (vector<16xf32>)  : i32 {
        %mul3A_165 = arith.constant 16 : i32
        %mul3A_166 = arith.muli %while3A_163, %mul3A_165 : i32
        %get3A = arith.index_cast %mul3A_166 : i32 to index
        %get3A_167 = tpu.vector_load %arg9[%get3A] {strides = array<i32>} : memref<4112xf32, #tpu.memory_space<vmem>>, vector<16xf32>,
        %lt3A = vector.broadcast %scan3A_147 : f32 to vector<16xf32>
        %lt3A_168 = arith.cmpf olt, %get3A_167, %lt3A : vector<16xf32>
        %jit3A_169 = arith.constant -1.000000e+00 : f32
        %broadcast_in_dim3A_170 = vector.broadcast %jit3A_169 : f32 to vector<16xf32>
        %select_n3A_171 = arith.select %lt3A_168, %get3A_167, %broadcast_in_dim3A_170 : vector<16xi1>, vector<16xf32>
        %max3A = arith.maximumf %while3A_164, %select_n3A_171 : vector<16xf32>
        scf.yield %max3A : vector<16xf32>
      }
      %reduce_max3A = arith.constant true
      %reduce_max3A_160 = vector.broadcast %reduce_max3A : i1 to vector<16xi1>
      %reduce_max3A_161 = tpu.scan <max>, %while3A_159 masked %reduce_max3A_160 : vector<16xf32>, vector<16xi1> -> vector<16xf32>
      %reduce_max3A_162 = vector.extract %reduce_max3A_161[15] : f32 from vector<16xf32>
      scf.yield %reduce_max3A_162 : f32
    }
    %scan3A_54 = arith.constant 24 : i32
    %eq3A = arith.constant 0 : i32
    %eq3A_55 = vector.broadcast %eq3A : i32 to vector<16xi32>
    %eq3A_56 = arith.cmpi eq, %iota3A, %eq3A_55 : vector<16xi32>
    %eq3A_57 = arith.constant 1 : i32
    %eq3A_58 = vector.broadcast %eq3A_57 : i32 to vector<16xi32>
    %eq3A_59 = arith.cmpi eq, %iota3A, %eq3A_58 : vector<16xi32>
    %jit3A = arith.constant 0.000000e+00 : f32
    %broadcast_in_dim3A_60 = vector.broadcast %scan3A_18#2 : f32 to vector<16xf32>
    %broadcast_in_dim3A_61 = vector.broadcast %jit3A : f32 to vector<16xf32>
    %select_n3A = arith.select %eq3A_59, %broadcast_in_dim3A_60, %broadcast_in_dim3A_61 : vector<16xi1>, vector<16xf32>
    %broadcast_in_dim3A_62 = vector.broadcast %scan3A_53 : f32 to vector<16xf32>
    %select_n3A_63 = arith.select %eq3A_56, %broadcast_in_dim3A_62, %select_n3A : vector<16xi1>, vector<16xf32>
    %swap3A_64 = arith.constant 0 : i32
    %swap3A_65 = arith.index_cast %swap3A_64 : i32 to index
    %swap3A_66 = arith.constant 0 : index
    %swap3A_67 = tpu.vector_load %arg10[%swap3A_65, %swap3A_66] {strides = array<i32>} : memref<2x16xf32, #tpu.memory_space<vmem>>, vector<16xf32>,
    tpu.vector_store %arg10[%swap3A_65, %swap3A_66], %select_n3A_63 {strides = array<i32>} : memref<2x16xf32, #tpu.memory_space<vmem>>, vector<16xf32>,
    %mul3A_68 = arith.constant 2 : i32
    %mul3A_69 = arith.muli %add3A, %mul3A_68 : i32
    %add3A_70 = arith.constant 1 : i32
    %add3A_71 = arith.addi %mul3A_69, %add3A_70 : i32
    "tpu.region"() ({
      %run_scoped3A = tpu.sem_alloc : memref<!tpu.dma_semaphore, #tpu.memory_space<semaphore_mem>>
      %dma_start3A_146 = arith.constant 0 : i32
      %dma_start3A_147 = tpu.memref_slice %arg2[%add3A_71, %dma_start3A_146] : memref<64x1024xf32, #tpu.memory_space<hbm>> -> memref<1x1024xf32, #tpu.memory_space<hbm>>
      %dma_start3A_148 = tpu.memref_squeeze %dma_start3A_147 : memref<1x1024xf32, #tpu.memory_space<hbm>> -> memref<1024xf32, #tpu.memory_space<hbm>>
      %dma_start3A_149 = arith.constant 0 : i32
      %dma_start3A_150 = tpu.memref_slice %arg2[%add3A_71, %dma_start3A_149] : memref<64x1024xf32, #tpu.memory_space<hbm>> -> memref<1x1024xf32, #tpu.memory_space<hbm>>
      %dma_start3A_151 = tpu.memref_squeeze %dma_start3A_150 : memref<1x1024xf32, #tpu.memory_space<hbm>> -> memref<1024xf32, #tpu.memory_space<hbm>>
      tpu.enqueue_dma source(%dma_start3A_151 : memref<1024xf32, #tpu.memory_space<hbm>>) target(%arg5 : memref<1024xf32, #tpu.memory_space<vmem>>) target_semaphore(%run_scoped3A : memref<!tpu.dma_semaphore, #tpu.memory_space<semaphore_mem>>)
      %dma_wait3A_152 = arith.constant 0 : i32
      %dma_wait3A_153 = tpu.memref_slice %arg2[%add3A_71, %dma_wait3A_152] : memref<64x1024xf32, #tpu.memory_space<hbm>> -> memref<1x1024xf32, #tpu.memory_space<hbm>>
      %dma_wait3A_154 = tpu.memref_squeeze %dma_wait3A_153 : memref<1x1024xf32, #tpu.memory_space<hbm>> -> memref<1024xf32, #tpu.memory_space<hbm>>
      %dma_wait3A_155 = arith.constant 0 : i32
      %dma_wait3A_156 = tpu.memref_slice %arg2[%add3A_71, %dma_wait3A_155] : memref<64x1024xf32, #tpu.memory_space<hbm>> -> memref<1x1024xf32, #tpu.memory_space<hbm>>
      %dma_wait3A_157 = tpu.memref_squeeze %dma_wait3A_156 : memref<1x1024xf32, #tpu.memory_space<hbm>> -> memref<1024xf32, #tpu.memory_space<hbm>>
      tpu.wait_dma2 semaphore(%run_scoped3A : memref<!tpu.dma_semaphore, #tpu.memory_space<semaphore_mem>>) src(%dma_wait3A_157 : memref<1024xf32, #tpu.memory_space<hbm>>) dst(%arg5 : memref<1024xf32, #tpu.memory_space<vmem>>)
      tpu.yield
    }) : () -> ()
    %scan3A_72 = arith.constant 0 : i32
    %scan3A_73 = arith.constant 0 : i32
    %scan3A_74 = arith.constant 4 : i32
    %scan3A_75 = arith.addi %scan3A_73, %scan3A_74 : i32
    %scan3A_76 = arith.constant 1 : i32
    %scan3A_77 = scf.for %scan3A_146 = %scan3A_73 to %scan3A_75 step %scan3A_76 iter_args(%scan3A_147 = %scan3A_72) -> (i32)  : i32 {
      %broadcast_in_dim3A_148 = arith.constant -1.000000e+00 : f32
      %broadcast_in_dim3A_149 = vector.broadcast %broadcast_in_dim3A_148 : f32 to vector<16xf32>
      %mul3A_150 = arith.constant 256 : i32
      %mul3A_151 = arith.muli %scan3A_146, %mul3A_150 : i32
      %add3A_152 = arith.constant 0 : i32
      %add3A_153 = arith.addi %mul3A_151, %add3A_152 : i32
      %get3A = arith.index_cast %add3A_153 : i32 to index
      %get3A_154 = tpu.vector_load %arg5[%get3A] {strides = array<i32>} : memref<1024xf32, #tpu.memory_space<vmem>>, vector<16xf32>,
      %reduce_max3A = arith.constant true
      %reduce_max3A_155 = vector.broadcast %reduce_max3A : i1 to vector<16xi1>
      %reduce_max3A_156 = tpu.scan <max>, %get3A_154 masked %reduce_max3A_155 : vector<16xf32>, vector<16xi1> -> vector<16xf32>
      %reduce_max3A_157 = vector.extract %reduce_max3A_156[15] : f32 from vector<16xf32>
      %eq3A_158 = arith.constant 0 : i32
      %eq3A_159 = vector.broadcast %eq3A_158 : i32 to vector<16xi32>
      %eq3A_160 = arith.cmpi eq, %iota3A, %eq3A_159 : vector<16xi32>
      %broadcast_in_dim3A_161 = vector.broadcast %reduce_max3A_157 : f32 to vector<16xf32>
      %select_n3A_162 = arith.select %eq3A_160, %broadcast_in_dim3A_161, %broadcast_in_dim3A_149 : vector<16xi1>, vector<16xf32>
      %mul3A_163 = arith.constant 256 : i32
      %mul3A_164 = arith.muli %scan3A_146, %mul3A_163 : i32
      %add3A_165 = arith.constant 16 : i32
      %add3A_166 = arith.addi %mul3A_164, %add3A_165 : i32
      %get3A_167 = arith.index_cast %add3A_166 : i32 to index
      %get3A_168 = tpu.vector_load %arg5[%get3A_167] {strides = array<i32>} : memref<1024xf32, #tpu.memory_space<vmem>>, vector<16xf32>,
      %reduce_max3A_169 = arith.constant true
      %reduce_max3A_170 = vector.broadcast %reduce_max3A_169 : i1 to vector<16xi1>
      %reduce_max3A_171 = tpu.scan <max>, %get3A_168 masked %reduce_max3A_170 : vector<16xf32>, vector<16xi1> -> vector<16xf32>
      %reduce_max3A_172 = vector.extract %reduce_max3A_171[15] : f32 from vector<16xf32>
      %eq3A_173 = arith.constant 1 : i32
      %eq3A_174 = vector.broadcast %eq3A_173 : i32 to vector<16xi32>
      %eq3A_175 = arith.cmpi eq, %iota3A, %eq3A_174 : vector<16xi32>
      %broadcast_in_dim3A_176 = vector.broadcast %reduce_max3A_172 : f32 to vector<16xf32>
      %select_n3A_177 = arith.select %eq3A_175, %broadcast_in_dim3A_176, %select_n3A_162 : vector<16xi1>, vector<16xf32>
      %mul3A_178 = arith.constant 256 : i32
      %mul3A_179 = arith.muli %scan3A_146, %mul3A_178 : i32
      %add3A_180 = arith.constant 32 : i32
      %add3A_181 = arith.addi %mul3A_179, %add3A_180 : i32
      %get3A_182 = arith.index_cast %add3A_181 : i32 to index
      %get3A_183 = tpu.vector_load %arg5[%get3A_182] {strides = array<i32>} : memref<1024xf32, #tpu.memory_space<vmem>>, vector<16xf32>,
      %reduce_max3A_184 = arith.constant true
      %reduce_max3A_185 = vector.broadcast %reduce_max3A_184 : i1 to vector<16xi1>
      %reduce_max3A_186 = tpu.scan <max>, %get3A_183 masked %reduce_max3A_185 : vector<16xf32>, vector<16xi1> -> vector<16xf32>
      %reduce_max3A_187 = vector.extract %reduce_max3A_186[15] : f32 from vector<16xf32>
      %eq3A_188 = arith.constant 2 : i32
      %eq3A_189 = vector.broadcast %eq3A_188 : i32 to vector<16xi32>
      %eq3A_190 = arith.cmpi eq, %iota3A, %eq3A_189 : vector<16xi32>
      %broadcast_in_dim3A_191 = vector.broadcast %reduce_max3A_187 : f32 to vector<16xf32>
      %select_n3A_192 = arith.select %eq3A_190, %broadcast_in_dim3A_191, %select_n3A_177 : vector<16xi1>, vector<16xf32>
      %mul3A_193 = arith.constant 256 : i32
      %mul3A_194 = arith.muli %scan3A_146, %mul3A_193 : i32
      %add3A_195 = arith.constant 48 : i32
      %add3A_196 = arith.addi %mul3A_194, %add3A_195 : i32
      %get3A_197 = arith.index_cast %add3A_196 : i32 to index
      %get3A_198 = tpu.vector_load %arg5[%get3A_197] {strides = array<i32>} : memref<1024xf32, #tpu.memory_space<vmem>>, vector<16xf32>,
      %reduce_max3A_199 = arith.constant true
      %reduce_max3A_200 = vector.broadcast %reduce_max3A_199 : i1 to vector<16xi1>
      %reduce_max3A_201 = tpu.scan <max>, %get3A_198 masked %reduce_max3A_200 : vector<16xf32>, vector<16xi1> -> vector<16xf32>
      %reduce_max3A_202 = vector.extract %reduce_max3A_201[15] : f32 from vector<16xf32>
      %eq3A_203 = arith.constant 3 : i32
      %eq3A_204 = vector.broadcast %eq3A_203 : i32 to vector<16xi32>
      %eq3A_205 = arith.cmpi eq, %iota3A, %eq3A_204 : vector<16xi32>
      %broadcast_in_dim3A_206 = vector.broadcast %reduce_max3A_202 : f32 to vector<16xf32>
      %select_n3A_207 = arith.select %eq3A_205, %broadcast_in_dim3A_206, %select_n3A_192 : vector<16xi1>, vector<16xf32>
      %mul3A_208 = arith.constant 256 : i32
      %mul3A_209 = arith.muli %scan3A_146, %mul3A_208 : i32
      %add3A_210 = arith.constant 64 : i32
      %add3A_211 = arith.addi %mul3A_209, %add3A_210 : i32
      %get3A_212 = arith.index_cast %add3A_211 : i32 to index
      %get3A_213 = tpu.vector_load %arg5[%get3A_212] {strides = array<i32>} : memref<1024xf32, #tpu.memory_space<vmem>>, vector<16xf32>,
      %reduce_max3A_214 = arith.constant true
      %reduce_max3A_215 = vector.broadcast %reduce_max3A_214 : i1 to vector<16xi1>
      %reduce_max3A_216 = tpu.scan <max>, %get3A_213 masked %reduce_max3A_215 : vector<16xf32>, vector<16xi1> -> vector<16xf32>
      %reduce_max3A_217 = vector.extract %reduce_max3A_216[15] : f32 from vector<16xf32>
      %eq3A_218 = arith.constant 4 : i32
      %eq3A_219 = vector.broadcast %eq3A_218 : i32 to vector<16xi32>
      %eq3A_220 = arith.cmpi eq, %iota3A, %eq3A_219 : vector<16xi32>
      %broadcast_in_dim3A_221 = vector.broadcast %reduce_max3A_217 : f32 to vector<16xf32>
      %select_n3A_222 = arith.select %eq3A_220, %broadcast_in_dim3A_221, %select_n3A_207 : vector<16xi1>, vector<16xf32>
      %mul3A_223 = arith.constant 256 : i32
      %mul3A_224 = arith.muli %scan3A_146, %mul3A_223 : i32
      %add3A_225 = arith.constant 80 : i32
      %add3A_226 = arith.addi %mul3A_224, %add3A_225 : i32
      %get3A_227 = arith.index_cast %add3A_226 : i32 to index
      %get3A_228 = tpu.vector_load %arg5[%get3A_227] {strides = array<i32>} : memref<1024xf32, #tpu.memory_space<vmem>>, vector<16xf32>,
      %reduce_max3A_229 = arith.constant true
      %reduce_max3A_230 = vector.broadcast %reduce_max3A_229 : i1 to vector<16xi1>
      %reduce_max3A_231 = tpu.scan <max>, %get3A_228 masked %reduce_max3A_230 : vector<16xf32>, vector<16xi1> -> vector<16xf32>
      %reduce_max3A_232 = vector.extract %reduce_max3A_231[15] : f32 from vector<16xf32>
      %eq3A_233 = arith.constant 5 : i32
      %eq3A_234 = vector.broadcast %eq3A_233 : i32 to vector<16xi32>
      %eq3A_235 = arith.cmpi eq, %iota3A, %eq3A_234 : vector<16xi32>
      %broadcast_in_dim3A_236 = vector.broadcast %reduce_max3A_232 : f32 to vector<16xf32>
      %select_n3A_237 = arith.select %eq3A_235, %broadcast_in_dim3A_236, %select_n3A_222 : vector<16xi1>, vector<16xf32>
      %mul3A_238 = arith.constant 256 : i32
      %mul3A_239 = arith.muli %scan3A_146, %mul3A_238 : i32
      %add3A_240 = arith.constant 96 : i32
      %add3A_241 = arith.addi %mul3A_239, %add3A_240 : i32
      %get3A_242 = arith.index_cast %add3A_241 : i32 to index
      %get3A_243 = tpu.vector_load %arg5[%get3A_242] {strides = array<i32>} : memref<1024xf32, #tpu.memory_space<vmem>>, vector<16xf32>,
      %reduce_max3A_244 = arith.constant true
      %reduce_max3A_245 = vector.broadcast %reduce_max3A_244 : i1 to vector<16xi1>
      %reduce_max3A_246 = tpu.scan <max>, %get3A_243 masked %reduce_max3A_245 : vector<16xf32>, vector<16xi1> -> vector<16xf32>
      %reduce_max3A_247 = vector.extract %reduce_max3A_246[15] : f32 from vector<16xf32>
      %eq3A_248 = arith.constant 6 : i32
      %eq3A_249 = vector.broadcast %eq3A_248 : i32 to vector<16xi32>
      %eq3A_250 = arith.cmpi eq, %iota3A, %eq3A_249 : vector<16xi32>
      %broadcast_in_dim3A_251 = vector.broadcast %reduce_max3A_247 : f32 to vector<16xf32>
      %select_n3A_252 = arith.select %eq3A_250, %broadcast_in_dim3A_251, %select_n3A_237 : vector<16xi1>, vector<16xf32>
      %mul3A_253 = arith.constant 256 : i32
      %mul3A_254 = arith.muli %scan3A_146, %mul3A_253 : i32
      %add3A_255 = arith.constant 112 : i32
      %add3A_256 = arith.addi %mul3A_254, %add3A_255 : i32
      %get3A_257 = arith.index_cast %add3A_256 : i32 to index
      %get3A_258 = tpu.vector_load %arg5[%get3A_257] {strides = array<i32>} : memref<1024xf32, #tpu.memory_space<vmem>>, vector<16xf32>,
      %reduce_max3A_259 = arith.constant true
      %reduce_max3A_260 = vector.broadcast %reduce_max3A_259 : i1 to vector<16xi1>
      %reduce_max3A_261 = tpu.scan <max>, %get3A_258 masked %reduce_max3A_260 : vector<16xf32>, vector<16xi1> -> vector<16xf32>
      %reduce_max3A_262 = vector.extract %reduce_max3A_261[15] : f32 from vector<16xf32>
      %eq3A_263 = arith.constant 7 : i32
      %eq3A_264 = vector.broadcast %eq3A_263 : i32 to vector<16xi32>
      %eq3A_265 = arith.cmpi eq, %iota3A, %eq3A_264 : vector<16xi32>
      %broadcast_in_dim3A_266 = vector.broadcast %reduce_max3A_262 : f32 to vector<16xf32>
      %select_n3A_267 = arith.select %eq3A_265, %broadcast_in_dim3A_266, %select_n3A_252 : vector<16xi1>, vector<16xf32>
      %mul3A_268 = arith.constant 256 : i32
      %mul3A_269 = arith.muli %scan3A_146, %mul3A_268 : i32
      %add3A_270 = arith.constant 128 : i32
      %add3A_271 = arith.addi %mul3A_269, %add3A_270 : i32
      %get3A_272 = arith.index_cast %add3A_271 : i32 to index
      %get3A_273 = tpu.vector_load %arg5[%get3A_272] {strides = array<i32>} : memref<1024xf32, #tpu.memory_space<vmem>>, vector<16xf32>,
      %reduce_max3A_274 = arith.constant true
      %reduce_max3A_275 = vector.broadcast %reduce_max3A_274 : i1 to vector<16xi1>
      %reduce_max3A_276 = tpu.scan <max>, %get3A_273 masked %reduce_max3A_275 : vector<16xf32>, vector<16xi1> -> vector<16xf32>
      %reduce_max3A_277 = vector.extract %reduce_max3A_276[15] : f32 from vector<16xf32>
      %eq3A_278 = arith.constant 8 : i32
      %eq3A_279 = vector.broadcast %eq3A_278 : i32 to vector<16xi32>
      %eq3A_280 = arith.cmpi eq, %iota3A, %eq3A_279 : vector<16xi32>
      %broadcast_in_dim3A_281 = vector.broadcast %reduce_max3A_277 : f32 to vector<16xf32>
      %select_n3A_282 = arith.select %eq3A_280, %broadcast_in_dim3A_281, %select_n3A_267 : vector<16xi1>, vector<16xf32>
      %mul3A_283 = arith.constant 256 : i32
      %mul3A_284 = arith.muli %scan3A_146, %mul3A_283 : i32
      %add3A_285 = arith.constant 144 : i32
      %add3A_286 = arith.addi %mul3A_284, %add3A_285 : i32
      %get3A_287 = arith.index_cast %add3A_286 : i32 to index
      %get3A_288 = tpu.vector_load %arg5[%get3A_287] {strides = array<i32>} : memref<1024xf32, #tpu.memory_space<vmem>>, vector<16xf32>,
      %reduce_max3A_289 = arith.constant true
      %reduce_max3A_290 = vector.broadcast %reduce_max3A_289 : i1 to vector<16xi1>
      %reduce_max3A_291 = tpu.scan <max>, %get3A_288 masked %reduce_max3A_290 : vector<16xf32>, vector<16xi1> -> vector<16xf32>
      %reduce_max3A_292 = vector.extract %reduce_max3A_291[15] : f32 from vector<16xf32>
      %eq3A_293 = arith.constant 9 : i32
      %eq3A_294 = vector.broadcast %eq3A_293 : i32 to vector<16xi32>
      %eq3A_295 = arith.cmpi eq, %iota3A, %eq3A_294 : vector<16xi32>
      %broadcast_in_dim3A_296 = vector.broadcast %reduce_max3A_292 : f32 to vector<16xf32>
      %select_n3A_297 = arith.select %eq3A_295, %broadcast_in_dim3A_296, %select_n3A_282 : vector<16xi1>, vector<16xf32>
      %mul3A_298 = arith.constant 256 : i32
      %mul3A_299 = arith.muli %scan3A_146, %mul3A_298 : i32
      %add3A_300 = arith.constant 160 : i32
      %add3A_301 = arith.addi %mul3A_299, %add3A_300 : i32
      %get3A_302 = arith.index_cast %add3A_301 : i32 to index
      %get3A_303 = tpu.vector_load %arg5[%get3A_302] {strides = array<i32>} : memref<1024xf32, #tpu.memory_space<vmem>>, vector<16xf32>,
      %reduce_max3A_304 = arith.constant true
      %reduce_max3A_305 = vector.broadcast %reduce_max3A_304 : i1 to vector<16xi1>
      %reduce_max3A_306 = tpu.scan <max>, %get3A_303 masked %reduce_max3A_305 : vector<16xf32>, vector<16xi1> -> vector<16xf32>
      %reduce_max3A_307 = vector.extract %reduce_max3A_306[15] : f32 from vector<16xf32>
      %eq3A_308 = arith.constant 10 : i32
      %eq3A_309 = vector.broadcast %eq3A_308 : i32 to vector<16xi32>
      %eq3A_310 = arith.cmpi eq, %iota3A, %eq3A_309 : vector<16xi32>
      %broadcast_in_dim3A_311 = vector.broadcast %reduce_max3A_307 : f32 to vector<16xf32>
      %select_n3A_312 = arith.select %eq3A_310, %broadcast_in_dim3A_311, %select_n3A_297 : vector<16xi1>, vector<16xf32>
      %mul3A_313 = arith.constant 256 : i32
      %mul3A_314 = arith.muli %scan3A_146, %mul3A_313 : i32
      %add3A_315 = arith.constant 176 : i32
      %add3A_316 = arith.addi %mul3A_314, %add3A_315 : i32
      %get3A_317 = arith.index_cast %add3A_316 : i32 to index
      %get3A_318 = tpu.vector_load %arg5[%get3A_317] {strides = array<i32>} : memref<1024xf32, #tpu.memory_space<vmem>>, vector<16xf32>,
      %reduce_max3A_319 = arith.constant true
      %reduce_max3A_320 = vector.broadcast %reduce_max3A_319 : i1 to vector<16xi1>
      %reduce_max3A_321 = tpu.scan <max>, %get3A_318 masked %reduce_max3A_320 : vector<16xf32>, vector<16xi1> -> vector<16xf32>
      %reduce_max3A_322 = vector.extract %reduce_max3A_321[15] : f32 from vector<16xf32>
      %eq3A_323 = arith.constant 11 : i32
      %eq3A_324 = vector.broadcast %eq3A_323 : i32 to vector<16xi32>
      %eq3A_325 = arith.cmpi eq, %iota3A, %eq3A_324 : vector<16xi32>
      %broadcast_in_dim3A_326 = vector.broadcast %reduce_max3A_322 : f32 to vector<16xf32>
      %select_n3A_327 = arith.select %eq3A_325, %broadcast_in_dim3A_326, %select_n3A_312 : vector<16xi1>, vector<16xf32>
      %mul3A_328 = arith.constant 256 : i32
      %mul3A_329 = arith.muli %scan3A_146, %mul3A_328 : i32
      %add3A_330 = arith.constant 192 : i32
      %add3A_331 = arith.addi %mul3A_329, %add3A_330 : i32
      %get3A_332 = arith.index_cast %add3A_331 : i32 to index
      %get3A_333 = tpu.vector_load %arg5[%get3A_332] {strides = array<i32>} : memref<1024xf32, #tpu.memory_space<vmem>>, vector<16xf32>,
      %reduce_max3A_334 = arith.constant true
      %reduce_max3A_335 = vector.broadcast %reduce_max3A_334 : i1 to vector<16xi1>
      %reduce_max3A_336 = tpu.scan <max>, %get3A_333 masked %reduce_max3A_335 : vector<16xf32>, vector<16xi1> -> vector<16xf32>
      %reduce_max3A_337 = vector.extract %reduce_max3A_336[15] : f32 from vector<16xf32>
      %eq3A_338 = arith.constant 12 : i32
      %eq3A_339 = vector.broadcast %eq3A_338 : i32 to vector<16xi32>
      %eq3A_340 = arith.cmpi eq, %iota3A, %eq3A_339 : vector<16xi32>
      %broadcast_in_dim3A_341 = vector.broadcast %reduce_max3A_337 : f32 to vector<16xf32>
      %select_n3A_342 = arith.select %eq3A_340, %broadcast_in_dim3A_341, %select_n3A_327 : vector<16xi1>, vector<16xf32>
      %mul3A_343 = arith.constant 256 : i32
      %mul3A_344 = arith.muli %scan3A_146, %mul3A_343 : i32
      %add3A_345 = arith.constant 208 : i32
      %add3A_346 = arith.addi %mul3A_344, %add3A_345 : i32
      %get3A_347 = arith.index_cast %add3A_346 : i32 to index
      %get3A_348 = tpu.vector_load %arg5[%get3A_347] {strides = array<i32>} : memref<1024xf32, #tpu.memory_space<vmem>>, vector<16xf32>,
      %reduce_max3A_349 = arith.constant true
      %reduce_max3A_350 = vector.broadcast %reduce_max3A_349 : i1 to vector<16xi1>
      %reduce_max3A_351 = tpu.scan <max>, %get3A_348 masked %reduce_max3A_350 : vector<16xf32>, vector<16xi1> -> vector<16xf32>
      %reduce_max3A_352 = vector.extract %reduce_max3A_351[15] : f32 from vector<16xf32>
      %eq3A_353 = arith.constant 13 : i32
      %eq3A_354 = vector.broadcast %eq3A_353 : i32 to vector<16xi32>
      %eq3A_355 = arith.cmpi eq, %iota3A, %eq3A_354 : vector<16xi32>
      %broadcast_in_dim3A_356 = vector.broadcast %reduce_max3A_352 : f32 to vector<16xf32>
      %select_n3A_357 = arith.select %eq3A_355, %broadcast_in_dim3A_356, %select_n3A_342 : vector<16xi1>, vector<16xf32>
      %mul3A_358 = arith.constant 256 : i32
      %mul3A_359 = arith.muli %scan3A_146, %mul3A_358 : i32
      %add3A_360 = arith.constant 224 : i32
      %add3A_361 = arith.addi %mul3A_359, %add3A_360 : i32
      %get3A_362 = arith.index_cast %add3A_361 : i32 to index
      %get3A_363 = tpu.vector_load %arg5[%get3A_362] {strides = array<i32>} : memref<1024xf32, #tpu.memory_space<vmem>>, vector<16xf32>,
      %reduce_max3A_364 = arith.constant true
      %reduce_max3A_365 = vector.broadcast %reduce_max3A_364 : i1 to vector<16xi1>
      %reduce_max3A_366 = tpu.scan <max>, %get3A_363 masked %reduce_max3A_365 : vector<16xf32>, vector<16xi1> -> vector<16xf32>
      %reduce_max3A_367 = vector.extract %reduce_max3A_366[15] : f32 from vector<16xf32>
      %eq3A_368 = arith.constant 14 : i32
      %eq3A_369 = vector.broadcast %eq3A_368 : i32 to vector<16xi32>
      %eq3A_370 = arith.cmpi eq, %iota3A, %eq3A_369 : vector<16xi32>
      %broadcast_in_dim3A_371 = vector.broadcast %reduce_max3A_367 : f32 to vector<16xf32>
      %select_n3A_372 = arith.select %eq3A_370, %broadcast_in_dim3A_371, %select_n3A_357 : vector<16xi1>, vector<16xf32>
      %mul3A_373 = arith.constant 256 : i32
      %mul3A_374 = arith.muli %scan3A_146, %mul3A_373 : i32
      %add3A_375 = arith.constant 240 : i32
      %add3A_376 = arith.addi %mul3A_374, %add3A_375 : i32
      %get3A_377 = arith.index_cast %add3A_376 : i32 to index
      %get3A_378 = tpu.vector_load %arg5[%get3A_377] {strides = array<i32>} : memref<1024xf32, #tpu.memory_space<vmem>>, vector<16xf32>,
      %reduce_max3A_379 = arith.constant true
      %reduce_max3A_380 = vector.broadcast %reduce_max3A_379 : i1 to vector<16xi1>
      %reduce_max3A_381 = tpu.scan <max>, %get3A_378 masked %reduce_max3A_380 : vector<16xf32>, vector<16xi1> -> vector<16xf32>
      %reduce_max3A_382 = vector.extract %reduce_max3A_381[15] : f32 from vector<16xf32>
      %eq3A_383 = arith.constant 15 : i32
      %eq3A_384 = vector.broadcast %eq3A_383 : i32 to vector<16xi32>
      %eq3A_385 = arith.cmpi eq, %iota3A, %eq3A_384 : vector<16xi32>
      %broadcast_in_dim3A_386 = vector.broadcast %reduce_max3A_382 : f32 to vector<16xf32>
      %select_n3A_387 = arith.select %eq3A_385, %broadcast_in_dim3A_386, %select_n3A_372 : vector<16xi1>, vector<16xf32>
      %mul3A_388 = arith.constant 16 : i32
      %mul3A_389 = arith.muli %scan3A_146, %mul3A_388 : i32
      %swap3A_390 = arith.index_cast %mul3A_389 : i32 to index
      %swap3A_391 = tpu.vector_load %arg6[%swap3A_390] {strides = array<i32>} : memref<64xf32, #tpu.memory_space<vmem>>, vector<16xf32>,
      tpu.vector_store %arg6[%swap3A_390], %select_n3A_387 {strides = array<i32>} : memref<64xf32, #tpu.memory_space<vmem>>, vector<16xf32>,
      %scan3A_392 = arith.constant 0 : i32
      scf.yield %scan3A_392 : i32
    }
    %scan3A_78 = arith.constant 4 : i32
    %broadcast_in_dim3A_79 = arith.constant 0 : i32
    %broadcast_in_dim3A_80 = vector.broadcast %broadcast_in_dim3A_79 : i32 to vector<16xi32>
    %scan3A_81 = arith.constant 0.000000e+00 : f32
    %scan3A_82 = arith.constant 0.000000e+00 : f32
    %scan3A_83 = arith.constant 0 : i32
    %scan3A_84 = arith.constant 32 : i32
    %scan3A_85 = arith.addi %scan3A_83, %scan3A_84 : i32
    %scan3A_86 = arith.constant 1 : i32
    %scan3A_87:4 = scf.for %scan3A_146 = %scan3A_83 to %scan3A_85 step %scan3A_86 iter_args(%scan3A_147 = %broadcast_in_dim3A_80, %scan3A_148 = %broadcast_in_dim3A_80, %scan3A_149 = %scan3A_81, %scan3A_150 = %scan3A_82) -> (vector<16xi32>, vector<16xi32>, f32, f32)  : i32 {
      %get3A = arith.constant 0 : index
      %get3A_151 = tpu.vector_load %arg6[%get3A] {strides = array<i32>} : memref<64xf32, #tpu.memory_space<vmem>>, vector<16xf32>,
      %get3A_152 = arith.constant 16 : index
      %get3A_153 = tpu.vector_load %arg6[%get3A_152] {strides = array<i32>} : memref<64xf32, #tpu.memory_space<vmem>>, vector<16xf32>,
      %get3A_154 = arith.constant 32 : index
      %get3A_155 = tpu.vector_load %arg6[%get3A_154] {strides = array<i32>} : memref<64xf32, #tpu.memory_space<vmem>>, vector<16xf32>,
      %get3A_156 = arith.constant 48 : index
      %get3A_157 = tpu.vector_load %arg6[%get3A_156] {strides = array<i32>} : memref<64xf32, #tpu.memory_space<vmem>>, vector<16xf32>,
      %max3A = arith.maximumf %get3A_151, %get3A_153 : vector<16xf32>
      %max3A_158 = arith.maximumf %max3A, %get3A_155 : vector<16xf32>
      %max3A_159 = arith.maximumf %max3A_158, %get3A_157 : vector<16xf32>
      %reduce_max3A = arith.constant true
      %reduce_max3A_160 = vector.broadcast %reduce_max3A : i1 to vector<16xi1>
      %reduce_max3A_161 = tpu.scan <max>, %max3A_159 masked %reduce_max3A_160 : vector<16xf32>, vector<16xi1> -> vector<16xf32>
      %reduce_max3A_162 = vector.extract %reduce_max3A_161[15] : f32 from vector<16xf32>
      %broadcast_in_dim3A_163 = arith.constant -1 : i32
      %broadcast_in_dim3A_164 = vector.broadcast %broadcast_in_dim3A_163 : i32 to vector<16xi32>
      %eq3A_165 = vector.broadcast %reduce_max3A_162 : f32 to vector<16xf32>
      %eq3A_166 = arith.cmpf oeq, %get3A_151, %eq3A_165 : vector<16xf32>
      %add3A_167 = arith.constant 0 : i32
      %add3A_168 = vector.broadcast %add3A_167 : i32 to vector<16xi32>
      %add3A_169 = arith.addi %iota3A, %add3A_168 : vector<16xi32>
      %jit3A_170 = arith.constant -1 : i32
      %broadcast_in_dim3A_171 = vector.broadcast %jit3A_170 : i32 to vector<16xi32>
      %select_n3A_172 = arith.select %eq3A_166, %add3A_169, %broadcast_in_dim3A_171 : vector<16xi1>, vector<16xi32>
      %max3A_173 = arith.maxsi %broadcast_in_dim3A_164, %select_n3A_172 : vector<16xi32>
      %eq3A_174 = vector.broadcast %reduce_max3A_162 : f32 to vector<16xf32>
      %eq3A_175 = arith.cmpf oeq, %get3A_153, %eq3A_174 : vector<16xf32>
      %add3A_176 = arith.constant 16 : i32
      %add3A_177 = vector.broadcast %add3A_176 : i32 to vector<16xi32>
      %add3A_178 = arith.addi %iota3A, %add3A_177 : vector<16xi32>
      %jit3A_179 = arith.constant -1 : i32
      %broadcast_in_dim3A_180 = vector.broadcast %jit3A_179 : i32 to vector<16xi32>
      %select_n3A_181 = arith.select %eq3A_175, %add3A_178, %broadcast_in_dim3A_180 : vector<16xi1>, vector<16xi32>
      %max3A_182 = arith.maxsi %max3A_173, %select_n3A_181 : vector<16xi32>
      %eq3A_183 = vector.broadcast %reduce_max3A_162 : f32 to vector<16xf32>
      %eq3A_184 = arith.cmpf oeq, %get3A_155, %eq3A_183 : vector<16xf32>
      %add3A_185 = arith.constant 32 : i32
      %add3A_186 = vector.broadcast %add3A_185 : i32 to vector<16xi32>
      %add3A_187 = arith.addi %iota3A, %add3A_186 : vector<16xi32>
      %jit3A_188 = arith.constant -1 : i32
      %broadcast_in_dim3A_189 = vector.broadcast %jit3A_188 : i32 to vector<16xi32>
      %select_n3A_190 = arith.select %eq3A_184, %add3A_187, %broadcast_in_dim3A_189 : vector<16xi1>, vector<16xi32>
      %max3A_191 = arith.maxsi %max3A_182, %select_n3A_190 : vector<16xi32>
      %eq3A_192 = vector.broadcast %reduce_max3A_162 : f32 to vector<16xf32>
      %eq3A_193 = arith.cmpf oeq, %get3A_157, %eq3A_192 : vector<16xf32>
      %add3A_194 = arith.constant 48 : i32
      %add3A_195 = vector.broadcast %add3A_194 : i32 to vector<16xi32>
      %add3A_196 = arith.addi %iota3A, %add3A_195 : vector<16xi32>
      %jit3A_197 = arith.constant -1 : i32
      %broadcast_in_dim3A_198 = vector.broadcast %jit3A_197 : i32 to vector<16xi32>
      %select_n3A_199 = arith.select %eq3A_193, %add3A_196, %broadcast_in_dim3A_198 : vector<16xi1>, vector<16xi32>
      %max3A_200 = arith.maxsi %max3A_191, %select_n3A_199 : vector<16xi32>
      %reduce_max3A_201 = arith.constant true
      %reduce_max3A_202 = vector.broadcast %reduce_max3A_201 : i1 to vector<16xi1>
      %reduce_max3A_203 = arith.constant -2147483648 : i32
      %reduce_max3A_204 = vector.broadcast %reduce_max3A_203 : i32 to vector<16xi32>
      %reduce_max3A_205 = arith.xori %max3A_200, %reduce_max3A_204 : vector<16xi32>
      %reduce_max3A_206 = tpu.scan <max>, %reduce_max3A_205 masked %reduce_max3A_202 : vector<16xi32>, vector<16xi1> -> vector<16xi32>
      %reduce_max3A_207 = arith.xori %reduce_max3A_206, %reduce_max3A_204 : vector<16xi32>
      %reduce_max3A_208 = vector.extract %reduce_max3A_207[15] : i32 from vector<16xi32>
      %mul3A_209 = arith.constant 16 : i32
      %mul3A_210 = arith.muli %reduce_max3A_208, %mul3A_209 : i32
      %get3A_211 = arith.index_cast %mul3A_210 : i32 to index
      %get3A_212 = tpu.vector_load %arg5[%get3A_211] {strides = array<i32>} : memref<1024xf32, #tpu.memory_space<vmem>>, vector<16xf32>,
      %eq3A_213 = vector.broadcast %reduce_max3A_162 : f32 to vector<16xf32>
      %eq3A_214 = arith.cmpf oeq, %get3A_212, %eq3A_213 : vector<16xf32>
      %jit3A_215 = arith.constant -1 : i32
      %broadcast_in_dim3A_216 = vector.broadcast %jit3A_215 : i32 to vector<16xi32>
      %select_n3A_217 = arith.select %eq3A_214, %iota3A, %broadcast_in_dim3A_216 : vector<16xi1>, vector<16xi32>
      %reduce_max3A_218 = arith.constant true
      %reduce_max3A_219 = vector.broadcast %reduce_max3A_218 : i1 to vector<16xi1>
      %reduce_max3A_220 = arith.constant -2147483648 : i32
      %reduce_max3A_221 = vector.broadcast %reduce_max3A_220 : i32 to vector<16xi32>
      %reduce_max3A_222 = arith.xori %select_n3A_217, %reduce_max3A_221 : vector<16xi32>
      %reduce_max3A_223 = tpu.scan <max>, %reduce_max3A_222 masked %reduce_max3A_219 : vector<16xi32>, vector<16xi1> -> vector<16xi32>
      %reduce_max3A_224 = arith.xori %reduce_max3A_223, %reduce_max3A_221 : vector<16xi32>
      %reduce_max3A_225 = vector.extract %reduce_max3A_224[15] : i32 from vector<16xi32>
      %mul3A_226 = arith.constant 16 : i32
      %mul3A_227 = arith.muli %reduce_max3A_208, %mul3A_226 : i32
      %add3A_228 = arith.addi %mul3A_227, %reduce_max3A_225 : i32
      %shift_right_arithmetic3A_229 = arith.constant 7 : i32
      %shift_right_arithmetic3A_230 = arith.shrsi %add3A_228, %shift_right_arithmetic3A_229 : i32
      %mul3A_231 = arith.constant 32 : i32
      %mul3A_232 = arith.muli %shift_right_arithmetic3A_230, %mul3A_231 : i32
      %and3A = arith.constant 127 : i32
      %and3A_233 = arith.andi %add3A_228, %and3A : i32
      %add3A_234 = arith.addi %mul3A_232, %and3A_233 : i32
      %eq3A_235 = vector.broadcast %reduce_max3A_162 : f32 to vector<16xf32>
      %eq3A_236 = arith.cmpf oeq, %get3A_212, %eq3A_235 : vector<16xf32>
      %jit3A_237 = arith.constant -1.000000e+00 : f32
      %broadcast_in_dim3A_238 = vector.broadcast %jit3A_237 : f32 to vector<16xf32>
      %select_n3A_239 = arith.select %eq3A_236, %broadcast_in_dim3A_238, %get3A_212 : vector<16xi1>, vector<16xf32>
      %mul3A_240 = arith.constant 16 : i32
      %mul3A_241 = arith.muli %reduce_max3A_208, %mul3A_240 : i32
      %swap3A_242 = arith.index_cast %mul3A_241 : i32 to index
      %swap3A_243 = tpu.vector_load %arg5[%swap3A_242] {strides = array<i32>} : memref<1024xf32, #tpu.memory_space<vmem>>, vector<16xf32>,
      tpu.vector_store %arg5[%swap3A_242], %select_n3A_239 {strides = array<i32>} : memref<1024xf32, #tpu.memory_space<vmem>>, vector<16xf32>,
      %reduce_max3A_244 = arith.constant true
      %reduce_max3A_245 = vector.broadcast %reduce_max3A_244 : i1 to vector<16xi1>
      %reduce_max3A_246 = tpu.scan <max>, %select_n3A_239 masked %reduce_max3A_245 : vector<16xf32>, vector<16xi1> -> vector<16xf32>
      %reduce_max3A_247 = vector.extract %reduce_max3A_246[15] : f32 from vector<16xf32>
      %get3A_248 = arith.constant 0 : index
      %get3A_249 = tpu.vector_load %arg6[%get3A_248] {strides = array<i32>} : memref<64xf32, #tpu.memory_space<vmem>>, vector<16xf32>,
      %add3A_250 = arith.constant 0 : i32
      %add3A_251 = vector.broadcast %add3A_250 : i32 to vector<16xi32>
      %add3A_252 = arith.addi %iota3A, %add3A_251 : vector<16xi32>
      %eq3A_253 = vector.broadcast %reduce_max3A_208 : i32 to vector<16xi32>
      %eq3A_254 = arith.cmpi eq, %add3A_252, %eq3A_253 : vector<16xi32>
      %broadcast_in_dim3A_255 = vector.broadcast %reduce_max3A_247 : f32 to vector<16xf32>
      %select_n3A_256 = arith.select %eq3A_254, %broadcast_in_dim3A_255, %get3A_249 : vector<16xi1>, vector<16xf32>
      %swap3A_257 = arith.constant 0 : index
      %swap3A_258 = tpu.vector_load %arg6[%swap3A_257] {strides = array<i32>} : memref<64xf32, #tpu.memory_space<vmem>>, vector<16xf32>,
      tpu.vector_store %arg6[%swap3A_257], %select_n3A_256 {strides = array<i32>} : memref<64xf32, #tpu.memory_space<vmem>>, vector<16xf32>,
      %get3A_259 = arith.constant 16 : index
      %get3A_260 = tpu.vector_load %arg6[%get3A_259] {strides = array<i32>} : memref<64xf32, #tpu.memory_space<vmem>>, vector<16xf32>,
      %add3A_261 = arith.constant 16 : i32
      %add3A_262 = vector.broadcast %add3A_261 : i32 to vector<16xi32>
      %add3A_263 = arith.addi %iota3A, %add3A_262 : vector<16xi32>
      %eq3A_264 = vector.broadcast %reduce_max3A_208 : i32 to vector<16xi32>
      %eq3A_265 = arith.cmpi eq, %add3A_263, %eq3A_264 : vector<16xi32>
      %broadcast_in_dim3A_266 = vector.broadcast %reduce_max3A_247 : f32 to vector<16xf32>
      %select_n3A_267 = arith.select %eq3A_265, %broadcast_in_dim3A_266, %get3A_260 : vector<16xi1>, vector<16xf32>
      %swap3A_268 = arith.constant 16 : index
      %swap3A_269 = tpu.vector_load %arg6[%swap3A_268] {strides = array<i32>} : memref<64xf32, #tpu.memory_space<vmem>>, vector<16xf32>,
      tpu.vector_store %arg6[%swap3A_268], %select_n3A_267 {strides = array<i32>} : memref<64xf32, #tpu.memory_space<vmem>>, vector<16xf32>,
      %get3A_270 = arith.constant 32 : index
      %get3A_271 = tpu.vector_load %arg6[%get3A_270] {strides = array<i32>} : memref<64xf32, #tpu.memory_space<vmem>>, vector<16xf32>,
      %add3A_272 = arith.constant 32 : i32
      %add3A_273 = vector.broadcast %add3A_272 : i32 to vector<16xi32>
      %add3A_274 = arith.addi %iota3A, %add3A_273 : vector<16xi32>
      %eq3A_275 = vector.broadcast %reduce_max3A_208 : i32 to vector<16xi32>
      %eq3A_276 = arith.cmpi eq, %add3A_274, %eq3A_275 : vector<16xi32>
      %broadcast_in_dim3A_277 = vector.broadcast %reduce_max3A_247 : f32 to vector<16xf32>
      %select_n3A_278 = arith.select %eq3A_276, %broadcast_in_dim3A_277, %get3A_271 : vector<16xi1>, vector<16xf32>
      %swap3A_279 = arith.constant 32 : index
      %swap3A_280 = tpu.vector_load %arg6[%swap3A_279] {strides = array<i32>} : memref<64xf32, #tpu.memory_space<vmem>>, vector<16xf32>,
      tpu.vector_store %arg6[%swap3A_279], %select_n3A_278 {strides = array<i32>} : memref<64xf32, #tpu.memory_space<vmem>>, vector<16xf32>,
      %get3A_281 = arith.constant 48 : index
      %get3A_282 = tpu.vector_load %arg6[%get3A_281] {strides = array<i32>} : memref<64xf32, #tpu.memory_space<vmem>>, vector<16xf32>,
      %add3A_283 = arith.constant 48 : i32
      %add3A_284 = vector.broadcast %add3A_283 : i32 to vector<16xi32>
      %add3A_285 = arith.addi %iota3A, %add3A_284 : vector<16xi32>
      %eq3A_286 = vector.broadcast %reduce_max3A_208 : i32 to vector<16xi32>
      %eq3A_287 = arith.cmpi eq, %add3A_285, %eq3A_286 : vector<16xi32>
      %broadcast_in_dim3A_288 = vector.broadcast %reduce_max3A_247 : f32 to vector<16xf32>
      %select_n3A_289 = arith.select %eq3A_287, %broadcast_in_dim3A_288, %get3A_282 : vector<16xi1>, vector<16xf32>
      %swap3A_290 = arith.constant 48 : index
      %swap3A_291 = tpu.vector_load %arg6[%swap3A_290] {strides = array<i32>} : memref<64xf32, #tpu.memory_space<vmem>>, vector<16xf32>,
      tpu.vector_store %arg6[%swap3A_290], %select_n3A_289 {strides = array<i32>} : memref<64xf32, #tpu.memory_space<vmem>>, vector<16xf32>,
      %eq3A_292 = vector.broadcast %scan3A_146 : i32 to vector<16xi32>
      %eq3A_293 = arith.cmpi eq, %iota3A, %eq3A_292 : vector<16xi32>
      %broadcast_in_dim3A_294 = vector.broadcast %add3A_234 : i32 to vector<16xi32>
      %select_n3A_295 = arith.select %eq3A_293, %broadcast_in_dim3A_294, %scan3A_147 : vector<16xi1>, vector<16xi32>
      %sub3A = arith.constant 16 : i32
      %sub3A_296 = arith.subi %scan3A_146, %sub3A : i32
      %eq3A_297 = vector.broadcast %sub3A_296 : i32 to vector<16xi32>
      %eq3A_298 = arith.cmpi eq, %iota3A, %eq3A_297 : vector<16xi32>
      %broadcast_in_dim3A_299 = vector.broadcast %add3A_234 : i32 to vector<16xi32>
      %select_n3A_300 = arith.select %eq3A_298, %broadcast_in_dim3A_299, %scan3A_148 : vector<16xi1>, vector<16xi32>
      %eq3A_301 = arith.constant 0 : i32
      %eq3A_302 = arith.cmpi eq, %scan3A_146, %eq3A_301 : i32
      %select_n3A_303 = arith.select %eq3A_302, %reduce_max3A_162, %scan3A_149 : f32
      %eq3A_304 = arith.constant 24 : i32
      %eq3A_305 = arith.cmpi eq, %scan3A_146, %eq3A_304 : i32
      %select_n3A_306 = arith.select %eq3A_305, %reduce_max3A_162, %scan3A_150 : f32
      scf.yield %select_n3A_295, %select_n3A_300, %select_n3A_303, %select_n3A_306 : vector<16xi32>, vector<16xi32>, f32, f32
    }
    %scan3A_88 = arith.constant 32 : i32
    %mul3A_89 = arith.constant 256 : i32
    %mul3A_90 = arith.muli %add3A_71, %mul3A_89 : i32
    %add3A_91 = vector.broadcast %mul3A_90 : i32 to vector<16xi32>
    %add3A_92 = arith.addi %scan3A_87#0, %add3A_91 : vector<16xi32>
    %swap3A_93 = arith.constant 0 : index
    %swap3A_94 = tpu.vector_load %arg7[%swap3A_93] {strides = array<i32>} : memref<32xi32, #tpu.memory_space<vmem>>, vector<16xi32>,
    tpu.vector_store %arg7[%swap3A_93], %add3A_92 {strides = array<i32>} : memref<32xi32, #tpu.memory_space<vmem>>, vector<16xi32>,
    %mul3A_95 = arith.constant 256 : i32
    %mul3A_96 = arith.muli %add3A_71, %mul3A_95 : i32
    %add3A_97 = vector.broadcast %mul3A_96 : i32 to vector<16xi32>
    %add3A_98 = arith.addi %scan3A_87#1, %add3A_97 : vector<16xi32>
    %swap3A_99 = arith.constant 16 : index
    %swap3A_100 = tpu.vector_load %arg7[%swap3A_99] {strides = array<i32>} : memref<32xi32, #tpu.memory_space<vmem>>, vector<16xi32>,
    tpu.vector_store %arg7[%swap3A_99], %add3A_98 {strides = array<i32>} : memref<32xi32, #tpu.memory_space<vmem>>, vector<16xi32>,
    %dma_start3A_101 = arith.constant 0 : i32
    %dma_start3A_102 = arith.constant 0 : i32
    %dma_start3A_103 = tpu.memref_slice %arg3[%dma_start3A_101, %dma_start3A_102] : memref<16384x128xf32, #tpu.memory_space<hbm>> -> memref<16384x128xf32, #tpu.memory_space<hbm>>
    tpu.enqueue_indirect_dma source(%dma_start3A_103 : memref<16384x128xf32, #tpu.memory_space<hbm>>) target(%arg8 : memref<32x128xf32, #tpu.memory_space<vmem>>) offsets(%arg7 : memref<32xi32, #tpu.memory_space<vmem>>) semaphore(%arg11 : memref<!tpu.dma_semaphore, #tpu.memory_space<semaphore_mem>>)
    %dma_wait3A_104 = arith.constant 0 : i32
    %dma_wait3A_105 = arith.constant 0 : i32
    %dma_wait3A_106 = tpu.memref_slice %arg3[%dma_wait3A_104, %dma_wait3A_105] : memref<16384x128xf32, #tpu.memory_space<hbm>> -> memref<16384x128xf32, #tpu.memory_space<hbm>>
    tpu.wait_indirect_dma semaphore(%arg11 : memref<!tpu.dma_semaphore, #tpu.memory_space<semaphore_mem>>) src(%dma_wait3A_106 : memref<16384x128xf32, #tpu.memory_space<hbm>>) dst(%arg8 : memref<32x128xf32, #tpu.memory_space<vmem>>)
    %scan3A_107 = arith.constant 0 : i32
    %scan3A_108 = arith.constant 0 : i32
    %scan3A_109 = arith.constant 25 : i32
    %scan3A_110 = arith.addi %scan3A_108, %scan3A_109 : i32
    %scan3A_111 = arith.constant 1 : i32
    %scan3A_112 = scf.for %scan3A_146 = %scan3A_108 to %scan3A_110 step %scan3A_111 iter_args(%scan3A_147 = %scan3A_107) -> (i32)  : i32 {
      %get3A = arith.index_cast %scan3A_146 : i32 to index
      %get3A_148 = arith.constant 0 : index
      %get3A_149 = tpu.vector_load %arg8[%get3A, %get3A_148] {strides = array<i32>} : memref<32x128xf32, #tpu.memory_space<vmem>>, vector<16xf32>,
      %ge3A = vector.broadcast %scan3A_87#3 : f32 to vector<16xf32>
      %ge3A_150 = arith.cmpf oge, %get3A_149, %ge3A : vector<16xf32>
      %swap3A_151 = arith.index_cast %scan3A_147 : i32 to index
      %swap3A_152 = tpu.vector_load %arg9[%swap3A_151] masked %ge3A_150 {strides = array<i32>} : memref<4112xf32, #tpu.memory_space<vmem>>, vector<16xf32>, vector<16xi1>
      tpu.vector_store %arg9[%swap3A_151], %get3A_149 masked %ge3A_150 {strides = array<i32>} : memref<4112xf32, #tpu.memory_space<vmem>>, vector<16xf32>, vector<16xi1>
      %all_reduce_population_count3A = tpu.all_reduce %ge3A_150 {dim = 0 : i64, kind = #tpu.reduction_kind<sum>} : vector<16xi1> -> vector<16xi32>
      %slice3A = vector.extract_strided_slice %all_reduce_population_count3A {offsets = [0], sizes = [1], strides = [1]} : vector<16xi32> to vector<1xi32>
      %squeeze3A = vector.extract %slice3A[0] : i32 from vector<1xi32>
      %add3A_153 = arith.addi %scan3A_147, %squeeze3A : i32
      %get3A_154 = arith.index_cast %scan3A_146 : i32 to index
      %get3A_155 = arith.constant 16 : index
      %get3A_156 = tpu.vector_load %arg8[%get3A_154, %get3A_155] {strides = array<i32>} : memref<32x128xf32, #tpu.memory_space<vmem>>, vector<16xf32>,
      %ge3A_157 = vector.broadcast %scan3A_87#3 : f32 to vector<16xf32>
      %ge3A_158 = arith.cmpf oge, %get3A_156, %ge3A_157 : vector<16xf32>
      %swap3A_159 = arith.index_cast %add3A_153 : i32 to index
      %swap3A_160 = tpu.vector_load %arg9[%swap3A_159] masked %ge3A_158 {strides = array<i32>} : memref<4112xf32, #tpu.memory_space<vmem>>, vector<16xf32>, vector<16xi1>
      tpu.vector_store %arg9[%swap3A_159], %get3A_156 masked %ge3A_158 {strides = array<i32>} : memref<4112xf32, #tpu.memory_space<vmem>>, vector<16xf32>, vector<16xi1>
      %all_reduce_population_count3A_161 = tpu.all_reduce %ge3A_158 {dim = 0 : i64, kind = #tpu.reduction_kind<sum>} : vector<16xi1> -> vector<16xi32>
      %slice3A_162 = vector.extract_strided_slice %all_reduce_population_count3A_161 {offsets = [0], sizes = [1], strides = [1]} : vector<16xi32> to vector<1xi32>
      %squeeze3A_163 = vector.extract %slice3A_162[0] : i32 from vector<1xi32>
      %add3A_164 = arith.addi %add3A_153, %squeeze3A_163 : i32
      %get3A_165 = arith.index_cast %scan3A_146 : i32 to index
      %get3A_166 = arith.constant 32 : index
      %get3A_167 = tpu.vector_load %arg8[%get3A_165, %get3A_166] {strides = array<i32>} : memref<32x128xf32, #tpu.memory_space<vmem>>, vector<16xf32>,
      %ge3A_168 = vector.broadcast %scan3A_87#3 : f32 to vector<16xf32>
      %ge3A_169 = arith.cmpf oge, %get3A_167, %ge3A_168 : vector<16xf32>
      %swap3A_170 = arith.index_cast %add3A_164 : i32 to index
      %swap3A_171 = tpu.vector_load %arg9[%swap3A_170] masked %ge3A_169 {strides = array<i32>} : memref<4112xf32, #tpu.memory_space<vmem>>, vector<16xf32>, vector<16xi1>
      tpu.vector_store %arg9[%swap3A_170], %get3A_167 masked %ge3A_169 {strides = array<i32>} : memref<4112xf32, #tpu.memory_space<vmem>>, vector<16xf32>, vector<16xi1>
      %all_reduce_population_count3A_172 = tpu.all_reduce %ge3A_169 {dim = 0 : i64, kind = #tpu.reduction_kind<sum>} : vector<16xi1> -> vector<16xi32>
      %slice3A_173 = vector.extract_strided_slice %all_reduce_population_count3A_172 {offsets = [0], sizes = [1], strides = [1]} : vector<16xi32> to vector<1xi32>
      %squeeze3A_174 = vector.extract %slice3A_173[0] : i32 from vector<1xi32>
      %add3A_175 = arith.addi %add3A_164, %squeeze3A_174 : i32
      %get3A_176 = arith.index_cast %scan3A_146 : i32 to index
      %get3A_177 = arith.constant 48 : index
      %get3A_178 = tpu.vector_load %arg8[%get3A_176, %get3A_177] {strides = array<i32>} : memref<32x128xf32, #tpu.memory_space<vmem>>, vector<16xf32>,
      %ge3A_179 = vector.broadcast %scan3A_87#3 : f32 to vector<16xf32>
      %ge3A_180 = arith.cmpf oge, %get3A_178, %ge3A_179 : vector<16xf32>
      %swap3A_181 = arith.index_cast %add3A_175 : i32 to index
      %swap3A_182 = tpu.vector_load %arg9[%swap3A_181] masked %ge3A_180 {strides = array<i32>} : memref<4112xf32, #tpu.memory_space<vmem>>, vector<16xf32>, vector<16xi1>
      tpu.vector_store %arg9[%swap3A_181], %get3A_178 masked %ge3A_180 {strides = array<i32>} : memref<4112xf32, #tpu.memory_space<vmem>>, vector<16xf32>, vector<16xi1>
      %all_reduce_population_count3A_183 = tpu.all_reduce %ge3A_180 {dim = 0 : i64, kind = #tpu.reduction_kind<sum>} : vector<16xi1> -> vector<16xi32>
      %slice3A_184 = vector.extract_strided_slice %all_reduce_population_count3A_183 {offsets = [0], sizes = [1], strides = [1]} : vector<16xi32> to vector<1xi32>
      %squeeze3A_185 = vector.extract %slice3A_184[0] : i32 from vector<1xi32>
      %add3A_186 = arith.addi %add3A_175, %squeeze3A_185 : i32
      %get3A_187 = arith.index_cast %scan3A_146 : i32 to index
      %get3A_188 = arith.constant 64 : index
      %get3A_189 = tpu.vector_load %arg8[%get3A_187, %get3A_188] {strides = array<i32>} : memref<32x128xf32, #tpu.memory_space<vmem>>, vector<16xf32>,
      %ge3A_190 = vector.broadcast %scan3A_87#3 : f32 to vector<16xf32>
      %ge3A_191 = arith.cmpf oge, %get3A_189, %ge3A_190 : vector<16xf32>
      %swap3A_192 = arith.index_cast %add3A_186 : i32 to index
      %swap3A_193 = tpu.vector_load %arg9[%swap3A_192] masked %ge3A_191 {strides = array<i32>} : memref<4112xf32, #tpu.memory_space<vmem>>, vector<16xf32>, vector<16xi1>
      tpu.vector_store %arg9[%swap3A_192], %get3A_189 masked %ge3A_191 {strides = array<i32>} : memref<4112xf32, #tpu.memory_space<vmem>>, vector<16xf32>, vector<16xi1>
      %all_reduce_population_count3A_194 = tpu.all_reduce %ge3A_191 {dim = 0 : i64, kind = #tpu.reduction_kind<sum>} : vector<16xi1> -> vector<16xi32>
      %slice3A_195 = vector.extract_strided_slice %all_reduce_population_count3A_194 {offsets = [0], sizes = [1], strides = [1]} : vector<16xi32> to vector<1xi32>
      %squeeze3A_196 = vector.extract %slice3A_195[0] : i32 from vector<1xi32>
      %add3A_197 = arith.addi %add3A_186, %squeeze3A_196 : i32
      %get3A_198 = arith.index_cast %scan3A_146 : i32 to index
      %get3A_199 = arith.constant 80 : index
      %get3A_200 = tpu.vector_load %arg8[%get3A_198, %get3A_199] {strides = array<i32>} : memref<32x128xf32, #tpu.memory_space<vmem>>, vector<16xf32>,
      %ge3A_201 = vector.broadcast %scan3A_87#3 : f32 to vector<16xf32>
      %ge3A_202 = arith.cmpf oge, %get3A_200, %ge3A_201 : vector<16xf32>
      %swap3A_203 = arith.index_cast %add3A_197 : i32 to index
      %swap3A_204 = tpu.vector_load %arg9[%swap3A_203] masked %ge3A_202 {strides = array<i32>} : memref<4112xf32, #tpu.memory_space<vmem>>, vector<16xf32>, vector<16xi1>
      tpu.vector_store %arg9[%swap3A_203], %get3A_200 masked %ge3A_202 {strides = array<i32>} : memref<4112xf32, #tpu.memory_space<vmem>>, vector<16xf32>, vector<16xi1>
      %all_reduce_population_count3A_205 = tpu.all_reduce %ge3A_202 {dim = 0 : i64, kind = #tpu.reduction_kind<sum>} : vector<16xi1> -> vector<16xi32>
      %slice3A_206 = vector.extract_strided_slice %all_reduce_population_count3A_205 {offsets = [0], sizes = [1], strides = [1]} : vector<16xi32> to vector<1xi32>
      %squeeze3A_207 = vector.extract %slice3A_206[0] : i32 from vector<1xi32>
      %add3A_208 = arith.addi %add3A_197, %squeeze3A_207 : i32
      %get3A_209 = arith.index_cast %scan3A_146 : i32 to index
      %get3A_210 = arith.constant 96 : index
      %get3A_211 = tpu.vector_load %arg8[%get3A_209, %get3A_210] {strides = array<i32>} : memref<32x128xf32, #tpu.memory_space<vmem>>, vector<16xf32>,
      %ge3A_212 = vector.broadcast %scan3A_87#3 : f32 to vector<16xf32>
      %ge3A_213 = arith.cmpf oge, %get3A_211, %ge3A_212 : vector<16xf32>
      %swap3A_214 = arith.index_cast %add3A_208 : i32 to index
      %swap3A_215 = tpu.vector_load %arg9[%swap3A_214] masked %ge3A_213 {strides = array<i32>} : memref<4112xf32, #tpu.memory_space<vmem>>, vector<16xf32>, vector<16xi1>
      tpu.vector_store %arg9[%swap3A_214], %get3A_211 masked %ge3A_213 {strides = array<i32>} : memref<4112xf32, #tpu.memory_space<vmem>>, vector<16xf32>, vector<16xi1>
      %all_reduce_population_count3A_216 = tpu.all_reduce %ge3A_213 {dim = 0 : i64, kind = #tpu.reduction_kind<sum>} : vector<16xi1> -> vector<16xi32>
      %slice3A_217 = vector.extract_strided_slice %all_reduce_population_count3A_216 {offsets = [0], sizes = [1], strides = [1]} : vector<16xi32> to vector<1xi32>
      %squeeze3A_218 = vector.extract %slice3A_217[0] : i32 from vector<1xi32>
      %add3A_219 = arith.addi %add3A_208, %squeeze3A_218 : i32
      %get3A_220 = arith.index_cast %scan3A_146 : i32 to index
      %get3A_221 = arith.constant 112 : index
      %get3A_222 = tpu.vector_load %arg8[%get3A_220, %get3A_221] {strides = array<i32>} : memref<32x128xf32, #tpu.memory_space<vmem>>, vector<16xf32>,
      %ge3A_223 = vector.broadcast %scan3A_87#3 : f32 to vector<16xf32>
      %ge3A_224 = arith.cmpf oge, %get3A_222, %ge3A_223 : vector<16xf32>
      %swap3A_225 = arith.index_cast %add3A_219 : i32 to index
      %swap3A_226 = tpu.vector_load %arg9[%swap3A_225] masked %ge3A_224 {strides = array<i32>} : memref<4112xf32, #tpu.memory_space<vmem>>, vector<16xf32>, vector<16xi1>
      tpu.vector_store %arg9[%swap3A_225], %get3A_222 masked %ge3A_224 {strides = array<i32>} : memref<4112xf32, #tpu.memory_space<vmem>>, vector<16xf32>, vector<16xi1>
      %all_reduce_population_count3A_227 = tpu.all_reduce %ge3A_224 {dim = 0 : i64, kind = #tpu.reduction_kind<sum>} : vector<16xi1> -> vector<16xi32>
      %slice3A_228 = vector.extract_strided_slice %all_reduce_population_count3A_227 {offsets = [0], sizes = [1], strides = [1]} : vector<16xi32> to vector<1xi32>
      %squeeze3A_229 = vector.extract %slice3A_228[0] : i32 from vector<1xi32>
      %add3A_230 = arith.addi %add3A_219, %squeeze3A_229 : i32
      scf.yield %add3A_230 : i32
    }
    %scan3A_113 = arith.constant 25 : i32
    %broadcast_in_dim3A_114 = arith.constant -1.000000e+00 : f32
    %broadcast_in_dim3A_115 = vector.broadcast %broadcast_in_dim3A_114 : f32 to vector<16xf32>
    %swap3A_116 = arith.index_cast %scan3A_112 : i32 to index
    %swap3A_117 = tpu.vector_load %arg9[%swap3A_116] {strides = array<i32>} : memref<4112xf32, #tpu.memory_space<vmem>>, vector<16xf32>,
    tpu.vector_store %arg9[%swap3A_116], %broadcast_in_dim3A_115 {strides = array<i32>} : memref<4112xf32, #tpu.memory_space<vmem>>, vector<16xf32>,
    %add3A_118 = arith.constant 15 : i32
    %add3A_119 = arith.addi %scan3A_112, %add3A_118 : i32
    %shift_right_arithmetic3A_120 = arith.constant 4 : i32
    %shift_right_arithmetic3A_121 = arith.shrsi %add3A_119, %shift_right_arithmetic3A_120 : i32
    %scan3A_122 = arith.constant 0 : i32
    %scan3A_123 = arith.constant 24 : i32
    %scan3A_124 = arith.addi %scan3A_122, %scan3A_123 : i32
    %scan3A_125 = arith.constant 1 : i32
    %scan3A_126 = scf.for %scan3A_146 = %scan3A_122 to %scan3A_124 step %scan3A_125 iter_args(%scan3A_147 = %scan3A_87#2) -> (f32)  : i32 {
      %broadcast_in_dim3A_148 = arith.constant -1.000000e+00 : f32
      %broadcast_in_dim3A_149 = vector.broadcast %broadcast_in_dim3A_148 : f32 to vector<16xf32>
      %while3A = arith.constant 0 : i32
      %while3A_150 = arith.subi %shift_right_arithmetic3A_121, %while3A : i32
      %while3A_151 = arith.addi %while3A, %while3A_150 : i32
      %while3A_152 = arith.constant 1 : i32
      %while3A_153 = arith.divsi %while3A_150, %while3A_152 : i32
      %while3A_154 = arith.muli %while3A_153, %while3A_152 : i32
      %while3A_155 = arith.addi %while3A, %while3A_154 : i32
      %while3A_156 = arith.constant 1 : i32
      %while3A_157 = scf.for %while3A_163 = %while3A to %while3A_155 step %while3A_156 iter_args(%while3A_164 = %broadcast_in_dim3A_149) -> (vector<16xf32>)  : i32 {
        %mul3A_165 = arith.constant 16 : i32
        %mul3A_166 = arith.muli %while3A_163, %mul3A_165 : i32
        %get3A = arith.index_cast %mul3A_166 : i32 to index
        %get3A_167 = tpu.vector_load %arg9[%get3A] {strides = array<i32>} : memref<4112xf32, #tpu.memory_space<vmem>>, vector<16xf32>,
        %lt3A = vector.broadcast %scan3A_147 : f32 to vector<16xf32>
        %lt3A_168 = arith.cmpf olt, %get3A_167, %lt3A : vector<16xf32>
        %jit3A_169 = arith.constant -1.000000e+00 : f32
        %broadcast_in_dim3A_170 = vector.broadcast %jit3A_169 : f32 to vector<16xf32>
        %select_n3A_171 = arith.select %lt3A_168, %get3A_167, %broadcast_in_dim3A_170 : vector<16xi1>, vector<16xf32>
        %max3A = arith.maximumf %while3A_164, %select_n3A_171 : vector<16xf32>
        scf.yield %max3A : vector<16xf32>
      }
      %while3A_158 = arith.constant 1 : i32
      %while3A_159 = scf.for %while3A_163 = %while3A_155 to %while3A_151 step %while3A_158 iter_args(%while3A_164 = %while3A_157) -> (vector<16xf32>)  : i32 {
        %mul3A_165 = arith.constant 16 : i32
        %mul3A_166 = arith.muli %while3A_163, %mul3A_165 : i32
        %get3A = arith.index_cast %mul3A_166 : i32 to index
        %get3A_167 = tpu.vector_load %arg9[%get3A] {strides = array<i32>} : memref<4112xf32, #tpu.memory_space<vmem>>, vector<16xf32>,
        %lt3A = vector.broadcast %scan3A_147 : f32 to vector<16xf32>
        %lt3A_168 = arith.cmpf olt, %get3A_167, %lt3A : vector<16xf32>
        %jit3A_169 = arith.constant -1.000000e+00 : f32
        %broadcast_in_dim3A_170 = vector.broadcast %jit3A_169 : f32 to vector<16xf32>
        %select_n3A_171 = arith.select %lt3A_168, %get3A_167, %broadcast_in_dim3A_170 : vector<16xi1>, vector<16xf32>
        %max3A = arith.maximumf %while3A_164, %select_n3A_171 : vector<16xf32>
        scf.yield %max3A : vector<16xf32>
      }
      %reduce_max3A = arith.constant true
      %reduce_max3A_160 = vector.broadcast %reduce_max3A : i1 to vector<16xi1>
      %reduce_max3A_161 = tpu.scan <max>, %while3A_159 masked %reduce_max3A_160 : vector<16xf32>, vector<16xi1> -> vector<16xf32>
      %reduce_max3A_162 = vector.extract %reduce_max3A_161[15] : f32 from vector<16xf32>
      scf.yield %reduce_max3A_162 : f32
    }
    %scan3A_127 = arith.constant 24 : i32
    %eq3A_128 = arith.constant 0 : i32
    %eq3A_129 = vector.broadcast %eq3A_128 : i32 to vector<16xi32>
    %eq3A_130 = arith.cmpi eq, %iota3A, %eq3A_129 : vector<16xi32>
    %eq3A_131 = arith.constant 1 : i32
    %eq3A_132 = vector.broadcast %eq3A_131 : i32 to vector<16xi32>
    %eq3A_133 = arith.cmpi eq, %iota3A, %eq3A_132 : vector<16xi32>
    %jit3A_134 = arith.constant 0.000000e+00 : f32
    %broadcast_in_dim3A_135 = vector.broadcast %scan3A_87#2 : f32 to vector<16xf32>
    %broadcast_in_dim3A_136 = vector.broadcast %jit3A_134 : f32 to vector<16xf32>
    %select_n3A_137 = arith.select %eq3A_133, %broadcast_in_dim3A_135, %broadcast_in_dim3A_136 : vector<16xi1>, vector<16xf32>
    %broadcast_in_dim3A_138 = vector.broadcast %scan3A_126 : f32 to vector<16xf32>
    %select_n3A_139 = arith.select %eq3A_130, %broadcast_in_dim3A_138, %select_n3A_137 : vector<16xi1>, vector<16xf32>
    %swap3A_140 = arith.constant 1 : i32
    %swap3A_141 = arith.index_cast %swap3A_140 : i32 to index
    %swap3A_142 = arith.constant 0 : index
    %swap3A_143 = tpu.vector_load %arg10[%swap3A_141, %swap3A_142] {strides = array<i32>} : memref<2x16xf32, #tpu.memory_space<vmem>>, vector<16xf32>,
    tpu.vector_store %arg10[%swap3A_141, %swap3A_142], %select_n3A_139 {strides = array<i32>} : memref<2x16xf32, #tpu.memory_space<vmem>>, vector<16xf32>,
    %mul3A_144 = arith.constant 2 : i32
    %mul3A_145 = arith.muli %add3A, %mul3A_144 : i32
    "tpu.region"() ({
      %run_scoped3A = tpu.sem_alloc : memref<!tpu.dma_semaphore, #tpu.memory_space<semaphore_mem>>
      %dma_start3A_146 = arith.constant 0 : i32
      %dma_start3A_147 = tpu.memref_slice %arg4[%mul3A_145, %dma_start3A_146] : memref<64x16xf32, #tpu.memory_space<hbm>> -> memref<2x16xf32, #tpu.memory_space<hbm>>
      %dma_start3A_148 = arith.constant 0 : i32
      %dma_start3A_149 = tpu.memref_slice %arg4[%mul3A_145, %dma_start3A_148] : memref<64x16xf32, #tpu.memory_space<hbm>> -> memref<2x16xf32, #tpu.memory_space<hbm>>
      tpu.enqueue_dma source(%arg10 : memref<2x16xf32, #tpu.memory_space<vmem>>) target(%dma_start3A_149 : memref<2x16xf32, #tpu.memory_space<hbm>>) target_semaphore(%run_scoped3A : memref<!tpu.dma_semaphore, #tpu.memory_space<semaphore_mem>>)
      %dma_wait3A_150 = arith.constant 0 : i32
      %dma_wait3A_151 = tpu.memref_slice %arg4[%mul3A_145, %dma_wait3A_150] : memref<64x16xf32, #tpu.memory_space<hbm>> -> memref<2x16xf32, #tpu.memory_space<hbm>>
      %dma_wait3A_152 = arith.constant 0 : i32
      %dma_wait3A_153 = tpu.memref_slice %arg4[%mul3A_145, %dma_wait3A_152] : memref<64x16xf32, #tpu.memory_space<hbm>> -> memref<2x16xf32, #tpu.memory_space<hbm>>
      tpu.wait_dma2 semaphore(%run_scoped3A : memref<!tpu.dma_semaphore, #tpu.memory_space<semaphore_mem>>) src(%arg10 : memref<2x16xf32, #tpu.memory_space<vmem>>) dst(%dma_wait3A_153 : memref<2x16xf32, #tpu.memory_space<hbm>>)
      tpu.yield
    }) : () -> ()
    return
  }
}

module attributes {stable_mosaic.version = 14 : i64} {
  func.func @_tc_dense_body(%arg0: i32, %arg1: i32, %arg2: memref<64x64xf32, #tpu.memory_space<vmem>>, %arg3: memref<64x4096xf32, #tpu.memory_space<vmem>>, %arg4: memref<64x64xf32, #tpu.memory_space<vmem>>, %arg5: memref<64x4096xf32, #tpu.memory_space<vmem>>, %arg6: memref<1x1xf32, #tpu.memory_space<vmem>>, %arg7: memref<64x4096xf32, #tpu.memory_space<vmem>>, %arg8: memref<64x1024xf32, #tpu.memory_space<vmem>>, %arg9: memref<64x32768xf32, #tpu.memory_space<vmem>>, %arg10: memref<64x32768xf32, #tpu.memory_space<vmem>>, %arg11: memref<64x128xf32, #tpu.memory_space<vmem>>) attributes {dimension_semantics = [#tpu.dimension_semantics<arbitrary>, #tpu.dimension_semantics<arbitrary>], iteration_bounds = array<i64: 2, 8>, scalar_prefetch = 0 : i64, scratch_operands = 3 : i64, tpu.core_type = #tpu.core_type<tc>, window_params = [{pipeline_mode = #tpu.pipeline_mode<synchronous>, transform_indices = @transform_0, window_bounds = array<i64: 64, 64>}, {transform_indices = @transform_1, window_bounds = array<i64: 64, 4096>}, {pipeline_mode = #tpu.pipeline_mode<synchronous>, transform_indices = @transform_2, window_bounds = array<i64: 64, 64>}, {transform_indices = @transform_3, window_bounds = array<i64: 64, 4096>}, {pipeline_mode = #tpu.pipeline_mode<synchronous>, transform_indices = @transform_4, window_bounds = array<i64: 1, 1>}, {transform_indices = @transform_5, window_bounds = array<i64: 64, 4096>}, {pipeline_mode = #tpu.pipeline_mode<synchronous>, transform_indices = @transform_6, window_bounds = array<i64: 64, 1024>}]} {
    %eq3A = arith.constant 0 : i32
    %eq3A_0 = arith.cmpi eq, %arg0, %eq3A : i32
    %convert_element_type3A = arith.extui %eq3A_0 : i1 to i32
    %cond3A = arith.constant 0 : i32
    %cond3A_1 = arith.cmpi ne, %convert_element_type3A, %cond3A : i32
    scf.if %cond3A_1 {
      %get3A = arith.constant 0 : index
      %get3A_7 = arith.constant 0 : index
      %get3A_8 = vector.load %arg2[%get3A, %get3A_7] : memref<64x64xf32, #tpu.memory_space<vmem>>, vector<64x64xf32>
      %mul3A = arith.mulf %get3A_8, %get3A_8 : vector<64x64xf32>
      %reduce_sum3A = arith.constant dense<0.000000e+00> : vector<64xf32>
      %reduce_sum3A_9 = vector.multi_reduction <add>, %mul3A, %reduce_sum3A [1] : vector<64x64xf32> to vector<64xf32>
      %broadcast_in_dim3A = vector.shape_cast %reduce_sum3A_9 : vector<64xf32> to vector<64x1xf32>
      %sqrt3A = math.sqrt %broadcast_in_dim3A : vector<64x1xf32>
      %max3A = arith.constant 9.99999996E-13 : f32
      %max3A_10 = vector.broadcast %max3A : f32 to vector<64x1xf32>
      %max3A_11 = arith.maximumf %sqrt3A, %max3A_10 : vector<64x1xf32>
      %div3A = vector.broadcast %max3A_11 : vector<64x1xf32> to vector<64x64xf32>
      %div3A_12 = arith.divf %get3A_8, %div3A : vector<64x64xf32>
      %mul3A_13 = arith.mulf %div3A_12, %div3A_12 : vector<64x64xf32>
      %reduce_sum3A_14 = arith.constant dense<0.000000e+00> : vector<64xf32>
      %reduce_sum3A_15 = vector.multi_reduction <add>, %mul3A_13, %reduce_sum3A_14 [1] : vector<64x64xf32> to vector<64xf32>
      %broadcast_in_dim3A_16 = vector.shape_cast %reduce_sum3A_15 : vector<64xf32> to vector<64x1xf32>
      %sqrt3A_17 = math.sqrt %broadcast_in_dim3A_16 : vector<64x1xf32>
      %max3A_18 = arith.constant 9.99999993E-9 : f32
      %max3A_19 = vector.broadcast %max3A_18 : f32 to vector<64x1xf32>
      %max3A_20 = arith.maximumf %sqrt3A_17, %max3A_19 : vector<64x1xf32>
      %get3A_21 = arith.constant 0 : index
      %get3A_22 = arith.constant 0 : index
      %get3A_23 = vector.load %arg3[%get3A_21, %get3A_22] : memref<64x4096xf32, #tpu.memory_space<vmem>>, vector<64x4096xf32>
      %mul3A_24 = arith.mulf %get3A_23, %get3A_23 : vector<64x4096xf32>
      %reduce_sum3A_25 = arith.constant dense<0.000000e+00> : vector<4096xf32>
      %reduce_sum3A_26 = vector.multi_reduction <add>, %mul3A_24, %reduce_sum3A_25 [0] : vector<64x4096xf32> to vector<4096xf32>
      %broadcast_in_dim3A_27 = vector.shape_cast %reduce_sum3A_26 : vector<4096xf32> to vector<1x4096xf32>
      %sqrt3A_28 = math.sqrt %broadcast_in_dim3A_27 : vector<1x4096xf32>
      %div3A_29 = arith.constant 1.000000e+00 : f32
      %div3A_30 = vector.broadcast %div3A_29 : f32 to vector<1x4096xf32>
      %div3A_31 = arith.divf %div3A_30, %sqrt3A_28 : vector<1x4096xf32>
      %dot_general3A = arith.constant dense<0.000000e+00> : vector<64x4096xf32>
      %dot_general3A_32 = tpu.matmul %div3A_12, %get3A_23, %dot_general3A {dimension_numbers = #tpu.dot_dimension_numbers<[1], [0], [0], [1], [0, 0, 1, 1], [], []>, precision = #tpu.contract_precision<fp32>, transpose_lhs_hint = false} : vector<64x64xf32>, vector<64x4096xf32>, vector<64x4096xf32> -> vector<64x4096xf32>
      %div3A_33 = arith.constant 1.000000e+00 : f32
      %div3A_34 = vector.broadcast %div3A_33 : f32 to vector<64x1xf32>
      %div3A_35 = arith.divf %div3A_34, %max3A_20 : vector<64x1xf32>
      %mul3A_36 = vector.broadcast %div3A_35 : vector<64x1xf32> to vector<64x4096xf32>
      %mul3A_37 = arith.mulf %dot_general3A_32, %mul3A_36 : vector<64x4096xf32>
      %mul3A_38 = vector.broadcast %div3A_31 : vector<1x4096xf32> to vector<64x4096xf32>
      %mul3A_39 = arith.mulf %mul3A_37, %mul3A_38 : vector<64x4096xf32>
      %jit3A = arith.constant 0.000000e+00 : f32
      %jit3A_40 = arith.constant 1.000000e+00 : f32
      %max3A_41 = vector.broadcast %jit3A : f32 to vector<64x4096xf32>
      %max3A_42 = arith.maximumf %max3A_41, %mul3A_39 : vector<64x4096xf32>
      %min3A = vector.broadcast %jit3A_40 : f32 to vector<64x4096xf32>
      %min3A_43 = arith.minimumf %min3A, %max3A_42 : vector<64x4096xf32>
      %sub3A = arith.constant 1.000000e+00 : f32
      %sub3A_44 = vector.broadcast %sub3A : f32 to vector<64x4096xf32>
      %sub3A_45 = arith.subf %min3A_43, %sub3A_44 : vector<64x4096xf32>
      %exp3A = math.exp %sub3A_45 : vector<64x4096xf32>
      %get3A_46 = arith.constant 0 : index
      %get3A_47 = arith.constant 0 : index
      %get3A_48 = vector.load %arg4[%get3A_46, %get3A_47] : memref<64x64xf32, #tpu.memory_space<vmem>>, vector<64x64xf32>
      %mul3A_49 = arith.mulf %get3A_48, %get3A_48 : vector<64x64xf32>
      %reduce_sum3A_50 = arith.constant dense<0.000000e+00> : vector<64xf32>
      %reduce_sum3A_51 = vector.multi_reduction <add>, %mul3A_49, %reduce_sum3A_50 [1] : vector<64x64xf32> to vector<64xf32>
      %broadcast_in_dim3A_52 = vector.shape_cast %reduce_sum3A_51 : vector<64xf32> to vector<64x1xf32>
      %sqrt3A_53 = math.sqrt %broadcast_in_dim3A_52 : vector<64x1xf32>
      %max3A_54 = arith.constant 9.99999996E-13 : f32
      %max3A_55 = vector.broadcast %max3A_54 : f32 to vector<64x1xf32>
      %max3A_56 = arith.maximumf %sqrt3A_53, %max3A_55 : vector<64x1xf32>
      %div3A_57 = vector.broadcast %max3A_56 : vector<64x1xf32> to vector<64x64xf32>
      %div3A_58 = arith.divf %get3A_48, %div3A_57 : vector<64x64xf32>
      %mul3A_59 = arith.mulf %div3A_58, %div3A_58 : vector<64x64xf32>
      %reduce_sum3A_60 = arith.constant dense<0.000000e+00> : vector<64xf32>
      %reduce_sum3A_61 = vector.multi_reduction <add>, %mul3A_59, %reduce_sum3A_60 [1] : vector<64x64xf32> to vector<64xf32>
      %broadcast_in_dim3A_62 = vector.shape_cast %reduce_sum3A_61 : vector<64xf32> to vector<64x1xf32>
      %sqrt3A_63 = math.sqrt %broadcast_in_dim3A_62 : vector<64x1xf32>
      %max3A_64 = arith.constant 9.99999993E-9 : f32
      %max3A_65 = vector.broadcast %max3A_64 : f32 to vector<64x1xf32>
      %max3A_66 = arith.maximumf %sqrt3A_63, %max3A_65 : vector<64x1xf32>
      %get3A_67 = arith.constant 0 : index
      %get3A_68 = arith.constant 0 : index
      %get3A_69 = vector.load %arg5[%get3A_67, %get3A_68] : memref<64x4096xf32, #tpu.memory_space<vmem>>, vector<64x4096xf32>
      %mul3A_70 = arith.mulf %get3A_69, %get3A_69 : vector<64x4096xf32>
      %reduce_sum3A_71 = arith.constant dense<0.000000e+00> : vector<4096xf32>
      %reduce_sum3A_72 = vector.multi_reduction <add>, %mul3A_70, %reduce_sum3A_71 [0] : vector<64x4096xf32> to vector<4096xf32>
      %broadcast_in_dim3A_73 = vector.shape_cast %reduce_sum3A_72 : vector<4096xf32> to vector<1x4096xf32>
      %sqrt3A_74 = math.sqrt %broadcast_in_dim3A_73 : vector<1x4096xf32>
      %div3A_75 = arith.constant 1.000000e+00 : f32
      %div3A_76 = vector.broadcast %div3A_75 : f32 to vector<1x4096xf32>
      %div3A_77 = arith.divf %div3A_76, %sqrt3A_74 : vector<1x4096xf32>
      %dot_general3A_78 = arith.constant dense<0.000000e+00> : vector<64x4096xf32>
      %dot_general3A_79 = tpu.matmul %div3A_58, %get3A_69, %dot_general3A_78 {dimension_numbers = #tpu.dot_dimension_numbers<[1], [0], [0], [1], [0, 0, 1, 1], [], []>, precision = #tpu.contract_precision<fp32>, transpose_lhs_hint = false} : vector<64x64xf32>, vector<64x4096xf32>, vector<64x4096xf32> -> vector<64x4096xf32>
      %div3A_80 = arith.constant 1.000000e+00 : f32
      %div3A_81 = vector.broadcast %div3A_80 : f32 to vector<64x1xf32>
      %div3A_82 = arith.divf %div3A_81, %max3A_66 : vector<64x1xf32>
      %mul3A_83 = vector.broadcast %div3A_82 : vector<64x1xf32> to vector<64x4096xf32>
      %mul3A_84 = arith.mulf %dot_general3A_79, %mul3A_83 : vector<64x4096xf32>
      %mul3A_85 = vector.broadcast %div3A_77 : vector<1x4096xf32> to vector<64x4096xf32>
      %mul3A_86 = arith.mulf %mul3A_84, %mul3A_85 : vector<64x4096xf32>
      %jit3A_87 = arith.constant 0.000000e+00 : f32
      %jit3A_88 = arith.constant 1.000000e+00 : f32
      %max3A_89 = vector.broadcast %jit3A_87 : f32 to vector<64x4096xf32>
      %max3A_90 = arith.maximumf %max3A_89, %mul3A_86 : vector<64x4096xf32>
      %min3A_91 = vector.broadcast %jit3A_88 : f32 to vector<64x4096xf32>
      %min3A_92 = arith.minimumf %min3A_91, %max3A_90 : vector<64x4096xf32>
      %sub3A_93 = arith.constant 1.000000e+00 : f32
      %sub3A_94 = vector.broadcast %sub3A_93 : f32 to vector<64x4096xf32>
      %sub3A_95 = arith.subf %min3A_92, %sub3A_94 : vector<64x4096xf32>
      %exp3A_96 = math.exp %sub3A_95 : vector<64x4096xf32>
      %mul3A_97 = arith.constant 4096 : i32
      %mul3A_98 = arith.muli %arg1, %mul3A_97 : i32
      %swap3A = arith.constant 0 : index
      %swap3A_99 = arith.index_cast %mul3A_98 : i32 to index
      %swap3A_100 = vector.load %arg9[%swap3A, %swap3A_99] : memref<64x32768xf32, #tpu.memory_space<vmem>>, vector<64x4096xf32>
      tpu.vector_store %arg9[%swap3A, %swap3A_99], %exp3A {strides = array<i32>} : memref<64x32768xf32, #tpu.memory_space<vmem>>, vector<64x4096xf32>,
      %mul3A_101 = arith.constant 4096 : i32
      %mul3A_102 = arith.muli %arg1, %mul3A_101 : i32
      %swap3A_103 = arith.constant 0 : index
      %swap3A_104 = arith.index_cast %mul3A_102 : i32 to index
      %swap3A_105 = vector.load %arg10[%swap3A_103, %swap3A_104] : memref<64x32768xf32, #tpu.memory_space<vmem>>, vector<64x4096xf32>
      tpu.vector_store %arg10[%swap3A_103, %swap3A_104], %exp3A_96 {strides = array<i32>} : memref<64x32768xf32, #tpu.memory_space<vmem>>, vector<64x4096xf32>,
      %eq3A_106 = arith.constant 0 : i32
      %eq3A_107 = arith.cmpi eq, %arg1, %eq3A_106 : i32
      %convert_element_type3A_108 = arith.extui %eq3A_107 : i1 to i32
      %cond3A_109 = arith.constant 0 : i32
      %cond3A_110 = arith.cmpi ne, %convert_element_type3A_108, %cond3A_109 : i32
      scf.if %cond3A_110 {
        %broadcast_in_dim3A_130 = arith.constant 0.000000e+00 : f32
        %broadcast_in_dim3A_131 = vector.broadcast %broadcast_in_dim3A_130 : f32 to vector<64x128xf32>
        %swap3A_132 = arith.constant 0 : index
        %swap3A_133 = arith.constant 0 : index
        %swap3A_134 = vector.load %arg11[%swap3A_132, %swap3A_133] : memref<64x128xf32, #tpu.memory_space<vmem>>, vector<64x128xf32>
        tpu.vector_store %arg11[%swap3A_132, %swap3A_133], %broadcast_in_dim3A_131 {strides = array<i32>} : memref<64x128xf32, #tpu.memory_space<vmem>>, vector<64x128xf32>,
      } else {
      }
      %get3A_111 = arith.constant 0 : index
      %get3A_112 = arith.constant 0 : index
      %get3A_113 = vector.load %arg11[%get3A_111, %get3A_112] : memref<64x128xf32, #tpu.memory_space<vmem>>, vector<64x1xf32>
      %reduce_sum3A_114 = arith.constant dense<0.000000e+00> : vector<64xf32>
      %reduce_sum3A_115 = vector.multi_reduction <add>, %exp3A, %reduce_sum3A_114 [1] : vector<64x4096xf32> to vector<64xf32>
      %broadcast_in_dim3A_116 = vector.shape_cast %reduce_sum3A_115 : vector<64xf32> to vector<64x1xf32>
      %add3A = arith.addf %get3A_113, %broadcast_in_dim3A_116 : vector<64x1xf32>
      %swap3A_117 = arith.constant 0 : index
      %swap3A_118 = arith.constant 0 : index
      %swap3A_119 = vector.load %arg11[%swap3A_117, %swap3A_118] : memref<64x128xf32, #tpu.memory_space<vmem>>, vector<64x1xf32>
      tpu.vector_store %arg11[%swap3A_117, %swap3A_118], %add3A {strides = array<i32>} : memref<64x128xf32, #tpu.memory_space<vmem>>, vector<64x1xf32>,
      %get3A_120 = arith.constant 0 : index
      %get3A_121 = arith.constant 1 : index
      %get3A_122 = vector.load %arg11[%get3A_120, %get3A_121] : memref<64x128xf32, #tpu.memory_space<vmem>>, vector<64x1xf32>
      %reduce_sum3A_123 = arith.constant dense<0.000000e+00> : vector<64xf32>
      %reduce_sum3A_124 = vector.multi_reduction <add>, %exp3A_96, %reduce_sum3A_123 [1] : vector<64x4096xf32> to vector<64xf32>
      %broadcast_in_dim3A_125 = vector.shape_cast %reduce_sum3A_124 : vector<64xf32> to vector<64x1xf32>
      %add3A_126 = arith.addf %get3A_122, %broadcast_in_dim3A_125 : vector<64x1xf32>
      %swap3A_127 = arith.constant 0 : index
      %swap3A_128 = arith.constant 1 : index
      %swap3A_129 = vector.load %arg11[%swap3A_127, %swap3A_128] : memref<64x128xf32, #tpu.memory_space<vmem>>, vector<64x1xf32>
      tpu.vector_store %arg11[%swap3A_127, %swap3A_128], %add3A_126 {strides = array<i32>} : memref<64x128xf32, #tpu.memory_space<vmem>>, vector<64x1xf32>,
    } else {
    }
    %eq3A_2 = arith.constant 1 : i32
    %eq3A_3 = arith.cmpi eq, %arg0, %eq3A_2 : i32
    %convert_element_type3A_4 = arith.extui %eq3A_3 : i1 to i32
    %cond3A_5 = arith.constant 0 : i32
    %cond3A_6 = arith.cmpi ne, %convert_element_type3A_4, %cond3A_5 : i32
    scf.if %cond3A_6 {
      %get3A = arith.constant 0 : index
      %get3A_7 = arith.constant 0 : index
      %get3A_8 = vector.load %arg6[%get3A, %get3A_7] : memref<1x1xf32, #tpu.memory_space<vmem>>, vector<1x1xf32>
      %get3A_9 = vector.extract %get3A_8[0, 0] : f32 from vector<1x1xf32>
      %neg3A = arith.constant 0.000000e+00 : f32
      %neg3A_10 = arith.subf %neg3A, %get3A_9 : f32
      %exp3A = math.exp %neg3A_10 : f32
      %add3A = arith.constant 1.000000e+00 : f32
      %add3A_11 = arith.addf %add3A, %exp3A : f32
      %div3A = arith.constant 1.000000e+00 : f32
      %div3A_12 = arith.divf %div3A, %add3A_11 : f32
      %mul3A = arith.constant 4096 : i32
      %mul3A_13 = arith.muli %arg1, %mul3A : i32
      %get3A_14 = arith.constant 0 : index
      %get3A_15 = arith.index_cast %mul3A_13 : i32 to index
      %get3A_16 = vector.load %arg9[%get3A_14, %get3A_15] : memref<64x32768xf32, #tpu.memory_space<vmem>>, vector<64x4096xf32>
      %get3A_17 = arith.constant 0 : index
      %get3A_18 = arith.constant 0 : index
      %get3A_19 = vector.load %arg11[%get3A_17, %get3A_18] : memref<64x128xf32, #tpu.memory_space<vmem>>, vector<64x1xf32>
      %div3A_20 = arith.constant 1.000000e+00 : f32
      %div3A_21 = vector.broadcast %div3A_20 : f32 to vector<64x1xf32>
      %div3A_22 = arith.divf %div3A_21, %get3A_19 : vector<64x1xf32>
      %mul3A_23 = vector.broadcast %div3A_22 : vector<64x1xf32> to vector<64x4096xf32>
      %mul3A_24 = arith.mulf %get3A_16, %mul3A_23 : vector<64x4096xf32>
      %mul3A_25 = arith.constant 4096 : i32
      %mul3A_26 = arith.muli %arg1, %mul3A_25 : i32
      %get3A_27 = arith.constant 0 : index
      %get3A_28 = arith.index_cast %mul3A_26 : i32 to index
      %get3A_29 = vector.load %arg10[%get3A_27, %get3A_28] : memref<64x32768xf32, #tpu.memory_space<vmem>>, vector<64x4096xf32>
      %get3A_30 = arith.constant 0 : index
      %get3A_31 = arith.constant 1 : index
      %get3A_32 = vector.load %arg11[%get3A_30, %get3A_31] : memref<64x128xf32, #tpu.memory_space<vmem>>, vector<64x1xf32>
      %div3A_33 = arith.constant 1.000000e+00 : f32
      %div3A_34 = vector.broadcast %div3A_33 : f32 to vector<64x1xf32>
      %div3A_35 = arith.divf %div3A_34, %get3A_32 : vector<64x1xf32>
      %mul3A_36 = vector.broadcast %div3A_35 : vector<64x1xf32> to vector<64x4096xf32>
      %mul3A_37 = arith.mulf %get3A_29, %mul3A_36 : vector<64x4096xf32>
      %mul3A_38 = vector.broadcast %div3A_12 : f32 to vector<64x4096xf32>
      %mul3A_39 = arith.mulf %mul3A_38, %mul3A_24 : vector<64x4096xf32>
      %sub3A = arith.constant 1.000000e+00 : f32
      %sub3A_40 = arith.subf %sub3A, %div3A_12 : f32
      %mul3A_41 = vector.broadcast %sub3A_40 : f32 to vector<64x4096xf32>
      %mul3A_42 = arith.mulf %mul3A_41, %mul3A_37 : vector<64x4096xf32>
      %add3A_43 = arith.addf %mul3A_39, %mul3A_42 : vector<64x4096xf32>
      %swap3A = arith.constant 0 : index
      %swap3A_44 = arith.constant 0 : index
      %swap3A_45 = vector.load %arg7[%swap3A, %swap3A_44] : memref<64x4096xf32, #tpu.memory_space<vmem>>, vector<64x4096xf32>
      tpu.vector_store %arg7[%swap3A, %swap3A_44], %add3A_43 {strides = array<i32>} : memref<64x4096xf32, #tpu.memory_space<vmem>>, vector<64x4096xf32>,
      %reshape3A = vector.shape_cast %add3A_43 : vector<64x4096xf32> to vector<64x32x128xf32>
      %reduce_max3A = arith.constant dense<0xFF800000> : vector<64x32xf32>
      %reduce_max3A_46 = vector.multi_reduction <maximumf>, %reshape3A, %reduce_max3A [2] : vector<64x32x128xf32> to vector<64x32xf32>
      %broadcast_in_dim3A = arith.constant -1.000000e+00 : f32
      %broadcast_in_dim3A_47 = vector.broadcast %broadcast_in_dim3A : f32 to vector<64x96xf32>
      %concatenate3A = tpu.concatenate %reduce_max3A_46, %broadcast_in_dim3A_47 in 1 : vector<64x32xf32>, vector<64x96xf32> -> vector<64x128xf32>
      %mul3A_48 = arith.constant 128 : i32
      %mul3A_49 = arith.muli %arg1, %mul3A_48 : i32
      %swap3A_50 = arith.constant 0 : index
      %swap3A_51 = arith.index_cast %mul3A_49 : i32 to index
      %swap3A_52 = vector.load %arg8[%swap3A_50, %swap3A_51] : memref<64x1024xf32, #tpu.memory_space<vmem>>, vector<64x128xf32>
      tpu.vector_store %arg8[%swap3A_50, %swap3A_51], %concatenate3A {strides = array<i32>} : memref<64x1024xf32, #tpu.memory_space<vmem>>, vector<64x128xf32>,
    } else {
    }
    return
  }
  func.func @transform_0(%arg0: i32, %arg1: i32) -> (i32, i32) {
    %c0_i32 = arith.constant 0 : i32
    %c0_i32_0 = arith.constant 0 : i32
    %c0_i32_1 = arith.constant 0 : i32
    return %c0_i32, %c0_i32_0 : i32, i32
  }
  func.func @transform_1(%arg0: i32, %arg1: i32) -> (i32, i32) {
    %eq3A = arith.constant 0 : i32
    %eq3A_0 = arith.cmpi eq, %arg0, %eq3A : i32
    %jit3A = arith.constant 0 : i32
    %select_n3A = arith.select %eq3A_0, %arg1, %jit3A : i32
    %c0_i32 = arith.constant 0 : i32
    %c0_i32_1 = arith.constant 0 : i32
    return %c0_i32, %select_n3A : i32, i32
  }
  func.func @transform_2(%arg0: i32, %arg1: i32) -> (i32, i32) {
    %c0_i32 = arith.constant 0 : i32
    %c0_i32_0 = arith.constant 0 : i32
    %c0_i32_1 = arith.constant 0 : i32
    return %c0_i32, %c0_i32_0 : i32, i32
  }
  func.func @transform_3(%arg0: i32, %arg1: i32) -> (i32, i32) {
    %eq3A = arith.constant 0 : i32
    %eq3A_0 = arith.cmpi eq, %arg0, %eq3A : i32
    %jit3A = arith.constant 0 : i32
    %select_n3A = arith.select %eq3A_0, %arg1, %jit3A : i32
    %c0_i32 = arith.constant 0 : i32
    %c0_i32_1 = arith.constant 0 : i32
    return %c0_i32, %select_n3A : i32, i32
  }
  func.func @transform_4(%arg0: i32, %arg1: i32) -> (i32, i32) {
    %c0_i32 = arith.constant 0 : i32
    %c0_i32_0 = arith.constant 0 : i32
    %c0_i32_1 = arith.constant 0 : i32
    return %c0_i32, %c0_i32_0 : i32, i32
  }
  func.func @transform_5(%arg0: i32, %arg1: i32) -> (i32, i32) {
    %eq3A = arith.constant 1 : i32
    %eq3A_0 = arith.cmpi eq, %arg0, %eq3A : i32
    %jit3A = arith.constant 0 : i32
    %select_n3A = arith.select %eq3A_0, %arg1, %jit3A : i32
    %c0_i32 = arith.constant 0 : i32
    %c0_i32_1 = arith.constant 0 : i32
    return %c0_i32, %select_n3A : i32, i32
  }
  func.func @transform_6(%arg0: i32, %arg1: i32) -> (i32, i32) {
    %c0_i32 = arith.constant 0 : i32
    %c0_i32_0 = arith.constant 0 : i32
    %c0_i32_1 = arith.constant 0 : i32
    return %c0_i32, %c0_i32_0 : i32, i32
  }
}

module attributes {stable_mosaic.version = 14 : i64} {
  func.func @_tc_mask_body(%arg0: i32, %arg1: memref<64x8192xf32, #tpu.memory_space<vmem>>, %arg2: memref<64x16xf32, #tpu.memory_space<vmem>>, %arg3: memref<64x8192xf32, #tpu.memory_space<vmem>>) attributes {dimension_semantics = [#tpu.dimension_semantics<arbitrary>], iteration_bounds = array<i64: 4>, scalar_prefetch = 0 : i64, scratch_operands = 0 : i64, tpu.core_type = #tpu.core_type<tc>, window_params = [{transform_indices = @transform_0, window_bounds = array<i64: 64, 8192>}, {pipeline_mode = #tpu.pipeline_mode<synchronous>, transform_indices = @transform_1, window_bounds = array<i64: 64, 16>}, {transform_indices = @transform_2, window_bounds = array<i64: 64, 8192>}]} {
    %get3A = arith.constant 0 : index
    %get3A_0 = arith.constant 0 : index
    %get3A_1 = vector.load %arg1[%get3A, %get3A_0] : memref<64x8192xf32, #tpu.memory_space<vmem>>, vector<64x8192xf32>
    %get3A_2 = arith.constant 0 : index
    %get3A_3 = arith.constant 0 : index
    %get3A_4 = vector.load %arg2[%get3A_2, %get3A_3] : memref<64x16xf32, #tpu.memory_space<vmem>>, vector<64x1xf32>
    %get3A_5 = arith.constant 0 : index
    %get3A_6 = arith.constant 1 : index
    %get3A_7 = vector.load %arg2[%get3A_5, %get3A_6] : memref<64x16xf32, #tpu.memory_space<vmem>>, vector<64x1xf32>
    %ge3A = vector.broadcast %get3A_4 : vector<64x1xf32> to vector<64x8192xf32>
    %ge3A_8 = arith.cmpf oge, %get3A_1, %ge3A : vector<64x8192xf32>
    %convert_element_type3A = arith.extui %ge3A_8 : vector<64x8192xi1> to vector<64x8192xi32>
    %convert_element_type3A_9 = arith.sitofp %convert_element_type3A : vector<64x8192xi32> to vector<64x8192xf32>
    %reduce_max3A = arith.constant dense<0xFF800000> : vector<8192xf32>
    %reduce_max3A_10 = vector.multi_reduction <maximumf>, %convert_element_type3A_9, %reduce_max3A [0] : vector<64x8192xf32> to vector<8192xf32>
    %broadcast_in_dim3A = vector.shape_cast %reduce_max3A_10 : vector<8192xf32> to vector<1x8192xf32>
    %eq3A = vector.broadcast %get3A_7 : vector<64x1xf32> to vector<64x8192xf32>
    %eq3A_11 = arith.cmpf oeq, %get3A_1, %eq3A : vector<64x8192xf32>
    %convert_element_type3A_12 = arith.extui %eq3A_11 : vector<64x8192xi1> to vector<64x8192xi32>
    %convert_element_type3A_13 = arith.sitofp %convert_element_type3A_12 : vector<64x8192xi32> to vector<64x8192xf32>
    %reduce_max3A_14 = arith.constant dense<0xFF800000> : vector<8192xf32>
    %reduce_max3A_15 = vector.multi_reduction <maximumf>, %convert_element_type3A_13, %reduce_max3A_14 [0] : vector<64x8192xf32> to vector<8192xf32>
    %broadcast_in_dim3A_16 = vector.shape_cast %reduce_max3A_15 : vector<8192xf32> to vector<1x8192xf32>
    %gt3A = arith.constant 0.000000e+00 : f32
    %gt3A_17 = vector.broadcast %gt3A : f32 to vector<1x8192xf32>
    %gt3A_18 = arith.cmpf ogt, %broadcast_in_dim3A, %gt3A_17 : vector<1x8192xf32>
    %eq3A_19 = arith.constant 0.000000e+00 : f32
    %eq3A_20 = vector.broadcast %eq3A_19 : f32 to vector<1x8192xf32>
    %eq3A_21 = arith.cmpf oeq, %broadcast_in_dim3A_16, %eq3A_20 : vector<1x8192xf32>
    %and3A = arith.andi %gt3A_18, %eq3A_21 : vector<1x8192xi1>
    %jit3A = arith.constant 0.000000e+00 : f32
    %broadcast_in_dim3A_22 = vector.shape_cast %and3A : vector<1x8192xi1> to vector<1x8192xi1>
    %broadcast_in_dim3A_23 = vector.broadcast %broadcast_in_dim3A_22 : vector<1x8192xi1> to vector<64x8192xi1>
    %broadcast_in_dim3A_24 = vector.broadcast %jit3A : f32 to vector<64x8192xf32>
    %select_n3A = arith.select %broadcast_in_dim3A_23, %get3A_1, %broadcast_in_dim3A_24 : vector<64x8192xi1>, vector<64x8192xf32>
    %swap3A = arith.constant 0 : index
    %swap3A_25 = arith.constant 0 : index
    %swap3A_26 = vector.load %arg3[%swap3A, %swap3A_25] : memref<64x8192xf32, #tpu.memory_space<vmem>>, vector<64x8192xf32>
    tpu.vector_store %arg3[%swap3A, %swap3A_25], %select_n3A {strides = array<i32>} : memref<64x8192xf32, #tpu.memory_space<vmem>>, vector<64x8192xf32>,
    return
  }
  func.func @transform_0(%arg0: i32) -> (i32, i32) {
    %c0_i32 = arith.constant 0 : i32
    %c0_i32_0 = arith.constant 0 : i32
    return %c0_i32, %arg0 : i32, i32
  }
  func.func @transform_1(%arg0: i32) -> (i32, i32) {
    %c0_i32 = arith.constant 0 : i32
    %c0_i32_0 = arith.constant 0 : i32
    %c0_i32_1 = arith.constant 0 : i32
    return %c0_i32, %c0_i32_0 : i32, i32
  }
  func.func @transform_2(%arg0: i32) -> (i32, i32) {
    %c0_i32 = arith.constant 0 : i32
    %c0_i32_0 = arith.constant 0 : i32
    return %c0_i32, %arg0 : i32, i32
  }
}

</mosaic_0001>

<sc_bundles>
// kernel: kernel.5.cloned.1.call-start
scs
__scs_entry_jumppad:
0x0: {  	(pc) =	sbr.rel $0x88, $3  }
0x1: {  	(tag) =	ssettag $0x0;
	lr =	simm.s32 $0x1  }
0x2: {  	[smem:$0x3F9C] =	sst lr;
	_ =	strace $0xD0000000  }
0x3: {  	_ = 	snop  }
0x4: {  	_ = 	snop  }
0x5: {  	_ = 	snop  }
0x6: {  	_ = 	snop  }
0x7: {  	_ = 	snop  }
__scs_overlays_trampoline_lowered:
0x8: {  	[smem:$0x3FAB] =	sst s0  }
0x9: {  	[smem:$0x3FAC] =	sst s1  }
0xa: {  	[smem:$0x3FAD] =	sst s2  }
0xb: {  	[smem:$0x3FAE] =	sst s3  }
0xc: {  	[smem:$0x3FAF] =	sst s4  }
0xd: {  	[smem:$0x3FB0] =	sst s5  }
0xe: {  	[smem:$0x3FB1] =	sst s6  }
0xf: {  	[smem:$0x3FB2] =	sst s7  }
0x10: {  	[smem:$0x3FB3] =	sst s8  }
0x11: {  	[smem:$0x3FB4] =	sst s9;
	s0 =	simm.s32 @!p0 $0x0  }
0x12: {  	s1 =	sld [smem:$0x3F9A];
	s0 =	simm.s32 @p0 $0x1  }
0x13: {  	[smem:$0x3FB5] =	sst s0;
	s0 =	simm.s32 @!p1 $0x0  }
0x14: {  	s2 =	sld [smem:$0x3F99];
	s0 =	simm.s32 @p1 $0x1  }
0x15: {  	[smem:$0x3FB6] =	sst s0;
	s0 =	simm.s32 @!p2 $0x0  }
0x16: {  	s3 =	sld [smem:$0x3FDB];
	s0 =	simm.s32 @p2 $0x1  }
0x17: {  	s4 =	simm.s32 $0x1BF5;
	[smem:$0x3FB8] =	sst s0  }
0x18: {  	s0 =	sld [smem:$0x3F9B];
	_ =	swait.ge [sflag:s4], $0x0  }
0x19: {  	s7 =	sld [smem:$0x3F9C]  }
0x1a: {  	s8 =	sadd.s32 $0xFFFFE003, lr  }
0x1b: {  	s9 =	sadd.s32 $0xFFFFFEF7, lr;
	s5 =	simm.s32 $0xFFFFFFFF;
	p2 =	slt.u32 s8, $0xFFFFF086  }
0x1c: {  	p1 =	slt.u32 s9, $0xF7A;
	s5 =	simm.s32 @!p2 $0x0  }
0x1d: {  	s5 =	simm.s32 @p1 $0x1;
	p0 =	seq.s32 s7, s2  }
0x1e: {  	s7 =	smul.u32 @!p0 $0xF7A, s2;
	p2 =	seq.s32 @!p0 s5, $0x0  }
0x1f: {  	s9 =	smul.u32 $0xF7A, s1;
	s8 =	simm.s32 @!p0 $0x1BF5;
	p2 =	por !p2, p0  }
0x20: {  	[sflag:s8] =	ssyncset.s32 @!p0 $0xFFFFF086;
	s6 =	sadd.s32 @!p0 s3, s7;
	s7 =	simm.s32 @!p0 $0x108  }
0x21: {  	s3 =	sadd.s32 s3, s9;
	s6 =	sadd.s32 @!p0 $0x88, s6;
	s7 =	simm.s32 @p2 $0x1082  }
0x22: {  	[simem:s7], [sflag:s8] =	dma.local @!p0 [hbm:s6], $0xF7A  }
0x23: {  	s9 =	sor.u32 $0xD0000000, s2;
	s6 =	simm.s32 $0x108;
	_ =	swait.ge @!p0 [sflag:s8], $0x0  }
0x24: {  	s3 =	sadd.s32 $0x88, s3;
	s6 =	simm.s32 @!p1 $0x1082;
	[sflag:s4] =	ssyncset.s32 $0xFFFFF086  }
0x25: {  	[simem:s6], [sflag:s4] =	dma.local [hbm:s3], $0xF7A  }
0x26: {  	[smem:$0x3F9C] =	sst s1;
	(tag) =	ssettag s2;
	_ =	strace s9  }
0x27: {  	s1 =	sld [smem:$0x3FAC]  }
0x28: {  	s2 =	sld [smem:$0x3FAD]  }
0x29: {  	s4 =	sld [smem:$0x3FAF]  }
0x2a: {  	p0 =	seq.s32 s5, $0x0;
	s5 =	sld [smem:$0x3FB0]  }
0x2b: {  	s6 =	sld [smem:$0x3FB1]  }
0x2c: {  	s7 =	sld [smem:$0x3FB2]  }
0x2d: {  	s3 =	simm.s32 $0x108;
	s8 =	sld [smem:$0x3FB3]  }
0x2e: {  	s3 =	simm.s32 @!p0 $0x1082;
	s9 =	sld [smem:$0x3FB4]  }
0x2f: {  	lr =	sadd.s32 s0, s3;
	s0 =	sld [smem:$0x3FAB]  }
0x30: {  	s3 =	sld [smem:$0x3FAE]  }
0x31: {  	[smem:$0x3FB7] =	sst s10  }
0x32: {  	s10 =	sld [smem:$0x3FB5];
	_ =	sdelay $0x3  }
0x33: {  	p0 =	seq.s32 s10, $0x1;
	s10 =	sld [smem:$0x3FB7];
	_ =	sdelay $0x3  }
0x34: {  	[smem:$0x3FB7] =	sst s10  }
0x35: {  	s10 =	sld [smem:$0x3FB6];
	_ =	sdelay $0x3  }
0x36: {  	p1 =	seq.s32 s10, $0x1;
	s10 =	sld [smem:$0x3FB7];
	_ =	sdelay $0x3  }
0x37: {  	[smem:$0x3FB7] =	sst s10  }
0x38: {  	s10 =	sld [smem:$0x3FB8]  }
0x39: {  	_ = 	snop;
	(pc) =	sbr.ind lr, $3  }
0x3a: {  	_ = 	snop  }
0x3b: {  	_ = 	snop  }
0x3c: {  	p2 =	seq.s32 s10, $0x1;
	s10 =	sld [smem:$0x3FB7]  }
0x3d: {  	_ =	shalt  }
0x3e: {  	_ =	shalt  }
0x3f: {  	_ =	shalt  }
0x40: {  	_ =	shalt  }
0x41: {  	_ =	shalt  }
0x42: {  	_ =	shalt  }
0x43: {  	_ =	shalt  }
0x44: {  	_ =	shalt  }
0x45: {  	_ =	shalt  }
0x46: {  	_ =	shalt  }
0x47: {  	_ =	shalt  }
0x48: {  	_ =	shalt  }
0x49: {  	_ =	shalt  }
0x4a: {  	_ =	shalt  }
0x4b: {  	_ =	shalt  }
0x4c: {  	_ =	shalt  }
0x4d: {  	_ =	shalt  }
0x4e: {  	_ =	shalt  }
0x4f: {  	_ =	shalt  }
0x50: {  	_ =	shalt  }
0x51: {  	_ =	shalt  }
0x52: {  	_ =	shalt  }
0x53: {  	_ =	shalt  }
0x54: {  	_ =	shalt  }
0x55: {  	_ =	shalt  }
0x56: {  	_ =	shalt  }
0x57: {  	_ =	shalt  }
0x58: {  	_ =	shalt  }
0x59: {  	_ =	shalt  }
0x5a: {  	_ =	shalt  }
0x5b: {  	_ =	shalt  }
0x5c: {  	_ =	shalt  }
0x5d: {  	_ =	shalt  }
0x5e: {  	_ =	shalt  }
0x5f: {  	_ =	shalt  }
0x60: {  	_ =	shalt  }
0x61: {  	_ =	shalt  }
0x62: {  	_ =	shalt  }
0x63: {  	_ =	shalt  }
0x64: {  	_ =	shalt  }
0x65: {  	_ =	shalt  }
0x66: {  	_ =	shalt  }
0x67: {  	_ =	shalt  }
0x68: {  	_ =	shalt  }
0x69: {  	_ =	shalt  }
0x6a: {  	_ =	shalt  }
0x6b: {  	_ =	shalt  }
0x6c: {  	_ =	shalt  }
0x6d: {  	_ =	shalt  }
0x6e: {  	_ =	shalt  }
0x6f: {  	_ =	shalt  }
0x70: {  	_ =	shalt  }
0x71: {  	_ =	shalt  }
0x72: {  	_ =	shalt  }
0x73: {  	_ =	shalt  }
0x74: {  	_ =	shalt  }
0x75: {  	_ =	shalt  }
0x76: {  	_ =	shalt  }
0x77: {  	_ =	shalt  }
0x78: {  	_ =	shalt  }
0x79: {  	_ =	shalt  }
0x7a: {  	_ =	shalt  }
0x7b: {  	_ =	shalt  }
0x7c: {  	_ =	shalt  }
0x7d: {  	_ =	shalt  }
0x7e: {  	_ =	shalt  }
0x7f: {  	_ =	shalt  }
0x80: {  	_ =	shalt  }
0x81: {  	_ =	shalt  }
0x82: {  	_ =	shalt  }
0x83: {  	_ =	shalt  }
0x84: {  	_ =	shalt  }
0x85: {  	_ =	shalt  }
0x86: {  	_ =	shalt  }
0x87: {  	_ =	shalt  }
.Lfunc_end0:
.L_simem_size_0:
called_computation_lowered:
.L_overlay_start_0:
0x88: {  	s2 =	sld [smem:$0x3FD9]  }
0x89: {  	s3 =	sld [smem:$0x3FFE];
	_ =	sdelay $0x1  }
0x8a: {  	s1 =	srdreg.scid  }
0x8b: {  	s0 =	sand.u32 $0x1, s1  }
0x8c: {  	s17 =	sshll.u32 s0, $0xA;
	s2 =	sadd.s32 s3, s2  }
0x8d: {  	s2 =	sadd.s32 s2, s17  }
0x8e: {  	[smem:$0x3FC3] =	sst s2  }
0x8f: {  	_ = 	snop  }
0x90: {  	s2 =	sld [smem:$0x3FD0];
	(tm) =	ssettm $0x1  }
0x91: {  	s18 =	sld [smem:$0x3FFB];
	_ =	sdelay $0x3  }
0x92: {  	_ =	strace s18  }
0x93: {  	s3 =	sld [smem:$0x3FFC];
	_ =	sdelay $0x3  }
0x94: {  	_ =	strace s3  }
0x95: {  	s3 =	sld [smem:$0x3FFD];
	_ =	sdelay $0x3  }
0x96: {  	_ =	strace s3  }
0x97: {  	_ =	strace $0x8FFFFFFF  }
0x98: {  	s19 =	sld [smem:$0x3FDB];
	_ =	sdelay $0x1  }
0x99: {  	s4 =	simm.s32 $_scs_section_size  }
0x9a: {  	s5 =	simm.s32 $_size__tile_overlayer_lowered;
	s6 =	simm.s32 $_tile_overlayer_lowered  }
0x9b: {  	s22 =	simm.s32 $0x1BFF;
	s21 =	sshll.u32 s6, $0x1;
	s3 =	sadd.s32 s4, s19  }
0x9c: {  	s7 =	simm.s32 $0x0;
	s20 =	sshll.u32 s5, $0x1;
	s5 =	sadd.s32 s21, s3  }
0x9d: {  	[timem:s7], [sflag:s22] =	dma.local [hbm:s5], s20  }
0x9e: {  	_ =	swait.ge [sflag:s22], s20  }
0x9f: {  	s4 =	ssub.s32 $0x0, s20;
	[sflag:s22] =	ssyncset.done $0x0  }
0xa0: {  	[sflag:s22] =	ssyncadd.s32 s4;
	_ =	sdelay $0x1  }
0xa1: {  	s23 =	simm.s32 $0x1B8B  }
0xa2: {  	_ =	swait.ge [sflag:s23], $0x1  }
0xa3: {  	[sflag:s23] =	ssyncset.done $0x0  }
0xa4: {  	s25 =	simm.s32 $0x1B8E;
	s24 =	sld [smem:$0x3FFE];
	[sflag:s23] =	ssyncadd.s32 $0xFFFFFFFF  }
0xa5: {  	s26 =	simm.s32 $execute0_lowered;
	[smem:$0x3FD2] =	sst s25  }
0xa6: {  	s5 =	sshll.u32 s26, $0x1;
	_ =	strace $0x80000046;
	[dreg:$0x1] =	wrdreg $0xFFFFFFFF  }
0xa7: {  	s28 =	simm.s32 $_size_execute0_lowered;
	s3 =	sadd.s32 s3, s5;
	[dreg:$0x0] =	wrdreg $0x0  }
0xa8: {  	s5 =	sshll.u32 s28, $0x1;
	[dreg:$0x2] =	wrdreg s3  }
0xa9: {  	[dreg:$0x3] =	wrdreg s5  }
0xaa: {  	[dreg:$0x4] =	wrdreg $0xC0  }
0xab: {  	_ =	task [dreg:s7], $0x5FFFF  }
0xac: {  	[dreg:$0x1] =	wrdreg $0xFFFFFFFF  }
0xad: {  	[dreg:$0x0] =	wrdreg $0x60  }
0xae: {  	[dreg:$0x2] =	wrdreg s24  }
0xaf: {  	[dreg:$0x3] =	wrdreg s2  }
0xb0: {  	[dreg:$0x4] =	wrdreg $0x9  }
0xb1: {  	_ =	task.clear_ibuf [dreg:s7], $0x5FFFF;
	_ =	strace $0x90000046  }
0xb2: {  	s29 =	simm.s32 $0x9;
	_ =	strace $0x80000048  }
0xb3: {  	_ =	swait.ge [sflag:s29], $0x1  }
0xb4: {  	[sflag:s29] =	ssyncadd.s32 $0xFFFFFFFF  }
0xb5: {  	_ =	strace $0x90000048  }
0xb6: {  	_ =	sfence  }
0xb7: {  	s30 =	sld [smem:$0x0];
	_ =	sdelay $0x2  }
0xb8: {  	s31 =	sshll.u32 s1, $0xD;
	s1 =	sshrl.u32 s1, $0x2  }
0xb9: {  	s3 =	sand.u32 $0x4000, s31;
	s1 =	sadd.s32 s1, s30  }
0xba: {  	s0 =	sor.u32 s3, s0;
	s1 =	sshll.u32 s1, $0x11  }
0xbb: {  	s0 =	sor.u32 s1, s0  }
0xbc: {  	s0 =	sadd.s32 $0x8F2B, s0  }
0xbd: {  	[sflag:s0] =	ssyncadd.remote.s32 $0x1  }
0xbe: {  	_ =	sfence.sel $0xFFFF  }
0xbf: {  	[dreg:$0x0] =	wrdreg $0xFFFFFFFF;
	(pc) =	sbr.abs _section_cstart, $3  }
0xc0: {  	[dreg:$0x1] =	wrdreg $0xFFFFFFFF  }
0xc1: {  	_ =	task.clear_ibuf [dreg:s7], $0x2FFFF;
	_ =	strace $0x9FFFFFFF  }
0xc2: {  	(tm) =	ssettm $0x7FFFFFFF  }
0xc3: {  	_ =	shalt  }
tec
execute0_lowered:
.L_overlay_start_1:
0x0: {  	(tag) =	ssettag $0x1  }
0x1: {  	s1 =	srdreg.scid;
	s4 =	rddreg [dreg:$0x0]  }
0x2: {  	s0 =	stileid.u32;
	s2 =	rddreg [dreg:$0x1]  }
0x3: {  	s3 =	simm.s32 $0x0;
	s12 =	simm.s32 $0x500;
	s13 =	simm.s32 $0x1  }
0x4: {  	s14 =	simm.s32 $0x2580;
	s15 =	simm.s32 $0x0;
	s5 =	sand.u32 $0x1, s1  }
0x5: {  	s23 =	sshll.u32 s0, $0x1;
	s1 =	rddreg [dreg:$0x2];
	s8 =	sshrl.u32 s0, $0x1  }
0x6: {  	vm1 =	vmmov $0x1;
	vm2 =	vmmov $0x3;
	[smem:$0x7FF] =	sst s3;
	s25 =	sadd.s32 $0x1000, s4;
	s30 =	sshll.u32 s0, $0x9  }
0x7: {  	vm15 =	vmmov $0x7;
	vm3 =	vmmov $0xf;
	vm4 =	vmmov $0x1f;
	s6 =	sor.u32 s5, s23;
	s10 =	sshll.u32 s8, $0xA;
	_ =	strace $0x80000047  }
0x8: {  	vm5 =	vmmov $0x3f;
	vm6 =	vmmov $0x7f;
	vm7 =	vmmov $0xff;
	s5 =	ssub.s32 $0x2, s5;
	s29 =	sshll.u32 s8, $0xD;
	s8 =	simm.s32 $0x400  }
0x9: {  	vm8 =	vmmov $0x1ff;
	vm9 =	vmmov $0x3ff;
	vm10 =	vmmov $0x7ff;
	s7 =	sshll.u32 s6, $0x8;
	s9 =	sshllo.u32 s6, $0x1;
	s6 =	sshll.u32 s6, $0x9  }
0xa: {  	vm11 =	vmmov $0xfff;
	vm12 =	vmmov $0x1fff;
	v10 =	vimm.s32 $0x0;
	s26 =	sshrl.u32 s5, $0x1;
	s7 =	sand.u32 $0x300, s7;
	s11 =	sshll.u32 s9, $0x8  }
0xb: {  	vm13 =	vmmov $0x3fff;
	v2 =	vlaneseq.u32;
	v10 =	vsel vm1, $0xFFFFFFFF, v10;
	s28 =	ssub.s32 s5, s26;
	s5 =	sand.u32 $0x1C00, s30;
	s31 =	sshll.u32 s9, $0x4  }
.Ltmp0:
0xc: {  	vm14 =	vmmov $0x7fff;
	v7 =	vimm.f32 $-1.000000000e+00;
	[tilespmem:$0x1FFD0] =	vst v10;
	v10 =	vimm.s32 $0x0;
	s9 =	simm.s32 $0x2;
	s10 =	sor.u32 s10, s7;
	(pc) =	sbr.rel .LBB2_1-.Ltmp0, $4  }
0xd: {  	v8 =	vimm.s32 $0xF;
	v10 =	vsel vm2, $0xFFFFFFFF, v10;
	v1 =	vmov s11;
	s5 =	sadd.s32 s25, s5;
	s11 =	simm.s32 $0x480;
	s24 =	sshrl.u32 s10, $0x3  }
0xe: {  	v9 =	vimm.f32 $0.0e+00;
	v0 =	vmov s6;
	[tilespmem:$0x1FFE0] =	vst v10;
	v10 =	vimm.s32 $0x0;
	s6 =	sadd.s32 s24, s4;
	s4 =	sor.u32 s29, s7;
	s7 =	sand.u32 $0x70, s31  }
0xf: {  	v3 =	vor.u32 $0x10, v2;
	v4 =	vor.u32 $0x20, v2;
	v10 =	vsel vm15, $0xFFFFFFFF, v10;
	s10 =	simm.s32 $0x20;
	s4 =	sshrl.u32 s4, $0x3;
	s5 =	sadd.s32 s7, s5  }
0x10: {  	v5 =	vor.u32 $0x30, v2;
	v6 =	vor.u32 $0x80000000, v2;
	v9 =	vperm.xlane v9, v2;
	[tilespmem:$0x1FFF0] =	vst v10;
	s6 =	sadd.s32 $0x3000, s6;
	s7 =	smax.u32 s28, $0x1;
	s4 =	sadd.s32 s25, s4  }
.LBB2_27:
0x11: {  	v11 =	vperm.xlane v11, v8  }
0x12: {  	vm0 =	vcmask $0x3F08  }
0x13: {  	v11 =	vsel vm0, v9, v11  }
0x14: {  	v10 =	vperm.xlane v10, v8;
	v11 =	vperm.xlane v11, v2  }
0x15: {  	s15 =	sadd.s32 $0x1, s15;
	vm0 =	vcmask $0x308  }
0x16: {  	p0 =	sne.s32 s15, s7;
	v10 =	vsel vm0, v11, v10  }
.Ltmp1:
0x17: {  	[tilespmem:$0x2600] =	vst v10;
	(pc) =	sbr.rel @!p0 .LBB2_28-.Ltmp1, $4  }
0x18: {  	[hbm4b:s6+s3] =	stream.linear.scatter [tilespmem:s14], [sflag:$0x2], $0x100, $0x38;
	[tilespmem:$0x2680] =	vst v63  }
0x19: {  	_ =	swait.ge [sflag:s9], $0x100  }
0x1a: {  	[sflag:s9] =	ssyncset.done $0x0  }
0x1b: {  	[sflag:s9] =	ssyncadd.s32 $0xFFFFFF00  }
.LBB2_1:
0x1c: {  	s17 =	simm.s32 $0x80  }
0x1d: {  	[tilespmem:s3], [sflag:$0x2] =	stream.strided.gather [hbm4b:s4+s17], $0x400, s8, s17, $0x38;
	[tilespmem:$0x2680] =	vst v63  }
0x1e: {  	_ =	swait.ge [sflag:s9], $0x400  }
0x1f: {  	[sflag:s9] =	ssyncset.done $0x0  }
0x20: {  	[sflag:s9] =	ssyncadd.s32 $0xFFFFFC00  }
0x21: {  	v11 =	vld [tilespmem:s17+$0xFFFFFF80]  }
0x22: {  	s18 =	simm.s32 $0x40;
	s16 =	simm.s32 $0x0;
	v10 =	vld [tilespmem:s17+$0xFFFFFF90]  }
.LBB2_2:
0x23: {  	p0 =	sne.s32 s18, $0xC0;
	v12 =	vld [tilespmem:s17+$0xFFFFFFA0]  }
0x24: {  	v13 =	vld [tilespmem:s17+$0xFFFFFFB0]  }
0x25: {  	v14 =	vld [tilespmem:s17+$0xFFFFFFC0]  }
0x26: {  	v15 =	vld [tilespmem:s17+$0xFFFFFFD0];
	(xrf0) =	vmax.scan.msk.f32 $0xffff, v11  }
0x27: {  	v11 =	vld [tilespmem:s17+$0xFFFFFFE0];
	(xrf0) =	vmax.scan.msk.f32 $0xffff, v10  }
0x28: {  	v10 =	vld [tilespmem:s17+$0xFFFFFFF0];
	(xrf0) =	vmax.scan.msk.f32 $0xffff, v12  }
0x29: {  	v12 =	vld [tilespmem:s17+$0x0];
	(xrf0) =	vmax.scan.msk.f32 $0xffff, v13  }
0x2a: {  	v13 =	vld [tilespmem:s17+$0x10];
	(xrf0) =	vmax.scan.msk.f32 $0xffff, v14  }
0x2b: {  	v14 =	vld [tilespmem:s17+$0x20];
	(xrf0) =	vmax.scan.msk.f32 $0xffff, v15  }
0x2c: {  	v15 =	vld [tilespmem:s17+$0x30];
	v16, _, _ =	vpop (xrf0);
	(xrf0) =	vmax.scan.msk.f32 $0xffff, v11  }
0x2d: {  	v11 =	vld [tilespmem:s17+$0x40];
	v17, _, _ =	vpop (xrf0);
	(xrf0) =	vmax.scan.msk.f32 $0xffff, v10  }
0x2e: {  	v10 =	vbroadcast v16, $0xF;
	v20 =	vbroadcast v17, $0xF;
	v17 =	vld [tilespmem:s17+$0x50];
	v18, _, _ =	vpop (xrf0);
	(xrf0) =	vmax.scan.msk.f32 $0xffff, v12  }
0x2f: {  	v12 =	vbroadcast v18, $0xF;
	v18 =	vld [tilespmem:s17+$0x60];
	v19, _, _ =	vpop (xrf0);
	(xrf0) =	vmax.scan.msk.f32 $0xffff, v13  }
0x30: {  	v10 =	vsel vm1, v10, v20;
	v13 =	vbroadcast v19, $0xF;
	v16, _, _ =	vpop (xrf0);
	(xrf0) =	vmax.scan.msk.f32 $0xffff, v14  }
0x31: {  	v10 =	vsel vm2, v10, v12;
	v16 =	vbroadcast v16, $0xF;
	v14, _, _ =	vpop (xrf0);
	(xrf0) =	vmax.scan.msk.f32 $0xffff, v15  }
0x32: {  	v10 =	vsel vm15, v10, v13;
	v19 =	vbroadcast v14, $0xF;
	v14 =	vld [tilespmem:s17+$0x70];
	v15, _, _ =	vpop (xrf0);
	(xrf0) =	vmax.scan.msk.f32 $0xffff, v11  }
0x33: {  	v10 =	vsel vm3, v10, v16;
	v11 =	vbroadcast v15, $0xF;
	v12, _, _ =	vpop (xrf0);
	(xrf0) =	vmax.scan.msk.f32 $0xffff, v17  }
0x34: {  	v10 =	vsel vm4, v10, v19;
	v12 =	vbroadcast v12, $0xF;
	v13, _, _ =	vpop (xrf0);
	(xrf0) =	vmax.scan.msk.f32 $0xffff, v18  }
0x35: {  	v10 =	vsel vm5, v10, v11;
	v11 =	vbroadcast v13, $0xF;
	v13, _, _ =	vpop (xrf0)  }
0x36: {  	v10 =	vsel vm6, v10, v12;
	v12 =	vbroadcast v13, $0xF;
	v13, _, _ =	vpop (xrf0)  }
0x37: {  	v10 =	vsel vm7, v10, v11;
	v11 =	vbroadcast v13, $0xF;
	v13, _, _ =	vpop (xrf0);
	(xrf0) =	vmax.scan.msk.f32 $0xffff, v14  }
0x38: {  	v10 =	vsel vm8, v10, v12;
	v12 =	vbroadcast v13, $0xF;
	v13, _, _ =	vpop (xrf0)  }
0x39: {  	v10 =	vsel vm9, v10, v11;
	v11 =	vbroadcast v13, $0xF;
	v13, _, _ =	vpop (xrf0)  }
0x3a: {  	v10 =	vsel vm10, v10, v12;
	v12 =	vbroadcast v13, $0xF;
	v13, _, _ =	vpop (xrf0)  }
0x3b: {  	v10 =	vsel vm11, v10, v11;
	v13 =	vbroadcast v13, $0xF  }
0x3c: {  	v10 =	vsel vm12, v10, v12  }
.Ltmp2:
0x3d: {  	v10 =	vsel vm13, v10, v13;
	v11, _, _ =	vpop (xrf0);
	(pc) =	sbr.rel @p0 .LBB2_2-.Ltmp2, $4  }
0x3e: {  	s19 =	sshra.s32 s16, $0x2;
	s16 =	smov.u32 s18;
	v10 =	vsel vm14, v10, v11  }
0x3f: {  	s17 =	sadd.s32 $0x100, s17;
	[tilespmem:s19+$0x400] =	vst v10  }
0x40: {  	v11 =	vld [tilespmem:s17+$0xFFFFFF80]  }
0x41: {  	s18 =	sadd.s32 $0x40, s18;
	v10 =	vld [tilespmem:s17+$0xFFFFFF90]  }
0x42: {  	_ = 	snop  }
0x43: {  	v12 =	vld [tilespmem:s17+$0xFFFFFFA0]  }
0x44: {  	v13 =	vld [tilespmem:s17+$0xFFFFFFB0]  }
0x45: {  	v14 =	vld [tilespmem:s17+$0xFFFFFFC0];
	(xrf0) =	vmax.scan.msk.f32 $0xffff, v11  }
0x46: {  	v15 =	vld [tilespmem:s17+$0xFFFFFFD0];
	(xrf0) =	vmax.scan.msk.f32 $0xffff, v10  }
0x47: {  	v11 =	vld [tilespmem:s17+$0xFFFFFFE0]  }
0x48: {  	v10 =	vld [tilespmem:s17+$0xFFFFFFF0];
	(xrf0) =	vmax.scan.msk.f32 $0xffff, v12  }
0x49: {  	(xrf0) =	vmax.scan.msk.f32 $0xffff, v13  }
0x4a: {  	(xrf0) =	vmax.scan.msk.f32 $0xffff, v14  }
0x4b: {  	v12 =	vld [tilespmem:s17+$0x0];
	(xrf0) =	vmax.scan.msk.f32 $0xffff, v15;
	v16, _, _ =	vpop (xrf0)  }
0x4c: {  	v13 =	vld [tilespmem:s17+$0x10];
	(xrf0) =	vmax.scan.msk.f32 $0xffff, v11;
	v17, _, _ =	vpop (xrf0)  }
0x4d: {  	v14 =	vld [tilespmem:s17+$0x20];
	(xrf0) =	vmax.scan.msk.f32 $0xffff, v10;
	v10 =	vbroadcast v16, $0xF;
	v16 =	vbroadcast v17, $0xF;
	_ =	sdelay $0x1  }
0x4e: {  	v15 =	vld [tilespmem:s17+$0x30];
	v18, _, _ =	vpop (xrf0)  }
0x4f: {  	v11 =	vld [tilespmem:s17+$0x40];
	(xrf0) =	vmax.scan.msk.f32 $0xffff, v12;
	v12 =	vbroadcast v18, $0xF;
	v19, _, _ =	vpop (xrf0)  }
0x50: {  	v17 =	vld [tilespmem:s17+$0x50];
	(xrf0) =	vmax.scan.msk.f32 $0xffff, v13;
	v10 =	vsel vm1, v10, v16;
	v13 =	vbroadcast v19, $0xF;
	v16, _, _ =	vpop (xrf0)  }
0x51: {  	v18 =	vld [tilespmem:s17+$0x60];
	v10 =	vsel vm2, v10, v12;
	(xrf0) =	vmax.scan.msk.f32 $0xffff, v14;
	v12 =	vbroadcast v16, $0xF;
	v14, _, _ =	vpop (xrf0)  }
0x52: {  	v10 =	vsel vm15, v10, v13;
	v13 =	vbroadcast v14, $0xF  }
0x53: {  	(xrf0) =	vmax.scan.msk.f32 $0xffff, v15  }
0x54: {  	v15, _, _ =	vpop (xrf0);
	(xrf0) =	vmax.scan.msk.f32 $0xffff, v11  }
0x55: {  	v10 =	vsel vm3, v10, v12;
	v11 =	vbroadcast v15, $0xF;
	v12, _, _ =	vpop (xrf0);
	(xrf0) =	vmax.scan.msk.f32 $0xffff, v17  }
0x56: {  	v14 =	vld [tilespmem:s17+$0x70];
	v10 =	vsel vm4, v10, v13;
	v12 =	vbroadcast v12, $0xF;
	v13, _, _ =	vpop (xrf0);
	(xrf0) =	vmax.scan.msk.f32 $0xffff, v18  }
0x57: {  	v10 =	vsel vm5, v10, v11;
	v11 =	vbroadcast v13, $0xF;
	v13, _, _ =	vpop (xrf0)  }
0x58: {  	v10 =	vsel vm6, v10, v12;
	v12 =	vbroadcast v13, $0xF;
	v13, _, _ =	vpop (xrf0)  }
0x59: {  	v10 =	vsel vm7, v10, v11;
	v11 =	vbroadcast v13, $0xF;
	v13, _, _ =	vpop (xrf0)  }
0x5a: {  	v10 =	vsel vm8, v10, v12;
	v12 =	vbroadcast v13, $0xF;
	v13, _, _ =	vpop (xrf0)  }
0x5b: {  	(xrf0) =	vmax.scan.msk.f32 $0xffff, v14;
	v10 =	vsel vm9, v10, v11;
	v11 =	vbroadcast v13, $0xF;
	v13, _, _ =	vpop (xrf0)  }
0x5c: {  	v10 =	vsel vm10, v10, v12;
	v12 =	vbroadcast v13, $0xF;
	v13, _, _ =	vpop (xrf0)  }
0x5d: {  	v10 =	vsel vm11, v10, v11;
	v11 =	vbroadcast v13, $0xF;
	_ =	sdelay $0x2  }
0x5e: {  	v10 =	vsel vm12, v10, v12  }
0x5f: {  	v10 =	vsel vm13, v10, v11;
	v11, _, _ =	vpop (xrf0)  }
0x60: {  	s16 =	sshra.s32 s16, $0x2;
	v10 =	vsel vm14, v10, v11  }
0x61: {  	[tilespmem:s16+$0x400] =	vst v10  }
0x62: {  	v11 =	vld [tilespmem:$0x400]  }
0x63: {  	v12 =	vld [tilespmem:$0x410]  }
0x64: {  	v13 =	vld [tilespmem:$0x420]  }
0x65: {  	v14 =	vld [tilespmem:$0x430];
	_ =	sdelay $0x2  }
0x66: {  	v10 =	vmax.f32 v11, v12  }
0x67: {  	v10 =	vmax.f32 v10, v13  }
0x68: {  	v10 =	vmax.f32 v10, v14  }
0x69: {  	(xrf0) =	vmax.scan.msk.f32 $0xffff, v10;
	_ =	sdelay $0x5  }
0x6a: {  	v10, _, _ =	vpop (xrf0)  }
0x6b: {  	v15 =	vbroadcast v10, $0xF;
	_ =	sdelay $0x1  }
0x6c: {  	vm0 =	veq.f32 v12, v15  }
0x6d: {  	v12 =	vnsel vm0, $0xFFFFFFFF, v3  }
0x6e: {  	vm0 =	vgt.s32 v12, v2  }
0x6f: {  	vm15 =	veq.f32 v11, v15;
	v11 =	vsel vm0, v12, v2;
	vm0 =	veq.f32 v13, v15  }
0x70: {  	v11 =	vsel vm15, v11, v12;
	v12 =	vnsel vm0, $0xFFFFFFFF, v4  }
0x71: {  	vm15 =	veq.f32 v14, v15;
	vm0 =	vgt.s32 v11, v12  }
0x72: {  	v11 =	vsel vm0, v11, v12;
	v12 =	vnsel vm15, $0xFFFFFFFF, v5  }
0x73: {  	vm0 =	vgt.s32 v11, v12  }
0x74: {  	v11 =	vsel vm0, v11, v12  }
0x75: {  	v11 =	vxor.u32 $0x80000000, v11  }
0x76: {  	(xrf0) =	vmax.scan.msk.u32 $0xffff, v11;
	_ =	sdelay $0x5  }
0x77: {  	(v2sf) =	vpush v10, $0xF;
	v11, _, _ =	vpop (xrf0)  }
0x78: {  	(v2sf) =	vpush v11, $0xF;
	_ =	sdelay $0xd  }
0x79: {  	s16 =	spop (v2sf)  }
0x7a: {  	s18 =	spop (v2sf)  }
0x7b: {  	s25 =	sshll.u32 s18, $0x4  }
0x7c: {  	v11 =	vld [tilespmem:s25+$0x0];
	_ =	sdelay $0x4  }
0x7d: {  	vm1 =	veq.f32 v11, v15  }
0x7e: {  	v11 =	vsel vm1, $0xBF800000, v11  }
0x7f: {  	(xrf0) =	vmax.scan.msk.f32 $0xffff, v11;
	_ =	sdelay $0x1  }
0x80: {  	[tilespmem:s25+$0x0] =	vst v11  }
0x81: {  	v11 =	vld [tilespmem:$0x400]  }
0x82: {  	v12 =	vld [tilespmem:$0x410]  }
0x83: {  	v13 =	vld [tilespmem:$0x420]  }
0x84: {  	s18 =	sxor.u32 $0x80000000, s18;
	v15 =	vld [tilespmem:$0x430];
	v14, _, _ =	vpop (xrf0)  }
0x85: {  	v16 =	vmov s18;
	v14 =	vbroadcast v14, $0xF  }
0x86: {  	vm15 =	veq.s32 v16, v2;
	vm0 =	veq.s32 v16, v3  }
0x87: {  	v11 =	vsel vm15, v14, v11;
	v12 =	vsel vm0, v14, v12;
	vm0 =	veq.s32 v16, v4  }
0x88: {  	v13 =	vsel vm0, v14, v13;
	vm0 =	veq.s32 v16, v5;
	v16 =	vmax.f32 v11, v12  }
0x89: {  	v14 =	vsel vm0, v14, v15;
	v15 =	vnsel vm1, $0x7FFFFFFF, v6;
	v16 =	vmax.f32 v16, v13  }
0x8a: {  	(xrf0) =	vmax.scan.msk.u32 $0xffff, v15;
	v15 =	vmax.f32 v16, v14  }
0x8b: {  	(xrf0) =	vmax.scan.msk.f32 $0xffff, v15;
	_ =	sdelay $0x4  }
0x8c: {  	v15, _, _ =	vpop (xrf0)  }
0x8d: {  	v16, _, _ =	vpop (xrf0)  }
0x8e: {  	v17 =	vbroadcast v16, $0xF;
	_ =	sdelay $0x1  }
0x8f: {  	vm0 =	veq.f32 v12, v17  }
0x90: {  	v18 =	vnsel vm0, $0xFFFFFFFF, v3  }
0x91: {  	vm0 =	vgt.s32 v18, v2  }
0x92: {  	vm15 =	veq.f32 v13, v17;
	v19 =	vsel vm0, v18, v2;
	vm0 =	veq.f32 v11, v17  }
0x93: {  	v18 =	vsel vm0, v19, v18;
	v19 =	vnsel vm15, $0xFFFFFFFF, v4  }
0x94: {  	vm0 =	veq.f32 v14, v17;
	vm15 =	vgt.s32 v18, v19  }
0x95: {  	v18 =	vsel vm15, v18, v19;
	v19 =	vnsel vm0, $0xFFFFFFFF, v5  }
0x96: {  	vm0 =	vgt.s32 v18, v19  }
0x97: {  	v18 =	vsel vm0, v18, v19  }
0x98: {  	v18 =	vxor.u32 $0x80000000, v18  }
0x99: {  	(xrf0) =	vmax.scan.msk.u32 $0xffff, v18;
	_ =	sdelay $0x4  }
0x9a: {  	(v2sf) =	vpush v15, $0xF  }
0x9b: {  	(v2sf) =	vpush v16, $0xF;
	v15, _, _ =	vpop (xrf0)  }
0x9c: {  	(v2sf) =	vpush v15, $0xF;
	_ =	sdelay $0xc  }
0x9d: {  	[tilespmem:$0x400] =	vst v11;
	s26 =	spop (v2sf)  }
0x9e: {  	[tilespmem:$0x410] =	vst v12;
	s19 =	spop (v2sf)  }
0x9f: {  	[tilespmem:$0x420] =	vst v13;
	s20 =	spop (v2sf)  }
0xa0: {  	[tilespmem:$0x430] =	vst v14;
	s21 =	sshll.u32 s20, $0x4  }
0xa1: {  	v11 =	vld [tilespmem:s21+$0x0];
	_ =	sdelay $0x4  }
0xa2: {  	vm0 =	veq.f32 v11, v17  }
0xa3: {  	v12 =	vnsel vm0, $0x7FFFFFFF, v6  }
0xa4: {  	v11 =	vsel vm0, $0xBF800000, v11;
	(xrf0) =	vmax.scan.msk.u32 $0xffff, v12  }
0xa5: {  	(xrf0) =	vmax.scan.msk.f32 $0xffff, v11;
	_ =	sdelay $0x1  }
0xa6: {  	[tilespmem:s21+$0x0] =	vst v11  }
0xa7: {  	v11 =	vld [tilespmem:$0x410]  }
0xa8: {  	v12 =	vld [tilespmem:$0x400]  }
0xa9: {  	v13 =	vld [tilespmem:$0x420];
	v14, _, _ =	vpop (xrf0)  }
0xaa: {  	s20 =	sxor.u32 $0x80000000, s20;
	v15 =	vld [tilespmem:$0x430];
	v16, _, _ =	vpop (xrf0);
	(v2sf) =	vpush v14, $0xF  }
0xab: {  	v17 =	vmov s20;
	v14 =	vbroadcast v16, $0xF  }
0xac: {  	vm0 =	veq.s32 v17, v2;
	vm15 =	veq.s32 v17, v3  }
0xad: {  	v16 =	vsel vm0, v14, v12;
	vm0 =	veq.s32 v17, v4;
	v18 =	vsel vm15, v14, v11  }
0xae: {  	vm15 =	veq.s32 v17, v5;
	v17 =	vsel vm0, v14, v13;
	v11 =	vmax.f32 v16, v18  }
0xaf: {  	v14 =	vsel vm15, v14, v15;
	v11 =	vmax.f32 v11, v17  }
0xb0: {  	v11 =	vmax.f32 v11, v14  }
0xb1: {  	(xrf0) =	vmax.scan.msk.f32 $0xffff, v11;
	_ =	sdelay $0x4  }
0xb2: {  	s17 =	sadd.s32 s26, s25  }
0xb3: {  	s17 =	sadd.s32 $0x80000000, s17;
	v15, _, _ =	vpop (xrf0)  }
0xb4: {  	s28 =	sshra.s32 s17, $0x2;
	v13 =	vbroadcast v15, $0xF  }
0xb5: {  	s17 =	sand.u32 $0x7F, s17;
	s18 =	sand.u32 $0xFFFFFFE0, s28;
	s29 =	spop (v2sf);
	(v2sf) =	vpush v15, $0xF  }
0xb6: {  	s22 =	simm.s32 $0xFFFFFFF1;
	s17 =	sadd.s32 s17, s18;
	vm0 =	veq.f32 v18, v13  }
0xb7: {  	v20 =	vmov s22;
	v11 =	vmov s17;
	s17 =	sadd.s32 s29, s21;
	v19 =	vnsel vm0, $0xFFFFFFFF, v3  }
0xb8: {  	s30 =	simm.s32 $0x1;
	vm1 =	vcmask $0x300;
	v12 =	vimm.s32 $0x0;
	[tilespmem:$0x400] =	vst v16;
	s21 =	sadd.s32 $0x80000000, s17;
	vm0 =	vgt.s32 v19, v2  }
0xb9: {  	p0 =	por $0x0, $0x0;
	s18 =	simm.s32 $0x2;
	[tilespmem:$0x410] =	vst v18;
	v11 =	vnsel vm1, $0x0, v11;
	vm15 =	veq.f32 v16, v13;
	s31 =	sshra.s32 s21, $0x2;
	v15 =	vsel vm0, v19, v2  }
0xba: {  	[tilespmem:$0x430] =	vst v14;
	s17 =	simm.f32 $0.0e+00;
	s21 =	sand.u32 $0x7F, s21;
	vm0 =	veq.f32 v17, v13;
	s22 =	sand.u32 $0xFFFFFFE0, s31;
	v15 =	vsel vm15, v15, v19;
	vm15 =	veq.f32 v14, v13  }
0xbb: {  	[tilespmem:$0x420] =	vst v17;
	s17 =	smov.u32 @p0 s19;
	s19 =	simm.s32 $0x3;
	v14 =	vmov s30;
	v16 =	vnsel vm0, $0xFFFFFFFF, v4;
	s21 =	sadd.s32 s21, s22;
	vm0 =	veq.s32 v20, v2  }
.LBB2_4:
0xbc: {  	p0 =	sne.s32 s19, $0x1F;
	vm1 =	vgt.s32 v15, v16;
	vm2 =	veq.s32 v14, v2;
	v12 =	vsel vm0, s21, v12;
	s20 =	smov.u32 s19;
	s19 =	sadd.s32 $0x1, s19  }
0xbd: {  	v14 =	vsel vm1, v15, v16;
	v15 =	vnsel vm15, $0xFFFFFFFF, v5;
	v11 =	vsel vm2, s21, v11  }
0xbe: {  	vm0 =	vgt.s32 v14, v15  }
0xbf: {  	v14 =	vsel vm0, v14, v15  }
0xc0: {  	v14 =	vxor.u32 $0x80000000, v14  }
0xc1: {  	(xrf0) =	vmax.scan.msk.u32 $0xffff, v14;
	_ =	sdelay $0x2  }
0xc2: {  	p1 =	seq.s32 s18, $0x18;
	s21 =	spop (v2sf)  }
0xc3: {  	s17 =	smov.u32 @p1 s21;
	_ =	sdelay $0x1  }
0xc4: {  	v14, _, _ =	vpop (xrf0)  }
0xc5: {  	(v2sf) =	vpush v14, $0xF;
	_ =	sdelay $0xe  }
0xc6: {  	s21 =	spop (v2sf)  }
0xc7: {  	s22 =	sxor.u32 $0x80000000, s21;
	s21 =	sshll.u32 s21, $0x4  }
0xc8: {  	v14 =	vld [tilespmem:s21+$0x0];
	v15 =	vmov s22;
	_ =	sdelay $0x4  }
0xc9: {  	vm0 =	veq.f32 v14, v13  }
0xca: {  	v13 =	vnsel vm0, $0x7FFFFFFF, v6;
	v14 =	vsel vm0, $0xBF800000, v14  }
0xcb: {  	[tilespmem:s21+$0x0] =	vst v14;
	(xrf0) =	vmax.scan.msk.u32 $0xffff, v13  }
0xcc: {  	(xrf0) =	vmax.scan.msk.f32 $0xffff, v14;
	_ =	sdelay $0x1  }
0xcd: {  	v13 =	vld [tilespmem:$0x420]  }
0xce: {  	v14 =	vld [tilespmem:$0x410]  }
0xcf: {  	v16 =	vld [tilespmem:$0x400]  }
0xd0: {  	v17 =	vld [tilespmem:$0x430];
	v18, _, _ =	vpop (xrf0)  }
0xd1: {  	(v2sf) =	vpush v18, $0xF;
	v18, _, _ =	vpop (xrf0)  }
0xd2: {  	vm0 =	veq.s32 v15, v5;
	v18 =	vbroadcast v18, $0xF  }
0xd3: {  	vm1 =	veq.s32 v15, v2;
	vm2 =	veq.s32 v15, v3;
	vm15 =	veq.s32 v15, v4  }
0xd4: {  	v15 =	vsel vm1, v18, v16;
	v14 =	vsel vm2, v18, v14;
	v16 =	vsel vm15, v18, v13  }
0xd5: {  	v13 =	vmax.f32 v15, v14;
	[tilespmem:$0x400] =	vst v15;
	v17 =	vsel vm0, v18, v17  }
0xd6: {  	v13 =	vmax.f32 v13, v16;
	[tilespmem:$0x430] =	vst v17  }
0xd7: {  	v13 =	vmax.f32 v13, v17;
	[tilespmem:$0x410] =	vst v14  }
0xd8: {  	(xrf0) =	vmax.scan.msk.f32 $0xffff, v13;
	[tilespmem:$0x420] =	vst v16;
	_ =	sdelay $0x5  }
0xd9: {  	v18, _, _ =	vpop (xrf0)  }
0xda: {  	v13 =	vbroadcast v18, $0xF;
	(v2sf) =	vpush v18, $0xF  }
0xdb: {  	s22 =	spop (v2sf)  }
.Ltmp3:
0xdc: {  	vm0 =	veq.f32 v14, v13;
	vm1 =	veq.f32 v16, v13;
	vm15 =	veq.f32 v17, v13;
	s21 =	sadd.s32 s22, s21;
	(pc) =	sbr.rel @p0 .LBB2_4-.Ltmp3, $4  }
0xdd: {  	v16 =	vnsel vm0, $0xFFFFFFFF, v3;
	s21 =	sadd.s32 $0x80000000, s21  }
0xde: {  	s23 =	sadd.s32 $0xFFFFFFF0, s18;
	v14 =	vmov s18;
	s18 =	smov.u32 s20;
	vm0 =	vgt.s32 v16, v2;
	s22 =	sshra.s32 s21, $0x2  }
0xdf: {  	vm2 =	veq.f32 v15, v13;
	v17 =	vmov s23;
	s21 =	sand.u32 $0x7F, s21;
	v15 =	vsel vm0, v16, v2;
	s20 =	sand.u32 $0xFFFFFFE0, s22  }
0xe0: {  	vm0 =	veq.s32 v17, v2;
	v15 =	vsel vm2, v15, v16;
	v16 =	vnsel vm1, $0xFFFFFFFF, v4;
	s21 =	sadd.s32 s21, s20  }
0xe1: {  	vm1 =	vgt.s32 v15, v16  }
0xe2: {  	v62 =	vnsel vm15, $0xFFFFFFFF, v5;
	v15 =	vsel vm1, v15, v16  }
0xe3: {  	vm1 =	vgt.s32 v15, v62  }
0xe4: {  	v15 =	vsel vm1, v15, v62  }
0xe5: {  	v15 =	vxor.u32 $0x80000000, v15  }
0xe6: {  	(xrf0) =	vmax.scan.msk.u32 $0xffff, v15;
	_ =	sdelay $0x5  }
0xe7: {  	v15, _, _ =	vpop (xrf0)  }
0xe8: {  	(v2sf) =	vpush v15, $0xF;
	_ =	sdelay $0xd  }
0xe9: {  	s19 =	spop (v2sf)  }
0xea: {  	s19 =	spop (v2sf)  }
0xeb: {  	s20 =	sshll.u32 s19, $0x4  }
0xec: {  	v15 =	vld [tilespmem:s20+$0x0];
	_ =	sdelay $0x4  }
0xed: {  	vm1 =	veq.f32 v15, v13  }
0xee: {  	v13 =	vnsel vm1, $0x7FFFFFFF, v6  }
0xef: {  	(xrf0) =	vmax.scan.msk.u32 $0xffff, v13;
	_ =	sdelay $0x5  }
0xf0: {  	v13, _, _ =	vpop (xrf0)  }
0xf1: {  	(v2sf) =	vpush v13, $0xF;
	_ =	sdelay $0x7  }
0xf2: {  	v13 =	vsel vm1, $0xBF800000, v15  }
0xf3: {  	(xrf0) =	vmax.scan.msk.f32 $0xffff, v13;
	_ =	sdelay $0x2  }
0xf4: {  	[tilespmem:s20+$0x0] =	vst v13  }
0xf5: {  	v13 =	vld [tilespmem:$0x400]  }
0xf6: {  	v15 =	vld [tilespmem:$0x430]  }
0xf7: {  	s19 =	sxor.u32 $0x80000000, s19;
	v63 =	vld [tilespmem:$0x410];
	v17, _, _ =	vpop (xrf0);
	s22 =	spop (v2sf)  }
0xf8: {  	v18 =	vmov s19;
	vm1 =	veq.s32 v14, v2;
	v14 =	vld [tilespmem:$0x420];
	v17 =	vbroadcast v17, $0xF;
	s29 =	sadd.s32 s22, s20  }
0xf9: {  	v12 =	vsel vm0, s21, v12;
	vm0 =	veq.s32 v18, v2;
	vm2 =	veq.s32 v18, v3;
	s19 =	sadd.s32 $0x80000000, s29  }
0xfa: {  	v11 =	vsel vm1, s21, v11;
	vm1 =	veq.s32 v18, v5;
	v13 =	vsel vm0, v17, v13;
	s30 =	sshra.s32 s19, $0x2  }
0xfb: {  	s31 =	sadd.s32 $0xFFFFFFF0, s18;
	vm0 =	veq.s32 v18, v4;
	[tilespmem:$0x400] =	vst v13;
	v13 =	vsel vm1, v17, v15;
	v15 =	vmov s18;
	s19 =	sand.u32 $0x7F, s19;
	s20 =	sand.u32 $0xFFFFFFE0, s30  }
0xfc: {  	v16 =	vsel vm2, v17, v63;
	[tilespmem:$0x430] =	vst v13;
	v13 =	vmov s31;
	vm1 =	veq.s32 v15, v2;
	s21 =	sadd.s32 s19, s20  }
0xfd: {  	v14 =	vsel vm0, v17, v14;
	[tilespmem:$0x410] =	vst v16;
	vm0 =	veq.s32 v13, v2;
	v11 =	vsel vm1, s21, v11  }
0xfe: {  	[tilespmem:$0x420] =	vst v14;
	v12 =	vsel vm0, s21, v12;
	v11 =	vadd.s32 v0, v11  }
0xff: {  	[tilespmem:$0x480] =	vst v11;
	v11 =	vadd.s32 v0, v12  }
0x100: {  	[tilespmem:$0x490] =	vst v11  }
0x101: {  	[tilespmem:s12], [sflag:$0x1] =	stream.indirect.gather [hbm4b:s2+s10], $0x80, s11, s10, $0xb8;
	[tilespmem:$0x2680] =	vst v63  }
0x102: {  	_ =	swait.ge [sflag:s13], $0x1000  }
0x103: {  	[sflag:s13] =	ssyncset.done $0x0  }
0x104: {  	s22 =	simm.s32 $0x0;
	[sflag:s13] =	ssyncadd.s32 $0xFFFFF000  }
0x105: {  	v12 =	vld [tilespmem:s22+$0x500];
	_ =	sdelay $0x3  }
0x106: {  	v11 =	vmov s17  }
0x107: {  	s23 =	simm.s32 $0x0;
	vm0 =	vge.f32 v12, v11  }
0x108: {  	[tilespmem:s23+$0x1500] =	vst.msk vm0, v12;
	v12 =	vmpcnt.ones.xlane vm0  }
0x109: {  	v13 =	vld [tilespmem:s22+$0x510]  }
0x10a: {  	(v2sf) =	vpush v12, $0x0;
	_ =	sdelay $0x3  }
0x10b: {  	vm0 =	vge.f32 v13, v11  }
0x10c: {  	v12 =	vmpcnt.ones.xlane vm0;
	_ =	sdelay $0x1  }
0x10d: {  	(v2sf) =	vpush v12, $0x0;
	_ =	sdelay $0x7  }
0x10e: {  	s24 =	spop (v2sf)  }
0x10f: {  	s17 =	sadd.s32 $0x0, s24  }
0x110: {  	[tilespmem:s17+$0x1500] =	vst.msk vm0, v13  }
0x111: {  	v12 =	vld [tilespmem:s22+$0x520];
	_ =	sdelay $0x3  }
0x112: {  	s25 =	spop (v2sf)  }
0x113: {  	s17 =	sadd.s32 s17, s25;
	vm0 =	vge.f32 v12, v11  }
0x114: {  	[tilespmem:s17+$0x1500] =	vst.msk vm0, v12;
	v12 =	vmpcnt.ones.xlane vm0  }
0x115: {  	v13 =	vld [tilespmem:s22+$0x530]  }
0x116: {  	(v2sf) =	vpush v12, $0x0;
	_ =	sdelay $0x3  }
0x117: {  	vm0 =	vge.f32 v13, v11  }
0x118: {  	v12 =	vmpcnt.ones.xlane vm0;
	_ =	sdelay $0x1  }
0x119: {  	(v2sf) =	vpush v12, $0x0;
	_ =	sdelay $0x7  }
0x11a: {  	s26 =	spop (v2sf)  }
0x11b: {  	s17 =	sadd.s32 s17, s26  }
0x11c: {  	[tilespmem:s17+$0x1500] =	vst.msk vm0, v13  }
0x11d: {  	v12 =	vld [tilespmem:s22+$0x540];
	_ =	sdelay $0x3  }
0x11e: {  	s28 =	spop (v2sf)  }
0x11f: {  	s17 =	sadd.s32 s17, s28;
	vm0 =	vge.f32 v12, v11  }
0x120: {  	[tilespmem:s17+$0x1500] =	vst.msk vm0, v12;
	v12 =	vmpcnt.ones.xlane vm0  }
0x121: {  	v13 =	vld [tilespmem:s22+$0x550]  }
0x122: {  	(v2sf) =	vpush v12, $0x0;
	_ =	sdelay $0x3  }
0x123: {  	vm0 =	vge.f32 v13, v11  }
0x124: {  	v12 =	vmpcnt.ones.xlane vm0;
	_ =	sdelay $0x1  }
0x125: {  	(v2sf) =	vpush v12, $0x0;
	_ =	sdelay $0x7  }
0x126: {  	s29 =	spop (v2sf)  }
0x127: {  	s17 =	sadd.s32 s17, s29  }
0x128: {  	[tilespmem:s17+$0x1500] =	vst.msk vm0, v13  }
0x129: {  	v12 =	vld [tilespmem:s22+$0x560];
	_ =	sdelay $0x3  }
0x12a: {  	s30 =	spop (v2sf)  }
0x12b: {  	s17 =	sadd.s32 s17, s30;
	vm0 =	vge.f32 v12, v11  }
0x12c: {  	[tilespmem:s17+$0x1500] =	vst.msk vm0, v12  }
0x12d: {  	v13 =	vmpcnt.ones.xlane vm0;
	v12 =	vld [tilespmem:s22+$0x570];
	_ =	sdelay $0x1  }
0x12e: {  	(v2sf) =	vpush v13, $0x0;
	_ =	sdelay $0x2  }
0x12f: {  	vm0 =	vge.f32 v12, v11  }
0x130: {  	v13 =	vmpcnt.ones.xlane vm0;
	_ =	sdelay $0x1  }
0x131: {  	(v2sf) =	vpush v13, $0x0;
	_ =	sdelay $0x8  }
0x132: {  	s31 =	spop (v2sf)  }
0x133: {  	s20 =	sadd.s32 s17, s31  }
0x134: {  	s17 =	simm.s32 $0x80;
	[tilespmem:s20+$0x1500] =	vst.msk vm0, v12  }
0x135: {  	v12 =	vld [tilespmem:s17+$0x500];
	_ =	sdelay $0x2  }
0x136: {  	s18 =	simm.s32 $0x400;
	s19 =	spop (v2sf)  }
.LBB2_6:
0x137: {  	p0 =	sne.s32 s18, $0x3000  }
0x138: {  	vm0 =	vge.f32 v12, v11;
	s20 =	sadd.s32 s20, s19;
	s19 =	smov.u32 s18;
	s18 =	sadd.s32 $0x200, s18  }
0x139: {  	[tilespmem:s20+$0x1500] =	vst.msk vm0, v12;
	v12 =	vmpcnt.ones.xlane vm0  }
0x13a: {  	v13 =	vld [tilespmem:s17+$0x510]  }
0x13b: {  	(v2sf) =	vpush v12, $0x0;
	_ =	sdelay $0x3  }
0x13c: {  	vm0 =	vge.f32 v13, v11  }
0x13d: {  	v12 =	vmpcnt.ones.xlane vm0;
	_ =	sdelay $0x1  }
0x13e: {  	(v2sf) =	vpush v12, $0x0;
	_ =	sdelay $0x7  }
0x13f: {  	s21 =	spop (v2sf)  }
0x140: {  	s20 =	sadd.s32 s20, s21  }
0x141: {  	[tilespmem:s20+$0x1500] =	vst.msk vm0, v13  }
0x142: {  	v12 =	vld [tilespmem:s17+$0x520];
	_ =	sdelay $0x3  }
0x143: {  	s21 =	spop (v2sf)  }
0x144: {  	s20 =	sadd.s32 s20, s21;
	vm0 =	vge.f32 v12, v11  }
0x145: {  	[tilespmem:s20+$0x1500] =	vst.msk vm0, v12;
	v12 =	vmpcnt.ones.xlane vm0  }
0x146: {  	v13 =	vld [tilespmem:s17+$0x530]  }
0x147: {  	(v2sf) =	vpush v12, $0x0;
	_ =	sdelay $0x3  }
0x148: {  	vm0 =	vge.f32 v13, v11  }
0x149: {  	v12 =	vmpcnt.ones.xlane vm0;
	_ =	sdelay $0x1  }
0x14a: {  	(v2sf) =	vpush v12, $0x0;
	_ =	sdelay $0x7  }
0x14b: {  	s21 =	spop (v2sf)  }
0x14c: {  	s20 =	sadd.s32 s20, s21  }
0x14d: {  	[tilespmem:s20+$0x1500] =	vst.msk vm0, v13  }
0x14e: {  	v12 =	vld [tilespmem:s17+$0x540];
	_ =	sdelay $0x3  }
0x14f: {  	s21 =	spop (v2sf)  }
0x150: {  	s20 =	sadd.s32 s20, s21;
	vm0 =	vge.f32 v12, v11  }
0x151: {  	[tilespmem:s20+$0x1500] =	vst.msk vm0, v12;
	v12 =	vmpcnt.ones.xlane vm0  }
0x152: {  	v13 =	vld [tilespmem:s17+$0x550]  }
0x153: {  	(v2sf) =	vpush v12, $0x0;
	_ =	sdelay $0x3  }
0x154: {  	vm0 =	vge.f32 v13, v11  }
0x155: {  	v12 =	vmpcnt.ones.xlane vm0;
	_ =	sdelay $0x1  }
0x156: {  	(v2sf) =	vpush v12, $0x0;
	_ =	sdelay $0x7  }
0x157: {  	s21 =	spop (v2sf)  }
0x158: {  	s20 =	sadd.s32 s20, s21  }
0x159: {  	[tilespmem:s20+$0x1500] =	vst.msk vm0, v13  }
0x15a: {  	v12 =	vld [tilespmem:s17+$0x560];
	_ =	sdelay $0x3  }
0x15b: {  	s21 =	spop (v2sf)  }
0x15c: {  	s20 =	sadd.s32 s20, s21;
	vm0 =	vge.f32 v12, v11  }
0x15d: {  	[tilespmem:s20+$0x1500] =	vst.msk vm0, v12;
	v12 =	vmpcnt.ones.xlane vm0  }
0x15e: {  	v13 =	vld [tilespmem:s17+$0x570]  }
0x15f: {  	(v2sf) =	vpush v12, $0x0;
	_ =	sdelay $0x3  }
0x160: {  	vm0 =	vge.f32 v13, v11  }
0x161: {  	v12 =	vmpcnt.ones.xlane vm0;
	_ =	sdelay $0x1  }
0x162: {  	(v2sf) =	vpush v12, $0x0;
	_ =	sdelay $0x7  }
0x163: {  	s17 =	spop (v2sf)  }
0x164: {  	s20 =	sadd.s32 s20, s17  }
0x165: {  	s17 =	sshra.s32 s19, $0x2;
	[tilespmem:s20+$0x1500] =	vst.msk vm0, v13  }
.Ltmp4:
0x166: {  	v12 =	vld [tilespmem:s17+$0x500];
	(pc) =	sbr.rel @p0 .LBB2_6-.Ltmp4, $2  }
0x167: {  	_ =	sdelay $0x2  }
0x168: {  	s19 =	spop (v2sf)  }
0x169: {  	vm0 =	vge.f32 v12, v11;
	s18 =	sadd.s32 s20, s19  }
0x16a: {  	[tilespmem:s18+$0x1500] =	vst.msk vm0, v12;
	v54 =	vmpcnt.ones.xlane vm0  }
0x16b: {  	v13 =	vld [tilespmem:s17+$0x510]  }
0x16c: {  	(v2sf) =	vpush v54, $0x0;
	_ =	sdelay $0x3  }
0x16d: {  	vm0 =	vge.f32 v13, v11  }
0x16e: {  	v55 =	vmpcnt.ones.xlane vm0;
	_ =	sdelay $0x1  }
0x16f: {  	(v2sf) =	vpush v55, $0x0;
	_ =	sdelay $0x7  }
0x170: {  	s22 =	spop (v2sf)  }
0x171: {  	s18 =	sadd.s32 s18, s22  }
0x172: {  	[tilespmem:s18+$0x1500] =	vst.msk vm0, v13  }
0x173: {  	v56 =	vld [tilespmem:s17+$0x520];
	_ =	sdelay $0x3  }
0x174: {  	s23 =	spop (v2sf)  }
0x175: {  	s18 =	sadd.s32 s18, s23;
	vm0 =	vge.f32 v56, v11  }
0x176: {  	[tilespmem:s18+$0x1500] =	vst.msk vm0, v56;
	v57 =	vmpcnt.ones.xlane vm0  }
0x177: {  	v13 =	vld [tilespmem:s17+$0x530]  }
0x178: {  	(v2sf) =	vpush v57, $0x0;
	_ =	sdelay $0x3  }
0x179: {  	vm0 =	vge.f32 v13, v11  }
0x17a: {  	v58 =	vmpcnt.ones.xlane vm0;
	_ =	sdelay $0x1  }
0x17b: {  	(v2sf) =	vpush v58, $0x0;
	_ =	sdelay $0x7  }
0x17c: {  	s24 =	spop (v2sf)  }
0x17d: {  	s18 =	sadd.s32 s18, s24  }
0x17e: {  	[tilespmem:s18+$0x1500] =	vst.msk vm0, v13  }
0x17f: {  	v59 =	vld [tilespmem:s17+$0x540];
	_ =	sdelay $0x3  }
0x180: {  	s25 =	spop (v2sf)  }
0x181: {  	s18 =	sadd.s32 s18, s25;
	vm0 =	vge.f32 v59, v11  }
0x182: {  	[tilespmem:s18+$0x1500] =	vst.msk vm0, v59;
	v60 =	vmpcnt.ones.xlane vm0  }
0x183: {  	v13 =	vld [tilespmem:s17+$0x550]  }
0x184: {  	(v2sf) =	vpush v60, $0x0;
	_ =	sdelay $0x3  }
0x185: {  	vm0 =	vge.f32 v13, v11  }
0x186: {  	v61 =	vmpcnt.ones.xlane vm0;
	_ =	sdelay $0x1  }
0x187: {  	(v2sf) =	vpush v61, $0x0;
	_ =	sdelay $0x7  }
0x188: {  	s26 =	spop (v2sf)  }
0x189: {  	s18 =	sadd.s32 s18, s26  }
0x18a: {  	[tilespmem:s18+$0x1500] =	vst.msk vm0, v13  }
0x18b: {  	v62 =	vld [tilespmem:s17+$0x560];
	_ =	sdelay $0x3  }
0x18c: {  	s28 =	spop (v2sf)  }
0x18d: {  	s18 =	sadd.s32 s18, s28;
	vm0 =	vge.f32 v62, v11  }
0x18e: {  	[tilespmem:s18+$0x1500] =	vst.msk vm0, v62  }
0x18f: {  	v12 =	vld [tilespmem:s17+$0x570];
	_ =	sdelay $0x4  }
0x190: {  	v63 =	vmpcnt.ones.xlane vm0;
	vm0 =	vge.f32 v12, v11  }
0x191: {  	v11 =	vmpcnt.ones.xlane vm0  }
0x192: {  	(v2sf) =	vpush v63, $0x0  }
0x193: {  	(v2sf) =	vpush v11, $0x0;
	_ =	sdelay $0x3  }
0x194: {  	v11 =	vld [tilespmem:$0x1FFD0];
	_ =	sdelay $0x4  }
0x195: {  	vm1 =	vnez.u8 v11;
	v11 =	vld [tilespmem:$0x1FFE0];
	_ =	sdelay $0x4  }
0x196: {  	s29 =	spop (v2sf);
	vm2 =	vnez.u8 v11;
	v11 =	vld [tilespmem:$0x1FFF0]  }
.Ltmp5:
0x197: {  	s17 =	sadd.s32 s18, s29;
	s30 =	spop (v2sf);
	(pc) =	sbr.rel .LBB2_8-.Ltmp5, $4  }
0x198: {  	s18 =	sadd.s32 s17, s30  }
0x199: {  	s31 =	sadd.s32 $0xF, s18  }
0x19a: {  	[tilespmem:s17+$0x1500] =	vst.msk vm0, v12;
	s17 =	sshra.s32 s31, $0x4  }
0x19b: {  	vm15 =	vnez.u8 v11;
	[tilespmem:s18+$0x1500] =	vst v7;
	s18 =	simm.s32 $0x0;
	p0 =	slt.s32 s17, $0x1  }
.LBB2_9:
0x19c: {  	v11 =	vimm.f32 $-1.000000000e+00  }
.LBB2_13:
0x19d: {  	(xrf0) =	vmax.scan.msk.f32 $0xffff, v11;
	_ =	sdelay $0x5  }
0x19e: {  	v11, _, _ =	vpop (xrf0)  }
0x19f: {  	(v2sf) =	vpush v11, $0xF;
	_ =	sdelay $0x8  }
0x1a0: {  	s18 =	sadd.s32 $0x1, s18  }
0x1a1: {  	p1 =	sne.s32 s18, $0x18  }
.Ltmp6:
0x1a2: {  	_ = 	snop;
	(pc) =	sbr.rel @!p1 .LBB2_14-.Ltmp6, $2  }
0x1a3: {  	_ =	sdelay $0x2  }
0x1a4: {  	s16 =	spop (v2sf)  }
.LBB2_8:
.Ltmp7:
0x1a5: {  	(pc) =	sbr.rel @p0 .LBB2_9-.Ltmp7, $1  }
0x1a6: {  	_ =	sdelay $0x3  }
0x1a7: {  	s19 =	simm.s32 $0x1500  }
0x1a8: {  	p1 =	sne.s32 s17, $0x1;
	v11 =	vld [tilespmem:s19+$0x0]  }
.Ltmp8:
0x1a9: {  	_ = 	snop;
	(pc) =	sbr.rel @!p1 .LBB2_12-.Ltmp8, $3  }
0x1aa: {  	_ =	sdelay $0x1  }
0x1ab: {  	v13 =	vmov s16  }
0x1ac: {  	v12 =	vimm.f32 $-1.000000000e+00;
	s16 =	sadd.s32 $0xFFFFFFFF, s17;
	s19 =	simm.s32 $0x1510;
	vm0 =	vlt.f32 v11, v13  }
.LBB2_11:
0x1ad: {  	p1 =	sne.s32 s16, $0x1;
	s16 =	sadd.s32 $0xFFFFFFFF, s16;
	v14 =	vnsel vm0, $0xBF800000, v11;
	v11 =	vld [tilespmem:s19+$0x0]  }
.Ltmp9:
0x1ae: {  	v12 =	vmax.f32 v12, v14;
	(pc) =	sbr.rel @p1 .LBB2_11-.Ltmp9, $2  }
0x1af: {  	_ =	sdelay $0x2  }
0x1b0: {  	s19 =	sadd.s32 $0x10, s19;
	vm0 =	vlt.f32 v11, v13  }
.LBB2_12:
.Ltmp10:
0x1b1: {  	(pc) =	sbr.rel .LBB2_13-.Ltmp10, $3  }
0x1b2: {  	_ =	sdelay $0x1  }
0x1b3: {  	v11 =	vnsel vm0, $0xBF800000, v11  }
0x1b4: {  	v11 =	vmax.f32 v12, v11  }
.LBB2_14:
0x1b5: {  	v11 =	vperm.xlane v11, v8  }
0x1b6: {  	vm0 =	vcmask $0x3F08  }
0x1b7: {  	v11 =	vsel vm0, v9, v11  }
0x1b8: {  	v10 =	vperm.xlane v10, v8;
	v11 =	vperm.xlane v11, v2  }
0x1b9: {  	vm0 =	vcmask $0x308  }
0x1ba: {  	v10 =	vsel vm0, v11, v10  }
0x1bb: {  	s17 =	simm.s32 $0x80;
	s16 =	simm.s32 $0x0;
	[tilespmem:$0x2580] =	vst v10  }
0x1bc: {  	[tilespmem:s16], [sflag:$0x2] =	stream.strided.gather [hbm4b:s5+s17], $0x400, s8, s17, $0x38;
	[tilespmem:$0x2680] =	vst v63  }
0x1bd: {  	_ =	swait.ge [sflag:s9], $0x400  }
0x1be: {  	[sflag:s9] =	ssyncset.done $0x0  }
0x1bf: {  	[sflag:s9] =	ssyncadd.s32 $0xFFFFFC00  }
0x1c0: {  	v11 =	vld [tilespmem:s17+$0xFFFFFF80]  }
0x1c1: {  	s18 =	simm.s32 $0x40;
	v10 =	vld [tilespmem:s17+$0xFFFFFF90]  }
.LBB2_15:
0x1c2: {  	p0 =	sne.s32 s18, $0xC0;
	v12 =	vld [tilespmem:s17+$0xFFFFFFA0]  }
0x1c3: {  	v13 =	vld [tilespmem:s17+$0xFFFFFFB0]  }
0x1c4: {  	v14 =	vld [tilespmem:s17+$0xFFFFFFC0]  }
0x1c5: {  	v15 =	vld [tilespmem:s17+$0xFFFFFFD0];
	(xrf0) =	vmax.scan.msk.f32 $0xffff, v11  }
0x1c6: {  	v11 =	vld [tilespmem:s17+$0xFFFFFFE0];
	(xrf0) =	vmax.scan.msk.f32 $0xffff, v10  }
0x1c7: {  	v10 =	vld [tilespmem:s17+$0xFFFFFFF0];
	(xrf0) =	vmax.scan.msk.f32 $0xffff, v12  }
0x1c8: {  	v12 =	vld [tilespmem:s17+$0x0];
	(xrf0) =	vmax.scan.msk.f32 $0xffff, v13  }
0x1c9: {  	v13 =	vld [tilespmem:s17+$0x10];
	(xrf0) =	vmax.scan.msk.f32 $0xffff, v14  }
0x1ca: {  	v14 =	vld [tilespmem:s17+$0x20];
	(xrf0) =	vmax.scan.msk.f32 $0xffff, v15  }
0x1cb: {  	v15 =	vld [tilespmem:s17+$0x30];
	v16, _, _ =	vpop (xrf0);
	(xrf0) =	vmax.scan.msk.f32 $0xffff, v11  }
0x1cc: {  	v11 =	vld [tilespmem:s17+$0x40];
	v17, _, _ =	vpop (xrf0);
	(xrf0) =	vmax.scan.msk.f32 $0xffff, v10  }
0x1cd: {  	v10 =	vbroadcast v16, $0xF;
	v20 =	vbroadcast v17, $0xF;
	v17 =	vld [tilespmem:s17+$0x50];
	v18, _, _ =	vpop (xrf0);
	(xrf0) =	vmax.scan.msk.f32 $0xffff, v12  }
0x1ce: {  	v12 =	vbroadcast v18, $0xF;
	v18 =	vld [tilespmem:s17+$0x60];
	v19, _, _ =	vpop (xrf0);
	(xrf0) =	vmax.scan.msk.f32 $0xffff, v13  }
0x1cf: {  	v10 =	vsel vm1, v10, v20;
	v13 =	vbroadcast v19, $0xF;
	v16, _, _ =	vpop (xrf0);
	(xrf0) =	vmax.scan.msk.f32 $0xffff, v14  }
0x1d0: {  	v10 =	vsel vm2, v10, v12;
	v16 =	vbroadcast v16, $0xF;
	v14, _, _ =	vpop (xrf0);
	(xrf0) =	vmax.scan.msk.f32 $0xffff, v15  }
0x1d1: {  	v10 =	vsel vm15, v10, v13;
	v19 =	vbroadcast v14, $0xF;
	v14 =	vld [tilespmem:s17+$0x70];
	v15, _, _ =	vpop (xrf0);
	(xrf0) =	vmax.scan.msk.f32 $0xffff, v11  }
0x1d2: {  	v10 =	vsel vm3, v10, v16;
	v11 =	vbroadcast v15, $0xF;
	v12, _, _ =	vpop (xrf0);
	(xrf0) =	vmax.scan.msk.f32 $0xffff, v17  }
0x1d3: {  	v10 =	vsel vm4, v10, v19;
	v12 =	vbroadcast v12, $0xF;
	v13, _, _ =	vpop (xrf0);
	(xrf0) =	vmax.scan.msk.f32 $0xffff, v18  }
0x1d4: {  	v10 =	vsel vm5, v10, v11;
	v11 =	vbroadcast v13, $0xF;
	v13, _, _ =	vpop (xrf0)  }
0x1d5: {  	v10 =	vsel vm6, v10, v12;
	v12 =	vbroadcast v13, $0xF;
	v13, _, _ =	vpop (xrf0)  }
0x1d6: {  	v10 =	vsel vm7, v10, v11;
	v11 =	vbroadcast v13, $0xF;
	v13, _, _ =	vpop (xrf0);
	(xrf0) =	vmax.scan.msk.f32 $0xffff, v14  }
0x1d7: {  	v10 =	vsel vm8, v10, v12;
	v12 =	vbroadcast v13, $0xF;
	v13, _, _ =	vpop (xrf0)  }
0x1d8: {  	v10 =	vsel vm9, v10, v11;
	v11 =	vbroadcast v13, $0xF;
	v13, _, _ =	vpop (xrf0)  }
0x1d9: {  	v10 =	vsel vm10, v10, v12;
	v12 =	vbroadcast v13, $0xF;
	v13, _, _ =	vpop (xrf0)  }
0x1da: {  	v10 =	vsel vm11, v10, v11;
	v13 =	vbroadcast v13, $0xF  }
0x1db: {  	v10 =	vsel vm12, v10, v12  }
.Ltmp11:
0x1dc: {  	v10 =	vsel vm13, v10, v13;
	v11, _, _ =	vpop (xrf0);
	(pc) =	sbr.rel @p0 .LBB2_15-.Ltmp11, $4  }
0x1dd: {  	s19 =	sshra.s32 s16, $0x2;
	s16 =	smov.u32 s18;
	v10 =	vsel vm14, v10, v11  }
0x1de: {  	s17 =	sadd.s32 $0x100, s17;
	[tilespmem:s19+$0x400] =	vst v10  }
0x1df: {  	v11 =	vld [tilespmem:s17+$0xFFFFFF80]  }
0x1e0: {  	s18 =	sadd.s32 $0x40, s18;
	v10 =	vld [tilespmem:s17+$0xFFFFFF90]  }
0x1e1: {  	_ = 	snop  }
0x1e2: {  	v12 =	vld [tilespmem:s17+$0xFFFFFFA0]  }
0x1e3: {  	v13 =	vld [tilespmem:s17+$0xFFFFFFB0]  }
0x1e4: {  	v14 =	vld [tilespmem:s17+$0xFFFFFFC0];
	(xrf0) =	vmax.scan.msk.f32 $0xffff, v11  }
0x1e5: {  	v15 =	vld [tilespmem:s17+$0xFFFFFFD0];
	(xrf0) =	vmax.scan.msk.f32 $0xffff, v10  }
0x1e6: {  	v11 =	vld [tilespmem:s17+$0xFFFFFFE0]  }
0x1e7: {  	v10 =	vld [tilespmem:s17+$0xFFFFFFF0];
	(xrf0) =	vmax.scan.msk.f32 $0xffff, v12  }
0x1e8: {  	(xrf0) =	vmax.scan.msk.f32 $0xffff, v13  }
0x1e9: {  	(xrf0) =	vmax.scan.msk.f32 $0xffff, v14  }
0x1ea: {  	v12 =	vld [tilespmem:s17+$0x0];
	(xrf0) =	vmax.scan.msk.f32 $0xffff, v15;
	v16, _, _ =	vpop (xrf0)  }
0x1eb: {  	v13 =	vld [tilespmem:s17+$0x10];
	(xrf0) =	vmax.scan.msk.f32 $0xffff, v11;
	v17, _, _ =	vpop (xrf0)  }
0x1ec: {  	v14 =	vld [tilespmem:s17+$0x20];
	(xrf0) =	vmax.scan.msk.f32 $0xffff, v10;
	v10 =	vbroadcast v16, $0xF;
	v16 =	vbroadcast v17, $0xF;
	_ =	sdelay $0x1  }
0x1ed: {  	v15 =	vld [tilespmem:s17+$0x30];
	v18, _, _ =	vpop (xrf0)  }
0x1ee: {  	v11 =	vld [tilespmem:s17+$0x40];
	(xrf0) =	vmax.scan.msk.f32 $0xffff, v12;
	v12 =	vbroadcast v18, $0xF;
	v19, _, _ =	vpop (xrf0)  }
0x1ef: {  	v17 =	vld [tilespmem:s17+$0x50];
	(xrf0) =	vmax.scan.msk.f32 $0xffff, v13;
	v10 =	vsel vm1, v10, v16;
	v13 =	vbroadcast v19, $0xF;
	v16, _, _ =	vpop (xrf0)  }
0x1f0: {  	v18 =	vld [tilespmem:s17+$0x60];
	v10 =	vsel vm2, v10, v12;
	(xrf0) =	vmax.scan.msk.f32 $0xffff, v14;
	v12 =	vbroadcast v16, $0xF;
	v14, _, _ =	vpop (xrf0)  }
0x1f1: {  	v10 =	vsel vm15, v10, v13;
	v13 =	vbroadcast v14, $0xF  }
0x1f2: {  	(xrf0) =	vmax.scan.msk.f32 $0xffff, v15  }
0x1f3: {  	v15, _, _ =	vpop (xrf0);
	(xrf0) =	vmax.scan.msk.f32 $0xffff, v11  }
0x1f4: {  	v10 =	vsel vm3, v10, v12;
	v11 =	vbroadcast v15, $0xF;
	v12, _, _ =	vpop (xrf0);
	(xrf0) =	vmax.scan.msk.f32 $0xffff, v17  }
0x1f5: {  	v14 =	vld [tilespmem:s17+$0x70];
	v10 =	vsel vm4, v10, v13;
	v12 =	vbroadcast v12, $0xF;
	v13, _, _ =	vpop (xrf0);
	(xrf0) =	vmax.scan.msk.f32 $0xffff, v18  }
0x1f6: {  	v10 =	vsel vm5, v10, v11;
	v11 =	vbroadcast v13, $0xF;
	v13, _, _ =	vpop (xrf0)  }
0x1f7: {  	v10 =	vsel vm6, v10, v12;
	v12 =	vbroadcast v13, $0xF;
	v13, _, _ =	vpop (xrf0)  }
0x1f8: {  	v10 =	vsel vm7, v10, v11;
	v11 =	vbroadcast v13, $0xF;
	v13, _, _ =	vpop (xrf0)  }
0x1f9: {  	v10 =	vsel vm8, v10, v12;
	v12 =	vbroadcast v13, $0xF;
	v13, _, _ =	vpop (xrf0)  }
0x1fa: {  	(xrf0) =	vmax.scan.msk.f32 $0xffff, v14;
	v10 =	vsel vm9, v10, v11;
	v11 =	vbroadcast v13, $0xF;
	v13, _, _ =	vpop (xrf0)  }
0x1fb: {  	v10 =	vsel vm10, v10, v12;
	v12 =	vbroadcast v13, $0xF;
	v13, _, _ =	vpop (xrf0)  }
0x1fc: {  	v10 =	vsel vm11, v10, v11;
	v11 =	vbroadcast v13, $0xF;
	_ =	sdelay $0x2  }
0x1fd: {  	v10 =	vsel vm12, v10, v12  }
0x1fe: {  	v10 =	vsel vm13, v10, v11;
	v11, _, _ =	vpop (xrf0)  }
0x1ff: {  	s16 =	sshra.s32 s16, $0x2;
	v10 =	vsel vm14, v10, v11  }
0x200: {  	[tilespmem:s16+$0x400] =	vst v10  }
0x201: {  	v11 =	vld [tilespmem:$0x400]  }
0x202: {  	v12 =	vld [tilespmem:$0x410]  }
0x203: {  	v13 =	vld [tilespmem:$0x420]  }
0x204: {  	v14 =	vld [tilespmem:$0x430];
	_ =	sdelay $0x2  }
0x205: {  	v10 =	vmax.f32 v11, v12  }
0x206: {  	v10 =	vmax.f32 v10, v13  }
0x207: {  	v10 =	vmax.f32 v10, v14  }
0x208: {  	(xrf0) =	vmax.scan.msk.f32 $0xffff, v10;
	_ =	sdelay $0x5  }
0x209: {  	v10, _, _ =	vpop (xrf0)  }
0x20a: {  	v15 =	vbroadcast v10, $0xF;
	_ =	sdelay $0x1  }
0x20b: {  	vm0 =	veq.f32 v12, v15  }
0x20c: {  	v12 =	vnsel vm0, $0xFFFFFFFF, v3  }
0x20d: {  	vm0 =	vgt.s32 v12, v2  }
0x20e: {  	vm1 =	veq.f32 v11, v15;
	v11 =	vsel vm0, v12, v2;
	vm0 =	veq.f32 v13, v15  }
0x20f: {  	v11 =	vsel vm1, v11, v12;
	v12 =	vnsel vm0, $0xFFFFFFFF, v4  }
0x210: {  	vm1 =	veq.f32 v14, v15;
	vm0 =	vgt.s32 v11, v12  }
0x211: {  	v11 =	vsel vm0, v11, v12;
	v12 =	vnsel vm1, $0xFFFFFFFF, v5  }
0x212: {  	vm0 =	vgt.s32 v11, v12  }
0x213: {  	v11 =	vsel vm0, v11, v12  }
0x214: {  	v11 =	vxor.u32 $0x80000000, v11  }
0x215: {  	(xrf0) =	vmax.scan.msk.u32 $0xffff, v11;
	_ =	sdelay $0x5  }
0x216: {  	(v2sf) =	vpush v10, $0xF;
	v11, _, _ =	vpop (xrf0)  }
0x217: {  	(v2sf) =	vpush v11, $0xF;
	_ =	sdelay $0xd  }
0x218: {  	s16 =	spop (v2sf)  }
0x219: {  	s18 =	spop (v2sf)  }
0x21a: {  	s25 =	sshll.u32 s18, $0x4  }
0x21b: {  	v11 =	vld [tilespmem:s25+$0x0];
	_ =	sdelay $0x4  }
0x21c: {  	vm0 =	veq.f32 v11, v15  }
0x21d: {  	v11 =	vsel vm0, $0xBF800000, v11  }
0x21e: {  	(xrf0) =	vmax.scan.msk.f32 $0xffff, v11;
	_ =	sdelay $0x1  }
0x21f: {  	[tilespmem:s25+$0x0] =	vst v11  }
0x220: {  	v11 =	vld [tilespmem:$0x400]  }
0x221: {  	v12 =	vld [tilespmem:$0x410]  }
0x222: {  	v13 =	vld [tilespmem:$0x420]  }
0x223: {  	s18 =	sxor.u32 $0x80000000, s18;
	v15 =	vld [tilespmem:$0x430];
	v14, _, _ =	vpop (xrf0)  }
0x224: {  	v16 =	vmov s18;
	v14 =	vbroadcast v14, $0xF  }
0x225: {  	vm1 =	veq.s32 v16, v2;
	vm2 =	veq.s32 v16, v3  }
0x226: {  	v11 =	vsel vm1, v14, v11;
	v12 =	vsel vm2, v14, v12;
	vm1 =	veq.s32 v16, v4  }
0x227: {  	v13 =	vsel vm1, v14, v13;
	vm1 =	veq.s32 v16, v5;
	v16 =	vmax.f32 v11, v12  }
0x228: {  	v14 =	vsel vm1, v14, v15;
	v15 =	vnsel vm0, $0x7FFFFFFF, v6;
	v16 =	vmax.f32 v16, v13  }
0x229: {  	(xrf0) =	vmax.scan.msk.u32 $0xffff, v15;
	v15 =	vmax.f32 v16, v14  }
0x22a: {  	(xrf0) =	vmax.scan.msk.f32 $0xffff, v15;
	_ =	sdelay $0x4  }
0x22b: {  	v15, _, _ =	vpop (xrf0)  }
0x22c: {  	v16, _, _ =	vpop (xrf0)  }
0x22d: {  	v17 =	vbroadcast v16, $0xF;
	_ =	sdelay $0x1  }
0x22e: {  	vm0 =	veq.f32 v12, v17  }
0x22f: {  	v18 =	vnsel vm0, $0xFFFFFFFF, v3  }
0x230: {  	vm0 =	vgt.s32 v18, v2  }
0x231: {  	vm1 =	veq.f32 v13, v17;
	v19 =	vsel vm0, v18, v2;
	vm0 =	veq.f32 v11, v17  }
0x232: {  	v18 =	vsel vm0, v19, v18;
	v19 =	vnsel vm1, $0xFFFFFFFF, v4  }
0x233: {  	vm0 =	veq.f32 v14, v17;
	vm1 =	vgt.s32 v18, v19  }
0x234: {  	v18 =	vsel vm1, v18, v19;
	v19 =	vnsel vm0, $0xFFFFFFFF, v5  }
0x235: {  	vm0 =	vgt.s32 v18, v19  }
0x236: {  	v18 =	vsel vm0, v18, v19  }
0x237: {  	v18 =	vxor.u32 $0x80000000, v18  }
0x238: {  	(xrf0) =	vmax.scan.msk.u32 $0xffff, v18;
	_ =	sdelay $0x4  }
0x239: {  	(v2sf) =	vpush v15, $0xF  }
0x23a: {  	(v2sf) =	vpush v16, $0xF;
	v15, _, _ =	vpop (xrf0)  }
0x23b: {  	(v2sf) =	vpush v15, $0xF;
	_ =	sdelay $0xc  }
0x23c: {  	[tilespmem:$0x400] =	vst v11;
	s26 =	spop (v2sf)  }
0x23d: {  	[tilespmem:$0x410] =	vst v12;
	s19 =	spop (v2sf)  }
0x23e: {  	[tilespmem:$0x420] =	vst v13;
	s20 =	spop (v2sf)  }
0x23f: {  	[tilespmem:$0x430] =	vst v14;
	s21 =	sshll.u32 s20, $0x4  }
0x240: {  	v11 =	vld [tilespmem:s21+$0x0];
	_ =	sdelay $0x4  }
0x241: {  	vm0 =	veq.f32 v11, v17  }
0x242: {  	v12 =	vnsel vm0, $0x7FFFFFFF, v6  }
0x243: {  	(xrf0) =	vmax.scan.msk.u32 $0xffff, v12  }
0x244: {  	v11 =	vsel vm0, $0xBF800000, v11  }
0x245: {  	(xrf0) =	vmax.scan.msk.f32 $0xffff, v11;
	_ =	sdelay $0x1  }
0x246: {  	[tilespmem:s21+$0x0] =	vst v11  }
0x247: {  	v11 =	vld [tilespmem:$0x410]  }
0x248: {  	v12 =	vld [tilespmem:$0x400];
	v14, _, _ =	vpop (xrf0)  }
0x249: {  	v13 =	vld [tilespmem:$0x420];
	(v2sf) =	vpush v14, $0xF  }
0x24a: {  	s20 =	sxor.u32 $0x80000000, s20;
	v15 =	vld [tilespmem:$0x430];
	v16, _, _ =	vpop (xrf0)  }
0x24b: {  	v17 =	vmov s20;
	v14 =	vbroadcast v16, $0xF  }
0x24c: {  	vm0 =	veq.s32 v17, v2;
	vm1 =	veq.s32 v17, v3  }
0x24d: {  	v16 =	vsel vm0, v14, v12;
	vm0 =	veq.s32 v17, v4;
	v18 =	vsel vm1, v14, v11  }
0x24e: {  	vm1 =	veq.s32 v17, v5;
	v17 =	vsel vm0, v14, v13;
	v11 =	vmax.f32 v16, v18  }
0x24f: {  	v14 =	vsel vm1, v14, v15;
	v11 =	vmax.f32 v11, v17  }
0x250: {  	v11 =	vmax.f32 v11, v14  }
0x251: {  	(xrf0) =	vmax.scan.msk.f32 $0xffff, v11;
	_ =	sdelay $0x3  }
0x252: {  	s17 =	sadd.s32 s26, s25  }
0x253: {  	s17 =	sadd.s32 $0x80000000, s17  }
0x254: {  	s22 =	simm.s32 $0xFFFFFFF1;
	s28 =	sshra.s32 s17, $0x2;
	v15, _, _ =	vpop (xrf0)  }
0x255: {  	s17 =	sand.u32 $0x7F, s17;
	s18 =	sand.u32 $0xFFFFFFE0, s28;
	v13 =	vbroadcast v15, $0xF;
	s29 =	spop (v2sf);
	(v2sf) =	vpush v15, $0xF  }
0x256: {  	v20 =	vmov s22;
	s17 =	sadd.s32 s17, s18  }
0x257: {  	vm1 =	vcmask $0x300;
	v11 =	vmov s17;
	vm0 =	veq.f32 v18, v13;
	s17 =	sadd.s32 s29, s21  }
0x258: {  	s30 =	simm.s32 $0x1;
	v12 =	vimm.s32 $0x0;
	[tilespmem:$0x400] =	vst v16;
	v11 =	vnsel vm1, $0x0, v11;
	v19 =	vnsel vm0, $0xFFFFFFFF, v3;
	s21 =	sadd.s32 $0x80000000, s17  }
0x259: {  	p0 =	por $0x0, $0x0;
	s18 =	simm.s32 $0x2;
	[tilespmem:$0x410] =	vst v18;
	vm1 =	veq.f32 v16, v13;
	vm15 =	veq.f32 v14, v13;
	vm0 =	vgt.s32 v19, v2;
	s31 =	sshra.s32 s21, $0x2  }
0x25a: {  	[tilespmem:$0x430] =	vst v14;
	v14 =	vmov s30;
	s17 =	simm.f32 $0.0e+00;
	s21 =	sand.u32 $0x7F, s21;
	v15 =	vsel vm0, v19, v2;
	vm0 =	veq.f32 v17, v13;
	s22 =	sand.u32 $0xFFFFFFE0, s31  }
0x25b: {  	[tilespmem:$0x420] =	vst v17;
	s17 =	smov.u32 @p0 s19;
	s19 =	simm.s32 $0x3;
	v15 =	vsel vm1, v15, v19;
	v16 =	vnsel vm0, $0xFFFFFFFF, v4;
	s21 =	sadd.s32 s21, s22;
	vm0 =	veq.s32 v20, v2  }
.LBB2_17:
0x25c: {  	p0 =	sne.s32 s19, $0x1F;
	vm1 =	vgt.s32 v15, v16;
	vm2 =	veq.s32 v14, v2;
	v12 =	vsel vm0, s21, v12;
	s20 =	smov.u32 s19;
	s19 =	sadd.s32 $0x1, s19  }
0x25d: {  	v14 =	vsel vm1, v15, v16;
	v15 =	vnsel vm15, $0xFFFFFFFF, v5;
	v11 =	vsel vm2, s21, v11  }
0x25e: {  	vm0 =	vgt.s32 v14, v15  }
0x25f: {  	v14 =	vsel vm0, v14, v15  }
0x260: {  	v14 =	vxor.u32 $0x80000000, v14  }
0x261: {  	(xrf0) =	vmax.scan.msk.u32 $0xffff, v14;
	_ =	sdelay $0x2  }
0x262: {  	p1 =	seq.s32 s18, $0x18;
	s21 =	spop (v2sf)  }
0x263: {  	s17 =	smov.u32 @p1 s21;
	_ =	sdelay $0x1  }
0x264: {  	v14, _, _ =	vpop (xrf0)  }
0x265: {  	(v2sf) =	vpush v14, $0xF;
	_ =	sdelay $0xe  }
0x266: {  	s21 =	spop (v2sf)  }
0x267: {  	s22 =	sxor.u32 $0x80000000, s21;
	s21 =	sshll.u32 s21, $0x4  }
0x268: {  	v14 =	vld [tilespmem:s21+$0x0];
	v15 =	vmov s22;
	_ =	sdelay $0x4  }
0x269: {  	vm0 =	veq.f32 v14, v13  }
0x26a: {  	v13 =	vnsel vm0, $0x7FFFFFFF, v6;
	v14 =	vsel vm0, $0xBF800000, v14  }
0x26b: {  	[tilespmem:s21+$0x0] =	vst v14;
	(xrf0) =	vmax.scan.msk.u32 $0xffff, v13  }
0x26c: {  	(xrf0) =	vmax.scan.msk.f32 $0xffff, v14;
	_ =	sdelay $0x1  }
0x26d: {  	v13 =	vld [tilespmem:$0x420]  }
0x26e: {  	v14 =	vld [tilespmem:$0x410]  }
0x26f: {  	v16 =	vld [tilespmem:$0x400]  }
0x270: {  	v17 =	vld [tilespmem:$0x430];
	v18, _, _ =	vpop (xrf0)  }
0x271: {  	(v2sf) =	vpush v18, $0xF;
	v18, _, _ =	vpop (xrf0)  }
0x272: {  	vm0 =	veq.s32 v15, v5;
	v18 =	vbroadcast v18, $0xF  }
0x273: {  	vm1 =	veq.s32 v15, v2;
	vm2 =	veq.s32 v15, v3;
	vm15 =	veq.s32 v15, v4  }
0x274: {  	v15 =	vsel vm1, v18, v16;
	v14 =	vsel vm2, v18, v14;
	v16 =	vsel vm15, v18, v13  }
0x275: {  	v13 =	vmax.f32 v15, v14;
	[tilespmem:$0x400] =	vst v15;
	v17 =	vsel vm0, v18, v17  }
0x276: {  	v13 =	vmax.f32 v13, v16;
	[tilespmem:$0x430] =	vst v17  }
0x277: {  	v13 =	vmax.f32 v13, v17;
	[tilespmem:$0x410] =	vst v14  }
0x278: {  	(xrf0) =	vmax.scan.msk.f32 $0xffff, v13;
	[tilespmem:$0x420] =	vst v16;
	_ =	sdelay $0x5  }
0x279: {  	v18, _, _ =	vpop (xrf0)  }
0x27a: {  	v13 =	vbroadcast v18, $0xF;
	(v2sf) =	vpush v18, $0xF  }
0x27b: {  	s22 =	spop (v2sf)  }
.Ltmp12:
0x27c: {  	vm0 =	veq.f32 v14, v13;
	vm1 =	veq.f32 v16, v13;
	vm15 =	veq.f32 v17, v13;
	s21 =	sadd.s32 s22, s21;
	(pc) =	sbr.rel @p0 .LBB2_17-.Ltmp12, $4  }
0x27d: {  	v16 =	vnsel vm0, $0xFFFFFFFF, v3;
	s21 =	sadd.s32 $0x80000000, s21  }
0x27e: {  	s23 =	sadd.s32 $0xFFFFFFF0, s18;
	v14 =	vmov s18;
	s18 =	smov.u32 s20;
	vm0 =	vgt.s32 v16, v2;
	s22 =	sshra.s32 s21, $0x2  }
0x27f: {  	vm2 =	veq.f32 v15, v13;
	v17 =	vmov s23;
	s21 =	sand.u32 $0x7F, s21;
	v15 =	vsel vm0, v16, v2;
	s20 =	sand.u32 $0xFFFFFFE0, s22  }
0x280: {  	vm0 =	veq.s32 v17, v2;
	v15 =	vsel vm2, v15, v16;
	v16 =	vnsel vm1, $0xFFFFFFFF, v4;
	s21 =	sadd.s32 s21, s20  }
0x281: {  	vm1 =	vgt.s32 v15, v16  }
0x282: {  	v62 =	vnsel vm15, $0xFFFFFFFF, v5;
	v15 =	vsel vm1, v15, v16  }
0x283: {  	vm1 =	vgt.s32 v15, v62  }
0x284: {  	v15 =	vsel vm1, v15, v62  }
0x285: {  	v15 =	vxor.u32 $0x80000000, v15  }
0x286: {  	(xrf0) =	vmax.scan.msk.u32 $0xffff, v15;
	_ =	sdelay $0x5  }
0x287: {  	v15, _, _ =	vpop (xrf0)  }
0x288: {  	(v2sf) =	vpush v15, $0xF;
	_ =	sdelay $0xd  }
0x289: {  	s19 =	spop (v2sf)  }
0x28a: {  	s19 =	spop (v2sf)  }
0x28b: {  	s20 =	sshll.u32 s19, $0x4  }
0x28c: {  	v15 =	vld [tilespmem:s20+$0x0];
	_ =	sdelay $0x4  }
0x28d: {  	vm1 =	veq.f32 v15, v13  }
0x28e: {  	v13 =	vnsel vm1, $0x7FFFFFFF, v6  }
0x28f: {  	(xrf0) =	vmax.scan.msk.u32 $0xffff, v13;
	_ =	sdelay $0x5  }
0x290: {  	v13, _, _ =	vpop (xrf0)  }
0x291: {  	(v2sf) =	vpush v13, $0xF;
	_ =	sdelay $0x7  }
0x292: {  	v13 =	vsel vm1, $0xBF800000, v15  }
0x293: {  	(xrf0) =	vmax.scan.msk.f32 $0xffff, v13;
	_ =	sdelay $0x2  }
0x294: {  	[tilespmem:s20+$0x0] =	vst v13  }
0x295: {  	v13 =	vld [tilespmem:$0x400]  }
0x296: {  	v15 =	vld [tilespmem:$0x430]  }
0x297: {  	s19 =	sxor.u32 $0x80000000, s19;
	v63 =	vld [tilespmem:$0x410];
	v17, _, _ =	vpop (xrf0);
	s22 =	spop (v2sf)  }
0x298: {  	v18 =	vmov s19;
	vm1 =	veq.s32 v14, v2;
	v14 =	vld [tilespmem:$0x420];
	v17 =	vbroadcast v17, $0xF;
	s29 =	sadd.s32 s22, s20  }
0x299: {  	v12 =	vsel vm0, s21, v12;
	vm0 =	veq.s32 v18, v2;
	vm2 =	veq.s32 v18, v3;
	s19 =	sadd.s32 $0x80000000, s29  }
0x29a: {  	v11 =	vsel vm1, s21, v11;
	vm1 =	veq.s32 v18, v5;
	v13 =	vsel vm0, v17, v13;
	s30 =	sshra.s32 s19, $0x2  }
0x29b: {  	s31 =	sadd.s32 $0xFFFFFFF0, s18;
	vm0 =	veq.s32 v18, v4;
	[tilespmem:$0x400] =	vst v13;
	v13 =	vsel vm1, v17, v15;
	v15 =	vmov s18;
	s19 =	sand.u32 $0x7F, s19;
	s20 =	sand.u32 $0xFFFFFFE0, s30  }
0x29c: {  	v16 =	vsel vm2, v17, v63;
	[tilespmem:$0x430] =	vst v13;
	v13 =	vmov s31;
	vm1 =	veq.s32 v15, v2;
	s21 =	sadd.s32 s19, s20  }
0x29d: {  	v14 =	vsel vm0, v17, v14;
	[tilespmem:$0x410] =	vst v16;
	vm0 =	veq.s32 v13, v2;
	v11 =	vsel vm1, s21, v11  }
0x29e: {  	[tilespmem:$0x420] =	vst v14;
	v12 =	vsel vm0, s21, v12;
	v11 =	vadd.s32 v1, v11  }
0x29f: {  	[tilespmem:$0x480] =	vst v11;
	v11 =	vadd.s32 v1, v12  }
0x2a0: {  	[tilespmem:$0x490] =	vst v11  }
0x2a1: {  	[tilespmem:s12], [sflag:$0x1] =	stream.indirect.gather [hbm4b:s2+s10], $0x80, s11, s10, $0xb8;
	[tilespmem:$0x2680] =	vst v63  }
0x2a2: {  	_ =	swait.ge [sflag:s13], $0x1000  }
0x2a3: {  	[sflag:s13] =	ssyncset.done $0x0  }
0x2a4: {  	s22 =	simm.s32 $0x0;
	[sflag:s13] =	ssyncadd.s32 $0xFFFFF000  }
0x2a5: {  	v12 =	vld [tilespmem:s22+$0x500];
	_ =	sdelay $0x3  }
0x2a6: {  	v11 =	vmov s17  }
0x2a7: {  	s23 =	simm.s32 $0x0;
	vm0 =	vge.f32 v12, v11  }
0x2a8: {  	[tilespmem:s23+$0x1500] =	vst.msk vm0, v12;
	v12 =	vmpcnt.ones.xlane vm0  }
0x2a9: {  	v13 =	vld [tilespmem:s22+$0x510]  }
0x2aa: {  	(v2sf) =	vpush v12, $0x0;
	_ =	sdelay $0x3  }
0x2ab: {  	vm0 =	vge.f32 v13, v11  }
0x2ac: {  	v12 =	vmpcnt.ones.xlane vm0;
	_ =	sdelay $0x1  }
0x2ad: {  	(v2sf) =	vpush v12, $0x0;
	_ =	sdelay $0x7  }
0x2ae: {  	s24 =	spop (v2sf)  }
0x2af: {  	s17 =	sadd.s32 $0x0, s24  }
0x2b0: {  	[tilespmem:s17+$0x1500] =	vst.msk vm0, v13  }
0x2b1: {  	v12 =	vld [tilespmem:s22+$0x520];
	_ =	sdelay $0x3  }
0x2b2: {  	s25 =	spop (v2sf)  }
0x2b3: {  	s17 =	sadd.s32 s17, s25;
	vm0 =	vge.f32 v12, v11  }
0x2b4: {  	[tilespmem:s17+$0x1500] =	vst.msk vm0, v12;
	v12 =	vmpcnt.ones.xlane vm0  }
0x2b5: {  	v13 =	vld [tilespmem:s22+$0x530]  }
0x2b6: {  	(v2sf) =	vpush v12, $0x0;
	_ =	sdelay $0x3  }
0x2b7: {  	vm0 =	vge.f32 v13, v11  }
0x2b8: {  	v12 =	vmpcnt.ones.xlane vm0;
	_ =	sdelay $0x1  }
0x2b9: {  	(v2sf) =	vpush v12, $0x0;
	_ =	sdelay $0x7  }
0x2ba: {  	s26 =	spop (v2sf)  }
0x2bb: {  	s17 =	sadd.s32 s17, s26  }
0x2bc: {  	[tilespmem:s17+$0x1500] =	vst.msk vm0, v13  }
0x2bd: {  	v12 =	vld [tilespmem:s22+$0x540];
	_ =	sdelay $0x3  }
0x2be: {  	s28 =	spop (v2sf)  }
0x2bf: {  	s17 =	sadd.s32 s17, s28;
	vm0 =	vge.f32 v12, v11  }
0x2c0: {  	[tilespmem:s17+$0x1500] =	vst.msk vm0, v12;
	v12 =	vmpcnt.ones.xlane vm0  }
0x2c1: {  	v13 =	vld [tilespmem:s22+$0x550]  }
0x2c2: {  	(v2sf) =	vpush v12, $0x0;
	_ =	sdelay $0x3  }
0x2c3: {  	vm0 =	vge.f32 v13, v11  }
0x2c4: {  	v12 =	vmpcnt.ones.xlane vm0;
	_ =	sdelay $0x1  }
0x2c5: {  	(v2sf) =	vpush v12, $0x0;
	_ =	sdelay $0x7  }
0x2c6: {  	s29 =	spop (v2sf)  }
0x2c7: {  	s17 =	sadd.s32 s17, s29  }
0x2c8: {  	[tilespmem:s17+$0x1500] =	vst.msk vm0, v13  }
0x2c9: {  	v12 =	vld [tilespmem:s22+$0x560];
	_ =	sdelay $0x3  }
0x2ca: {  	s30 =	spop (v2sf)  }
0x2cb: {  	s17 =	sadd.s32 s17, s30;
	vm0 =	vge.f32 v12, v11  }
0x2cc: {  	[tilespmem:s17+$0x1500] =	vst.msk vm0, v12  }
0x2cd: {  	v13 =	vmpcnt.ones.xlane vm0;
	v12 =	vld [tilespmem:s22+$0x570];
	_ =	sdelay $0x1  }
0x2ce: {  	(v2sf) =	vpush v13, $0x0;
	_ =	sdelay $0x2  }
0x2cf: {  	vm0 =	vge.f32 v12, v11  }
0x2d0: {  	v13 =	vmpcnt.ones.xlane vm0;
	_ =	sdelay $0x1  }
0x2d1: {  	(v2sf) =	vpush v13, $0x0;
	_ =	sdelay $0x8  }
0x2d2: {  	s31 =	spop (v2sf)  }
0x2d3: {  	s20 =	sadd.s32 s17, s31  }
0x2d4: {  	s17 =	simm.s32 $0x80;
	[tilespmem:s20+$0x1500] =	vst.msk vm0, v12  }
0x2d5: {  	v12 =	vld [tilespmem:s17+$0x500];
	_ =	sdelay $0x2  }
0x2d6: {  	s18 =	simm.s32 $0x400;
	s19 =	spop (v2sf)  }
.LBB2_19:
0x2d7: {  	p0 =	sne.s32 s18, $0x3000  }
0x2d8: {  	vm0 =	vge.f32 v12, v11;
	s20 =	sadd.s32 s20, s19;
	s19 =	smov.u32 s18;
	s18 =	sadd.s32 $0x200, s18  }
0x2d9: {  	[tilespmem:s20+$0x1500] =	vst.msk vm0, v12;
	v12 =	vmpcnt.ones.xlane vm0  }
0x2da: {  	v13 =	vld [tilespmem:s17+$0x510]  }
0x2db: {  	(v2sf) =	vpush v12, $0x0;
	_ =	sdelay $0x3  }
0x2dc: {  	vm0 =	vge.f32 v13, v11  }
0x2dd: {  	v12 =	vmpcnt.ones.xlane vm0;
	_ =	sdelay $0x1  }
0x2de: {  	(v2sf) =	vpush v12, $0x0;
	_ =	sdelay $0x7  }
0x2df: {  	s21 =	spop (v2sf)  }
0x2e0: {  	s20 =	sadd.s32 s20, s21  }
0x2e1: {  	[tilespmem:s20+$0x1500] =	vst.msk vm0, v13  }
0x2e2: {  	v12 =	vld [tilespmem:s17+$0x520];
	_ =	sdelay $0x3  }
0x2e3: {  	s21 =	spop (v2sf)  }
0x2e4: {  	s20 =	sadd.s32 s20, s21;
	vm0 =	vge.f32 v12, v11  }
0x2e5: {  	[tilespmem:s20+$0x1500] =	vst.msk vm0, v12;
	v12 =	vmpcnt.ones.xlane vm0  }
0x2e6: {  	v13 =	vld [tilespmem:s17+$0x530]  }
0x2e7: {  	(v2sf) =	vpush v12, $0x0;
	_ =	sdelay $0x3  }
0x2e8: {  	vm0 =	vge.f32 v13, v11  }
0x2e9: {  	v12 =	vmpcnt.ones.xlane vm0;
	_ =	sdelay $0x1  }
0x2ea: {  	(v2sf) =	vpush v12, $0x0;
	_ =	sdelay $0x7  }
0x2eb: {  	s21 =	spop (v2sf)  }
0x2ec: {  	s20 =	sadd.s32 s20, s21  }
0x2ed: {  	[tilespmem:s20+$0x1500] =	vst.msk vm0, v13  }
0x2ee: {  	v12 =	vld [tilespmem:s17+$0x540];
	_ =	sdelay $0x3  }
0x2ef: {  	s21 =	spop (v2sf)  }
0x2f0: {  	s20 =	sadd.s32 s20, s21;
	vm0 =	vge.f32 v12, v11  }
0x2f1: {  	[tilespmem:s20+$0x1500] =	vst.msk vm0, v12;
	v12 =	vmpcnt.ones.xlane vm0  }
0x2f2: {  	v13 =	vld [tilespmem:s17+$0x550]  }
0x2f3: {  	(v2sf) =	vpush v12, $0x0;
	_ =	sdelay $0x3  }
0x2f4: {  	vm0 =	vge.f32 v13, v11  }
0x2f5: {  	v12 =	vmpcnt.ones.xlane vm0;
	_ =	sdelay $0x1  }
0x2f6: {  	(v2sf) =	vpush v12, $0x0;
	_ =	sdelay $0x7  }
0x2f7: {  	s21 =	spop (v2sf)  }
0x2f8: {  	s20 =	sadd.s32 s20, s21  }
0x2f9: {  	[tilespmem:s20+$0x1500] =	vst.msk vm0, v13  }
0x2fa: {  	v12 =	vld [tilespmem:s17+$0x560];
	_ =	sdelay $0x3  }
0x2fb: {  	s21 =	spop (v2sf)  }
0x2fc: {  	s20 =	sadd.s32 s20, s21;
	vm0 =	vge.f32 v12, v11  }
0x2fd: {  	[tilespmem:s20+$0x1500] =	vst.msk vm0, v12;
	v12 =	vmpcnt.ones.xlane vm0  }
0x2fe: {  	v13 =	vld [tilespmem:s17+$0x570]  }
0x2ff: {  	(v2sf) =	vpush v12, $0x0;
	_ =	sdelay $0x3  }
0x300: {  	vm0 =	vge.f32 v13, v11  }
0x301: {  	v12 =	vmpcnt.ones.xlane vm0;
	_ =	sdelay $0x1  }
0x302: {  	(v2sf) =	vpush v12, $0x0;
	_ =	sdelay $0x7  }
0x303: {  	s17 =	spop (v2sf)  }
0x304: {  	s20 =	sadd.s32 s20, s17  }
0x305: {  	s17 =	sshra.s32 s19, $0x2;
	[tilespmem:s20+$0x1500] =	vst.msk vm0, v13  }
.Ltmp13:
0x306: {  	v12 =	vld [tilespmem:s17+$0x500];
	(pc) =	sbr.rel @p0 .LBB2_19-.Ltmp13, $2  }
0x307: {  	_ =	sdelay $0x2  }
0x308: {  	s19 =	spop (v2sf)  }
0x309: {  	vm0 =	vge.f32 v12, v11;
	s18 =	sadd.s32 s20, s19  }
0x30a: {  	[tilespmem:s18+$0x1500] =	vst.msk vm0, v12;
	v54 =	vmpcnt.ones.xlane vm0  }
0x30b: {  	v13 =	vld [tilespmem:s17+$0x510]  }
0x30c: {  	(v2sf) =	vpush v54, $0x0;
	_ =	sdelay $0x3  }
0x30d: {  	vm0 =	vge.f32 v13, v11  }
0x30e: {  	v55 =	vmpcnt.ones.xlane vm0;
	_ =	sdelay $0x1  }
0x30f: {  	(v2sf) =	vpush v55, $0x0;
	_ =	sdelay $0x7  }
0x310: {  	s22 =	spop (v2sf)  }
0x311: {  	s18 =	sadd.s32 s18, s22  }
0x312: {  	[tilespmem:s18+$0x1500] =	vst.msk vm0, v13  }
0x313: {  	v56 =	vld [tilespmem:s17+$0x520];
	_ =	sdelay $0x3  }
0x314: {  	s23 =	spop (v2sf)  }
0x315: {  	s18 =	sadd.s32 s18, s23;
	vm0 =	vge.f32 v56, v11  }
0x316: {  	[tilespmem:s18+$0x1500] =	vst.msk vm0, v56;
	v57 =	vmpcnt.ones.xlane vm0  }
0x317: {  	v13 =	vld [tilespmem:s17+$0x530]  }
0x318: {  	(v2sf) =	vpush v57, $0x0;
	_ =	sdelay $0x3  }
0x319: {  	vm0 =	vge.f32 v13, v11  }
0x31a: {  	v58 =	vmpcnt.ones.xlane vm0;
	_ =	sdelay $0x1  }
0x31b: {  	(v2sf) =	vpush v58, $0x0;
	_ =	sdelay $0x7  }
0x31c: {  	s24 =	spop (v2sf)  }
0x31d: {  	s18 =	sadd.s32 s18, s24  }
0x31e: {  	[tilespmem:s18+$0x1500] =	vst.msk vm0, v13  }
0x31f: {  	v59 =	vld [tilespmem:s17+$0x540];
	_ =	sdelay $0x3  }
0x320: {  	s25 =	spop (v2sf)  }
0x321: {  	s18 =	sadd.s32 s18, s25;
	vm0 =	vge.f32 v59, v11  }
0x322: {  	[tilespmem:s18+$0x1500] =	vst.msk vm0, v59;
	v60 =	vmpcnt.ones.xlane vm0  }
0x323: {  	v13 =	vld [tilespmem:s17+$0x550]  }
0x324: {  	(v2sf) =	vpush v60, $0x0;
	_ =	sdelay $0x3  }
0x325: {  	vm0 =	vge.f32 v13, v11  }
0x326: {  	v61 =	vmpcnt.ones.xlane vm0;
	_ =	sdelay $0x1  }
0x327: {  	(v2sf) =	vpush v61, $0x0;
	_ =	sdelay $0x7  }
0x328: {  	s26 =	spop (v2sf)  }
0x329: {  	s18 =	sadd.s32 s18, s26  }
0x32a: {  	[tilespmem:s18+$0x1500] =	vst.msk vm0, v13  }
0x32b: {  	v62 =	vld [tilespmem:s17+$0x560];
	_ =	sdelay $0x3  }
0x32c: {  	s28 =	spop (v2sf)  }
0x32d: {  	s18 =	sadd.s32 s18, s28;
	vm0 =	vge.f32 v62, v11  }
0x32e: {  	[tilespmem:s18+$0x1500] =	vst.msk vm0, v62  }
0x32f: {  	v12 =	vld [tilespmem:s17+$0x570];
	_ =	sdelay $0x4  }
0x330: {  	v63 =	vmpcnt.ones.xlane vm0;
	vm0 =	vge.f32 v12, v11  }
0x331: {  	v11 =	vmpcnt.ones.xlane vm0  }
0x332: {  	(v2sf) =	vpush v63, $0x0  }
0x333: {  	(v2sf) =	vpush v11, $0x0;
	_ =	sdelay $0x3  }
0x334: {  	v11 =	vld [tilespmem:$0x1FFD0];
	_ =	sdelay $0x4  }
0x335: {  	vm1 =	vnez.u8 v11;
	v11 =	vld [tilespmem:$0x1FFE0];
	_ =	sdelay $0x4  }
0x336: {  	s29 =	spop (v2sf);
	vm2 =	vnez.u8 v11;
	v11 =	vld [tilespmem:$0x1FFF0]  }
.Ltmp14:
0x337: {  	s17 =	sadd.s32 s18, s29;
	s30 =	spop (v2sf);
	(pc) =	sbr.rel .LBB2_21-.Ltmp14, $4  }
0x338: {  	s18 =	sadd.s32 s17, s30  }
0x339: {  	s31 =	sadd.s32 $0xF, s18  }
0x33a: {  	[tilespmem:s17+$0x1500] =	vst.msk vm0, v12;
	s17 =	sshra.s32 s31, $0x4  }
0x33b: {  	vm15 =	vnez.u8 v11;
	[tilespmem:s18+$0x1500] =	vst v7;
	s18 =	simm.s32 $0x0;
	p0 =	slt.s32 s17, $0x1  }
.LBB2_22:
0x33c: {  	v11 =	vimm.f32 $-1.000000000e+00  }
.LBB2_26:
0x33d: {  	(xrf0) =	vmax.scan.msk.f32 $0xffff, v11;
	_ =	sdelay $0x5  }
0x33e: {  	v11, _, _ =	vpop (xrf0)  }
0x33f: {  	(v2sf) =	vpush v11, $0xF;
	_ =	sdelay $0x8  }
0x340: {  	s18 =	sadd.s32 $0x1, s18  }
0x341: {  	p1 =	sne.s32 s18, $0x18  }
.Ltmp15:
0x342: {  	_ = 	snop;
	(pc) =	sbr.rel @!p1 .LBB2_27-.Ltmp15, $2  }
0x343: {  	_ =	sdelay $0x2  }
0x344: {  	s16 =	spop (v2sf)  }
.LBB2_21:
.Ltmp16:
0x345: {  	(pc) =	sbr.rel @p0 .LBB2_22-.Ltmp16, $1  }
0x346: {  	_ =	sdelay $0x3  }
0x347: {  	s19 =	simm.s32 $0x1500  }
0x348: {  	p1 =	sne.s32 s17, $0x1;
	v11 =	vld [tilespmem:s19+$0x0]  }
.Ltmp17:
0x349: {  	_ = 	snop;
	(pc) =	sbr.rel @!p1 .LBB2_25-.Ltmp17, $3  }
0x34a: {  	_ =	sdelay $0x1  }
0x34b: {  	v13 =	vmov s16  }
0x34c: {  	v12 =	vimm.f32 $-1.000000000e+00;
	s16 =	sadd.s32 $0xFFFFFFFF, s17;
	s19 =	simm.s32 $0x1510;
	vm0 =	vlt.f32 v11, v13  }
.LBB2_24:
0x34d: {  	p1 =	sne.s32 s16, $0x1;
	s16 =	sadd.s32 $0xFFFFFFFF, s16;
	v14 =	vnsel vm0, $0xBF800000, v11;
	v11 =	vld [tilespmem:s19+$0x0]  }
.Ltmp18:
0x34e: {  	v12 =	vmax.f32 v12, v14;
	(pc) =	sbr.rel @p1 .LBB2_24-.Ltmp18, $2  }
0x34f: {  	_ =	sdelay $0x2  }
0x350: {  	s19 =	sadd.s32 $0x10, s19;
	vm0 =	vlt.f32 v11, v13  }
.LBB2_25:
.Ltmp19:
0x351: {  	(pc) =	sbr.rel .LBB2_26-.Ltmp19, $3  }
0x352: {  	_ =	sdelay $0x1  }
0x353: {  	v11 =	vnsel vm0, $0xBF800000, v11  }
0x354: {  	v11 =	vmax.f32 v12, v11  }
.LBB2_28:
0x355: {  	_ =	sfence.sel $0x180000  }
0x356: {  	[bflag:$0x0] =	sbarrier.arrive $0xFFFF  }
0x357: {  	p0 =	sne.s32 s0, $0x0;
	_ =	strace $0x90000047  }
0x358: {  	s0 =	sadd.s32 @!p0 $0x100000, s1;
	[bflag:$0x2] =	sbarrier.arrive $0xFFFF  }
0x359: {  	[sflag:s0] =	ssyncadd.tile.s32 @!p0 $0x1;
	_ =	shalt  }
.Lfunc_end2:
_tile_overlayer_lowered:
.L_overlay_start_2:
0x35a: {  	(tag) =	ssettag $0x2  }
0x35b: {  	s0 =	rddreg [dreg:$0x0];
	s2 =	stileid.u32  }
0x35c: {  	s1 =	rddreg [dreg:$0x1];
	p0 =	sne.s32 s2, $0x0  }
0x35d: {  	s3 =	rddreg [dreg:$0x2];
	[bflag:$0x3] =	sbarrier.arrive $0xFFFF;
	s2 =	simm.s32 @!p0 $0x1C02  }
0x35e: {  	[timem:s3], [sflag:s2] =	dma.local @!p0 [hbm:s0], s1  }
0x35f: {  	s0 =	simm.s32 @!p0 $0x2  }
0x360: {  	_ =	swait.ge @!p0 [sflag:s0], s1  }
0x361: {  	s1 =	ssub.s32 @!p0 $0x0, s1;
	[sflag:s0] =	ssyncset.done @!p0 $0x0  }
0x362: {  	[sflag:s0] =	ssyncadd.s32 @!p0 s1  }
0x363: {  	[bflag:$0x3] =	sbarrier.arrive $0xFFFF  }
0x364: {  	_ =	shalt  }

</sc_bundles>
